<compile_context>
chip_gen: v7x
topology: tpu7x:2x2x1
jax: 0.10.2.dev20260603
libtpu: 0.0.44.dev20260713+nightly
codegen_flags: <defaults>
</compile_context>

<pallas_src>
import functools
import math

import jax
import jax.numpy as jnp
from jax import lax
from jax.experimental import pallas as pl
from jax.experimental.pallas import tpu as pltpu
from jax.experimental.pallas import tpu_sc as plsc

N = 10000
E = 320000
D = 128
H = 8
DK = 16

NC = 2
NS = 16
NW = NC * NS
C = 32
NP = 10240
DR = NP // 16
NT = NP + DR
EPW = 10112
EP = NW * EPW
NCHUNKS = EPW // C
RPT = NT // NS
FB = 1024

DU = 4
MU = 4
HU = 1


def _proj_body(x_ref, w_ref, b_ref, q_ref, kv_ref):
    res = jnp.dot(x_ref[...], w_ref[...], preferred_element_type=jnp.float32)
    res = res + b_ref[...]
    q_ref[...] = res[:, :D]
    kv_ref[...] = res[:, D:]


def _proj(xp, w_all, b_all):
    return pl.pallas_call(
        _proj_body,
        grid=(NP // FB,),
        in_specs=[
            pl.BlockSpec((FB, D), lambda i: (i, 0)),
            pl.BlockSpec((D, 3 * D), lambda i: (0, 0)),
            pl.BlockSpec((1, 3 * D), lambda i: (0, 0)),
        ],
        out_specs=[
            pl.BlockSpec((FB, D), lambda i: (i, 0)),
            pl.BlockSpec((FB, 2 * D), lambda i: (i, 0)),
        ],
        out_shape=[
            jax.ShapeDtypeStruct((NP, D), jnp.float32),
            jax.ShapeDtypeStruct((NP, 2 * D), jnp.float32),
        ],
    )(xp, w_all, b_all)


def _sc_edge_pass(q, kv, src, dst):
    mesh = plsc.VectorSubcoreMesh(core_axis_name="c", subcore_axis_name="s")

    @functools.partial(
        pl.kernel,
        out_type=jax.ShapeDtypeStruct((NC * NT, D), jnp.float32),
        mesh=mesh,
        compiler_params=pltpu.CompilerParams(needs_layout_passes=False),
        scratch_types=[
            pltpu.VMEM((C,), jnp.int32),
            pltpu.VMEM((C,), jnp.int32),
            pltpu.VMEM((C,), jnp.int32),
            pltpu.VMEM((C,), jnp.int32),
            pltpu.VMEM((C,), jnp.int32),
            pltpu.VMEM((C,), jnp.int32),
            pltpu.VMEM((C,), jnp.int32),
            pltpu.VMEM((C,), jnp.int32),
            pltpu.VMEM((2 * C,), jnp.int32),
            pltpu.VMEM((2 * C,), jnp.int32),
            pltpu.VMEM((C, D), jnp.float32),
            pltpu.VMEM((C, D), jnp.float32),
            pltpu.VMEM((C, 2 * D), jnp.float32),
            pltpu.VMEM((C, 2 * D), jnp.float32),
            pltpu.VMEM((2 * C, D), jnp.float32),
            pltpu.VMEM((2 * C, D), jnp.float32),
            pltpu.VMEM_SHARED((NT, D), jnp.float32),
        ] + [pltpu.SemaphoreType.DMA] * 10,
    )
    def edge_kernel(q_hbm, kv_hbm, src_hbm, dst_hbm, out_hbm,
                    si0, si1, si2, si3, di0, di1, di2, di3, d2a, d2b,
                    qra, qrb, kva, kvb, msa, msb, ush,
                    sq0, sq1, skv0, skv1, ssc0, ssc1, sx0, sx1, sx2, sx3):
        cid = lax.axis_index("c")
        sid = lax.axis_index("s")
        wid = cid * NS + sid

        sidxs = [si0, si1, si2, si3]
        didxs = [di0, di1, di2, di3]
        didx2s = [d2a, d2b]
        qrows = [qra, qrb]
        kvrows = [kva, kvb]
        msgs = [msa, msb]
        sem_q = [sq0, sq1]
        sem_kv = [skv0, skv1]
        sem_sc = [ssc0, ssc1]
        sem_i = [sx0, sx1, sx2, sx3]

        zero16 = jnp.zeros((16,), jnp.float32)
        lanes = lax.iota(jnp.int32, 16)

        def zrow(r, _):
            for j in range(D // 16):
                msa[r, pl.ds(j * 16, 16)] = zero16
                msb[r, pl.ds(j * 16, 16)] = zero16
            return 0

        lax.fori_loop(0, 2 * C, zrow, 0)

        def zush(z, _):
            pltpu.sync_copy(msa.at[pl.ds(0, 40)],
                            ush.at[pl.ds(sid * RPT + z * 40, 40)])
            return 0

        lax.fori_loop(0, RPT // 40, zush, 0)
        plsc.subcore_barrier()

        ebase = wid * EPW

        def issue_idx(g, s4):
            pltpu.async_copy(src_hbm.at[pl.ds(ebase + g * C, C)],
                             sidxs[s4], sem_i[s4])
            pltpu.async_copy(dst_hbm.at[pl.ds(ebase + g * C, C)],
                             didxs[s4], sem_i[s4])

        def wait_idx(g, s4):
            pltpu.make_async_copy(src_hbm.at[pl.ds(ebase + g * C, C)],
                                  sidxs[s4], sem_i[s4]).wait()
            pltpu.make_async_copy(dst_hbm.at[pl.ds(ebase + g * C, C)],
                                  didxs[s4], sem_i[s4]).wait()

        def issue_gather(s4, s2):
            pltpu.async_copy(q_hbm.at[didxs[s4]], qrows[s2], sem_q[s2])
            pltpu.async_copy(kv_hbm.at[sidxs[s4]], kvrows[s2], sem_kv[s2])

        def compute_chunk(s4, s2):
            d2 = didx2s[s2]
            qr = qrows[s2]
            kvr = kvrows[s2]
            msg = msgs[s2]
            for ib in range(C // 16):
                rows = C + ib * 16 + lanes
                col_old = lax.shift_left(
                    jnp.bitwise_and(d2[pl.ds(ib * 16, 16)], 15), 3)
                for h in range(H):
                    plsc.store_scatter(msg, [rows, col_old + h], zero16)
            for jb in range(C // 16):
                dv = didxs[s4][pl.ds(jb * 16, 16)]
                d2[pl.ds(jb * 16, 16)] = dv
                d2[pl.ds(C + jb * 16, 16)] = (
                    NP + lax.shift_right_logical(dv, 4))

            @plsc.parallel_loop(0, C // 16)
            def edge_blk(ib):
                erow = ib * 16 + lanes
                drow = erow + C
                col_new = lax.shift_left(
                    jnp.bitwise_and(d2[pl.ds(ib * 16, 16)], 15), 3)
                one = jnp.ones((16,), jnp.int32)

                @plsc.parallel_loop(0, H, unroll=HU)
                def head_body(h):
                    colh = jnp.full((16,), h * DK, jnp.int32)
                    fifteen = jnp.full((16,), DK - 1, jnp.int32)

                    def dot_body(j, carry):
                        acc0, acc1, rot = carry
                        c0 = colh + rot
                        qg0 = plsc.load_gather(qr, [erow, c0])
                        kg0 = plsc.load_gather(kvr, [erow, c0])
                        rotn = jnp.bitwise_and(rot + one, fifteen)
                        c1 = colh + rotn
                        qg1 = plsc.load_gather(qr, [erow, c1])
                        kg1 = plsc.load_gather(kvr, [erow, c1])
                        return (acc0 + qg0 * kg0, acc1 + qg1 * kg1,
                                jnp.bitwise_and(rotn + one, fifteen))

                    acc0, acc1, _ = plsc.parallel_loop(
                        0, DK // 2, unroll=DU,
                        carry=(zero16, zero16, lanes))(dot_body)
                    e = jnp.exp(acc0 + acc1)
                    colhd = colh + jnp.full((16,), D, jnp.int32)

                    def msg_body(j, rot):
                        cm = colh + rot
                        vg = plsc.load_gather(kvr, [erow, colhd + rot])
                        plsc.store_scatter(msg, [erow, cm], e * vg)
                        return jnp.bitwise_and(rot + one, fifteen)

                    plsc.parallel_loop(0, DK, unroll=MU,
                                       carry=lanes)(msg_body)
                    plsc.store_scatter(msg, [drow, col_new + h], e)

        for t in range(4):
            issue_idx(t, t)
        for t in range(2):
            wait_idx(t, t)
            issue_gather(t, t)

        def quad_body(gi, _):
            for k in range(4):
                g = gi * 4 + k
                s2 = k % 2
                s4 = k
                pltpu.make_async_copy(
                    q_hbm.at[didxs[s4]], qrows[s2], sem_q[s2]).wait()
                pltpu.make_async_copy(
                    kv_hbm.at[sidxs[s4]], kvrows[s2], sem_kv[s2]).wait()

                @pl.when(g >= 2)
                def _():
                    pltpu.make_async_copy(
                        msgs[s2], ush.at[didx2s[s2]], sem_sc[s2]).wait()

                compute_chunk(s4, s2)
                pltpu.async_copy(
                    msgs[s2], ush.at[didx2s[s2]], sem_sc[s2], add=True)

                @pl.when(g + 2 < NCHUNKS)
                def _():
                    s4n = (k + 2) % 4
                    wait_idx(g + 2, s4n)
                    issue_gather(s4n, s2)

                @pl.when(g + 4 < NCHUNKS)
                def _():
                    issue_idx(g + 4, s4)
            return 0

        lax.fori_loop(0, NCHUNKS // 4, quad_body, 0)

        for t in range(2):
            pltpu.make_async_copy(
                msgs[t], ush.at[didx2s[t]], sem_sc[t]).wait()
        plsc.subcore_barrier()
        pltpu.sync_copy(
            ush.at[pl.ds(sid * RPT, RPT)],
            out_hbm.at[pl.ds(cid * NT + sid * RPT, RPT)],
        )

    return edge_kernel(q, kv, src, dst)


def _finish_body(m0_ref, m1_ref, d0_ref, d1_ref, x_ref, awt_ref, ab_ref,
                 skip_ref, g_ref, b_ref, out_ref):
    m = m0_ref[...] + m1_ref[...]
    deng = d0_ref[...] + d1_ref[...]
    rows = lax.broadcasted_iota(jnp.int32, (FB, FB // 16), 0)
    cols = lax.broadcasted_iota(jnp.int32, (FB, FB // 16), 1)
    rmat = (rows // 16 == cols).astype(jnp.float32)
    rep = jnp.dot(rmat, deng, preferred_element_type=jnp.float32)
    ri = lax.broadcasted_iota(jnp.int32, (FB, D), 0)
    ci = lax.broadcasted_iota(jnp.int32, (FB, D), 1)
    mmat = (ci // 8 == ri % 16).astype(jnp.float32)
    c1 = lax.broadcasted_iota(jnp.int32, (D, D), 0)
    c2 = lax.broadcasted_iota(jnp.int32, (D, D), 1)
    smat = (c1 % 8 == c2 // 16).astype(jnp.float32)
    div = jnp.dot(rep * mmat, smat, preferred_element_type=jnp.float32)
    agg = jnp.where(div > 0.0, m / div, 0.0)
    t = jnp.dot(agg, awt_ref[...], preferred_element_type=jnp.float32)
    t = t + ab_ref[...]
    alpha = 1.0 / (1.0 + jnp.exp(-skip_ref[0, 0]))
    out = t * alpha + x_ref[...] * (1.0 - alpha)
    mu = jnp.mean(out, axis=-1, keepdims=True)
    var = jnp.mean((out - mu) * (out - mu), axis=-1, keepdims=True)
    out_ref[...] = (out - mu) * lax.rsqrt(var + 1e-5) * g_ref[...] + b_ref[...]


def _finish(m0, m1, d0, d1, xp, awt, ab, skip, ln_g, ln_b):
    return pl.pallas_call(
        _finish_body,
        grid=(NP // FB,),
        in_specs=[
            pl.BlockSpec((FB, D), lambda i: (i, 0)),
            pl.BlockSpec((FB, D), lambda i: (i, 0)),
            pl.BlockSpec((FB // 16, D), lambda i: (i, 0)),
            pl.BlockSpec((FB // 16, D), lambda i: (i, 0)),
            pl.BlockSpec((FB, D), lambda i: (i, 0)),
            pl.BlockSpec((D, D), lambda i: (0, 0)),
            pl.BlockSpec((1, D), lambda i: (0, 0)),
            pl.BlockSpec((1, 1), lambda i: (0, 0)),
            pl.BlockSpec((1, D), lambda i: (0, 0)),
            pl.BlockSpec((1, D), lambda i: (0, 0)),
        ],
        out_specs=pl.BlockSpec((FB, D), lambda i: (i, 0)),
        out_shape=jax.ShapeDtypeStruct((NP, D), jnp.float32),
    )(m0, m1, d0, d1, xp, awt, ab, skip, ln_g, ln_b)


def kernel(x, edge_index, kW, kb, qW, qb, vW, vb, aW, ab,
           rel_pri, rel_att, rel_msg, skip, ln_g, ln_b):
    scale = jnp.repeat(rel_pri, DK) * (1.0 / math.sqrt(DK))
    qc = qW.T * scale[None, :]
    qb2 = qb * scale
    kc = jnp.einsum("hjd,hjt->dht", kW.reshape(H, DK, D), rel_att).reshape(D, D)
    kb2 = jnp.einsum("hj,hjt->ht", kb.reshape(H, DK), rel_att).reshape(D)
    vc = jnp.einsum("hjd,hjt->dht", vW.reshape(H, DK, D), rel_msg).reshape(D, D)
    vb2 = jnp.einsum("hj,hjt->ht", vb.reshape(H, DK), rel_msg).reshape(D)
    w_all = jnp.concatenate([qc, kc, vc], axis=1)
    b_all = jnp.concatenate([qb2, kb2, vb2]).reshape(1, 3 * D)

    xp = jnp.pad(x, ((0, NP - N), (0, 0)))
    q, kv = _proj(xp, w_all, b_all)

    pad = EP - E
    src = jnp.concatenate([edge_index[0], jnp.zeros((pad,), jnp.int32)])
    dst = jnp.concatenate(
        [edge_index[1], jnp.full((pad,), NP - 1, jnp.int32)])
    u = _sc_edge_pass(q, kv, src, dst)

    m0, d0 = u[:NP], u[NP:NT]
    m1, d1 = u[NT:NT + NP], u[NT + NP:]
    out = _finish(m0, m1, d0, d1, xp, aW.T, ab.reshape(1, D),
                  skip.reshape(1, 1), ln_g.reshape(1, D), ln_b.reshape(1, D))
    return out[:N]

# --- scband reference (transcript-rebuilt; emitter-appended) ---
"""Pipeline reference for scband-hgtlayer-90683939488426 (READ-ONLY COPY).

The authoritative reference and input builder live on the scoring server;
editing this copy changes nothing except your own understanding.
"""

import jax, jax.numpy as jnp
import numpy as np
import math

N = 10000
E = 320000
D = 128
H = 8
DK = 16

def setup_inputs(seed: int = 0) -> dict:
    key = jax.random.key(seed)
    ks = jax.random.split(key, 16)
    x = jax.random.normal(ks[0], (N, D), dtype=jnp.float32)
    edge_index = jax.random.randint(ks[1], (2, E), 0, N, dtype=jnp.int32)
    lim = 1.0 / math.sqrt(D)
    kW = jax.random.uniform(ks[2], (D, D), minval=-lim, maxval=lim, dtype=jnp.float32)
    kb = jax.random.uniform(ks[3], (D,), minval=-lim, maxval=lim, dtype=jnp.float32)
    qW = jax.random.uniform(ks[4], (D, D), minval=-lim, maxval=lim, dtype=jnp.float32)
    qb = jax.random.uniform(ks[5], (D,), minval=-lim, maxval=lim, dtype=jnp.float32)
    vW = jax.random.uniform(ks[6], (D, D), minval=-lim, maxval=lim, dtype=jnp.float32)
    vb = jax.random.uniform(ks[7], (D,), minval=-lim, maxval=lim, dtype=jnp.float32)
    aW = jax.random.uniform(ks[8], (D, D), minval=-lim, maxval=lim, dtype=jnp.float32)
    ab = jax.random.uniform(ks[9], (D,), minval=-lim, maxval=lim, dtype=jnp.float32)
    xav = math.sqrt(6.0 / (DK + DK))
    rel_pri = jnp.ones((H,), dtype=jnp.float32)
    rel_att = jax.random.uniform(ks[10], (H, DK, DK), minval=-xav, maxval=xav, dtype=jnp.float32)
    rel_msg = jax.random.uniform(ks[11], (H, DK, DK), minval=-xav, maxval=xav, dtype=jnp.float32)
    skip = jnp.ones((1,), dtype=jnp.float32)
    ln_g = jnp.ones((D,), dtype=jnp.float32)
    ln_b = jnp.zeros((D,), dtype=jnp.float32)
    return {"x": x, "edge_index": edge_index, "kW": kW, "kb": kb, "qW": qW, "qb": qb, "vW": vW, "vb": vb, "aW": aW, "ab": ab, "rel_pri": rel_pri, "rel_att": rel_att, "rel_msg": rel_msg, "skip": skip, "ln_g": ln_g, "ln_b": ln_b}

def reference(x, edge_index, kW, kb, qW, qb, vW, vb, aW, ab, rel_pri, rel_att, rel_msg, skip, ln_g, ln_b):
    n = x.shape[0]
    k = (x @ kW.T + kb).reshape(n, H, DK)
    q = (x @ qW.T + qb).reshape(n, H, DK)
    v = (x @ vW.T + vb).reshape(n, H, DK)
    k = jnp.einsum('bij,ijk->bik', k, rel_att)
    v = jnp.einsum('bij,ijk->bik', v, rel_msg)
    src = edge_index[0]
    dst = edge_index[1]
    # v_dot_u('q','k') then sum over d_k
    score = jnp.sum(q[dst] * k[src], axis=-1) * rel_pri / math.sqrt(DK)  # [E, H]
    # edge softmax normalized by dst
    mx = jax.lax.stop_gradient(jax.ops.segment_max(score, dst, num_segments=n))
    ex = jnp.exp(score - mx[dst])
    denom = jax.ops.segment_sum(ex, dst, num_segments=n)
    attn = ex / denom[dst]
    # u_mul_e + sum aggregation
    m = v[src] * attn[:, :, None]
    agg = jax.ops.segment_sum(m, dst, num_segments=n)  # [N, H, DK]
    t = agg.reshape(n, D)
    alpha = jax.nn.sigmoid(skip)  # shape [1]
    trans_out = t @ aW.T + ab  # dropout disabled (eval)
    out = trans_out * alpha + x * (1.0 - alpha)
    mu = jnp.mean(out, axis=-1, keepdims=True)
    var = jnp.var(out, axis=-1, keepdims=True)
    out = (out - mu) / jnp.sqrt(var + 1e-5) * ln_g + ln_b
    return out

if __name__ == "__main__":
    import jax
    _d = setup_inputs()
    print(jax.jit(kernel)(*tuple(_d.values())))

</pallas_src>

<mosaic_0001>
#map = affine_map<(d0, d1) -> (0, 0)>
#map1 = affine_map<(d0, d1) -> (0)>
module attributes {stable_mosaic.version = 14 : i64} {
  func.func @edge_kernel(%arg0: i32, %arg1: i32, %arg2: memref<10240x128xf32, #tpu.memory_space<hbm>>, %arg3: memref<10240x256xf32, #tpu.memory_space<hbm>>, %arg4: memref<323584xi32, #tpu.memory_space<hbm>>, %arg5: memref<323584xi32, #tpu.memory_space<hbm>>, %arg6: memref<21760x128xf32, #tpu.memory_space<hbm>>, %arg7: memref<32xi32, #tpu.memory_space<vmem>>, %arg8: memref<32xi32, #tpu.memory_space<vmem>>, %arg9: memref<32xi32, #tpu.memory_space<vmem>>, %arg10: memref<32xi32, #tpu.memory_space<vmem>>, %arg11: memref<32xi32, #tpu.memory_space<vmem>>, %arg12: memref<32xi32, #tpu.memory_space<vmem>>, %arg13: memref<32xi32, #tpu.memory_space<vmem>>, %arg14: memref<32xi32, #tpu.memory_space<vmem>>, %arg15: memref<64xi32, #tpu.memory_space<vmem>>, %arg16: memref<64xi32, #tpu.memory_space<vmem>>, %arg17: memref<32x128xf32, #tpu.memory_space<vmem>>, %arg18: memref<32x128xf32, #tpu.memory_space<vmem>>, %arg19: memref<32x256xf32, #tpu.memory_space<vmem>>, %arg20: memref<32x256xf32, #tpu.memory_space<vmem>>, %arg21: memref<64x128xf32, #tpu.memory_space<vmem>>, %arg22: memref<64x128xf32, #tpu.memory_space<vmem>>, %arg23: memref<10880x128xf32, #tpu.memory_space<vmem_shared>>, %arg24: memref<!tpu.dma_semaphore, #tpu.memory_space<semaphore_mem>>, %arg25: memref<!tpu.dma_semaphore, #tpu.memory_space<semaphore_mem>>, %arg26: memref<!tpu.dma_semaphore, #tpu.memory_space<semaphore_mem>>, %arg27: memref<!tpu.dma_semaphore, #tpu.memory_space<semaphore_mem>>, %arg28: memref<!tpu.dma_semaphore, #tpu.memory_space<semaphore_mem>>, %arg29: memref<!tpu.dma_semaphore, #tpu.memory_space<semaphore_mem>>, %arg30: memref<!tpu.dma_semaphore, #tpu.memory_space<semaphore_mem>>, %arg31: memref<!tpu.dma_semaphore, #tpu.memory_space<semaphore_mem>>, %arg32: memref<!tpu.dma_semaphore, #tpu.memory_space<semaphore_mem>>, %arg33: memref<!tpu.dma_semaphore, #tpu.memory_space<semaphore_mem>>) attributes {dimension_semantics = [#tpu.dimension_semantics<core_parallel>, #tpu.dimension_semantics<subcore_parallel>], iteration_bounds = array<i64: 2, 16>, scalar_prefetch = 0 : i64, scratch_operands = 27 : i64, tpu.core_type = #tpu.core_type<sc_vector_subcore>, window_params = [{transform_indices = #map}, {transform_indices = #map}, {transform_indices = #map1}, {transform_indices = #map1}, {transform_indices = #map}]} {
    %mul3A = arith.constant 16 : i32
    %mul3A_0 = arith.muli %arg0, %mul3A : i32
    %add3A = arith.addi %mul3A_0, %arg1 : i32
    %broadcast_in_dim3A = arith.constant 0.000000e+00 : f32
    %broadcast_in_dim3A_1 = vector.broadcast %broadcast_in_dim3A : f32 to vector<16xf32>
    %iota3A = tpu.iota {dimensions = array<i32: 0>} : vector<16xi32>
    %scan3A = arith.constant 0 : i32
    %scan3A_2 = arith.constant 0 : i32
    %scan3A_3 = arith.constant 64 : i32
    %scan3A_4 = arith.addi %scan3A_2, %scan3A_3 : i32
    %scan3A_5 = arith.constant 1 : i32
    %scan3A_6 = scf.for %scan3A_96 = %scan3A_2 to %scan3A_4 step %scan3A_5 iter_args(%scan3A_97 = %scan3A) -> (i32)  : i32 {
      %swap3A = arith.index_cast %scan3A_96 : i32 to index
      %swap3A_98 = arith.constant 0 : index
      %swap3A_99 = tpu.vector_load %arg21[%swap3A, %swap3A_98] {strides = array<i32>} : memref<64x128xf32, #tpu.memory_space<vmem>>, vector<16xf32>,
      tpu.vector_store %arg21[%swap3A, %swap3A_98], %broadcast_in_dim3A_1 {strides = array<i32>} : memref<64x128xf32, #tpu.memory_space<vmem>>, vector<16xf32>,
      %swap3A_100 = arith.index_cast %scan3A_96 : i32 to index
      %swap3A_101 = arith.constant 0 : index
      %swap3A_102 = tpu.vector_load %arg22[%swap3A_100, %swap3A_101] {strides = array<i32>} : memref<64x128xf32, #tpu.memory_space<vmem>>, vector<16xf32>,
      tpu.vector_store %arg22[%swap3A_100, %swap3A_101], %broadcast_in_dim3A_1 {strides = array<i32>} : memref<64x128xf32, #tpu.memory_space<vmem>>, vector<16xf32>,
      %swap3A_103 = arith.index_cast %scan3A_96 : i32 to index
      %swap3A_104 = arith.constant 16 : index
      %swap3A_105 = tpu.vector_load %arg21[%swap3A_103, %swap3A_104] {strides = array<i32>} : memref<64x128xf32, #tpu.memory_space<vmem>>, vector<16xf32>,
      tpu.vector_store %arg21[%swap3A_103, %swap3A_104], %broadcast_in_dim3A_1 {strides = array<i32>} : memref<64x128xf32, #tpu.memory_space<vmem>>, vector<16xf32>,
      %swap3A_106 = arith.index_cast %scan3A_96 : i32 to index
      %swap3A_107 = arith.constant 16 : index
      %swap3A_108 = tpu.vector_load %arg22[%swap3A_106, %swap3A_107] {strides = array<i32>} : memref<64x128xf32, #tpu.memory_space<vmem>>, vector<16xf32>,
      tpu.vector_store %arg22[%swap3A_106, %swap3A_107], %broadcast_in_dim3A_1 {strides = array<i32>} : memref<64x128xf32, #tpu.memory_space<vmem>>, vector<16xf32>,
      %swap3A_109 = arith.index_cast %scan3A_96 : i32 to index
      %swap3A_110 = arith.constant 32 : index
      %swap3A_111 = tpu.vector_load %arg21[%swap3A_109, %swap3A_110] {strides = array<i32>} : memref<64x128xf32, #tpu.memory_space<vmem>>, vector<16xf32>,
      tpu.vector_store %arg21[%swap3A_109, %swap3A_110], %broadcast_in_dim3A_1 {strides = array<i32>} : memref<64x128xf32, #tpu.memory_space<vmem>>, vector<16xf32>,
      %swap3A_112 = arith.index_cast %scan3A_96 : i32 to index
      %swap3A_113 = arith.constant 32 : index
      %swap3A_114 = tpu.vector_load %arg22[%swap3A_112, %swap3A_113] {strides = array<i32>} : memref<64x128xf32, #tpu.memory_space<vmem>>, vector<16xf32>,
      tpu.vector_store %arg22[%swap3A_112, %swap3A_113], %broadcast_in_dim3A_1 {strides = array<i32>} : memref<64x128xf32, #tpu.memory_space<vmem>>, vector<16xf32>,
      %swap3A_115 = arith.index_cast %scan3A_96 : i32 to index
      %swap3A_116 = arith.constant 48 : index
      %swap3A_117 = tpu.vector_load %arg21[%swap3A_115, %swap3A_116] {strides = array<i32>} : memref<64x128xf32, #tpu.memory_space<vmem>>, vector<16xf32>,
      tpu.vector_store %arg21[%swap3A_115, %swap3A_116], %broadcast_in_dim3A_1 {strides = array<i32>} : memref<64x128xf32, #tpu.memory_space<vmem>>, vector<16xf32>,
      %swap3A_118 = arith.index_cast %scan3A_96 : i32 to index
      %swap3A_119 = arith.constant 48 : index
      %swap3A_120 = tpu.vector_load %arg22[%swap3A_118, %swap3A_119] {strides = array<i32>} : memref<64x128xf32, #tpu.memory_space<vmem>>, vector<16xf32>,
      tpu.vector_store %arg22[%swap3A_118, %swap3A_119], %broadcast_in_dim3A_1 {strides = array<i32>} : memref<64x128xf32, #tpu.memory_space<vmem>>, vector<16xf32>,
      %swap3A_121 = arith.index_cast %scan3A_96 : i32 to index
      %swap3A_122 = arith.constant 64 : index
      %swap3A_123 = tpu.vector_load %arg21[%swap3A_121, %swap3A_122] {strides = array<i32>} : memref<64x128xf32, #tpu.memory_space<vmem>>, vector<16xf32>,
      tpu.vector_store %arg21[%swap3A_121, %swap3A_122], %broadcast_in_dim3A_1 {strides = array<i32>} : memref<64x128xf32, #tpu.memory_space<vmem>>, vector<16xf32>,
      %swap3A_124 = arith.index_cast %scan3A_96 : i32 to index
      %swap3A_125 = arith.constant 64 : index
      %swap3A_126 = tpu.vector_load %arg22[%swap3A_124, %swap3A_125] {strides = array<i32>} : memref<64x128xf32, #tpu.memory_space<vmem>>, vector<16xf32>,
      tpu.vector_store %arg22[%swap3A_124, %swap3A_125], %broadcast_in_dim3A_1 {strides = array<i32>} : memref<64x128xf32, #tpu.memory_space<vmem>>, vector<16xf32>,
      %swap3A_127 = arith.index_cast %scan3A_96 : i32 to index
      %swap3A_128 = arith.constant 80 : index
      %swap3A_129 = tpu.vector_load %arg21[%swap3A_127, %swap3A_128] {strides = array<i32>} : memref<64x128xf32, #tpu.memory_space<vmem>>, vector<16xf32>,
      tpu.vector_store %arg21[%swap3A_127, %swap3A_128], %broadcast_in_dim3A_1 {strides = array<i32>} : memref<64x128xf32, #tpu.memory_space<vmem>>, vector<16xf32>,
      %swap3A_130 = arith.index_cast %scan3A_96 : i32 to index
      %swap3A_131 = arith.constant 80 : index
      %swap3A_132 = tpu.vector_load %arg22[%swap3A_130, %swap3A_131] {strides = array<i32>} : memref<64x128xf32, #tpu.memory_space<vmem>>, vector<16xf32>,
      tpu.vector_store %arg22[%swap3A_130, %swap3A_131], %broadcast_in_dim3A_1 {strides = array<i32>} : memref<64x128xf32, #tpu.memory_space<vmem>>, vector<16xf32>,
      %swap3A_133 = arith.index_cast %scan3A_96 : i32 to index
      %swap3A_134 = arith.constant 96 : index
      %swap3A_135 = tpu.vector_load %arg21[%swap3A_133, %swap3A_134] {strides = array<i32>} : memref<64x128xf32, #tpu.memory_space<vmem>>, vector<16xf32>,
      tpu.vector_store %arg21[%swap3A_133, %swap3A_134], %broadcast_in_dim3A_1 {strides = array<i32>} : memref<64x128xf32, #tpu.memory_space<vmem>>, vector<16xf32>,
      %swap3A_136 = arith.index_cast %scan3A_96 : i32 to index
      %swap3A_137 = arith.constant 96 : index
      %swap3A_138 = tpu.vector_load %arg22[%swap3A_136, %swap3A_137] {strides = array<i32>} : memref<64x128xf32, #tpu.memory_space<vmem>>, vector<16xf32>,
      tpu.vector_store %arg22[%swap3A_136, %swap3A_137], %broadcast_in_dim3A_1 {strides = array<i32>} : memref<64x128xf32, #tpu.memory_space<vmem>>, vector<16xf32>,
      %swap3A_139 = arith.index_cast %scan3A_96 : i32 to index
      %swap3A_140 = arith.constant 112 : index
      %swap3A_141 = tpu.vector_load %arg21[%swap3A_139, %swap3A_140] {strides = array<i32>} : memref<64x128xf32, #tpu.memory_space<vmem>>, vector<16xf32>,
      tpu.vector_store %arg21[%swap3A_139, %swap3A_140], %broadcast_in_dim3A_1 {strides = array<i32>} : memref<64x128xf32, #tpu.memory_space<vmem>>, vector<16xf32>,
      %swap3A_142 = arith.index_cast %scan3A_96 : i32 to index
      %swap3A_143 = arith.constant 112 : index
      %swap3A_144 = tpu.vector_load %arg22[%swap3A_142, %swap3A_143] {strides = array<i32>} : memref<64x128xf32, #tpu.memory_space<vmem>>, vector<16xf32>,
      tpu.vector_store %arg22[%swap3A_142, %swap3A_143], %broadcast_in_dim3A_1 {strides = array<i32>} : memref<64x128xf32, #tpu.memory_space<vmem>>, vector<16xf32>,
      %scan3A_145 = arith.constant 0 : i32
      scf.yield %scan3A_145 : i32
    }
    %scan3A_7 = arith.constant 64 : i32
    %scan3A_8 = arith.constant 0 : i32
    %scan3A_9 = arith.constant 0 : i32
    %scan3A_10 = arith.constant 17 : i32
    %scan3A_11 = arith.addi %scan3A_9, %scan3A_10 : i32
    %scan3A_12 = arith.constant 1 : i32
    %scan3A_13 = scf.for %scan3A_96 = %scan3A_9 to %scan3A_11 step %scan3A_12 iter_args(%scan3A_97 = %scan3A_8) -> (i32)  : i32 {
      %mul3A_98 = arith.constant 680 : i32
      %mul3A_99 = arith.muli %arg1, %mul3A_98 : i32
      %mul3A_100 = arith.constant 40 : i32
      %mul3A_101 = arith.muli %scan3A_96, %mul3A_100 : i32
      %add3A_102 = arith.addi %mul3A_99, %mul3A_101 : i32
      "tpu.region"() ({
        %run_scoped3A = tpu.sem_alloc : memref<!tpu.dma_semaphore, #tpu.memory_space<semaphore_mem>>
        %dma_start3A_104 = arith.constant 0 : i32
        %dma_start3A_105 = arith.constant 0 : i32
        %dma_start3A_106 = tpu.memref_slice %arg21[%dma_start3A_104, %dma_start3A_105] : memref<64x128xf32, #tpu.memory_space<vmem>> -> memref<40x128xf32, #tpu.memory_space<vmem>>
        %dma_start3A_107 = arith.constant 0 : i32
        %dma_start3A_108 = tpu.memref_slice %arg23[%add3A_102, %dma_start3A_107] : memref<10880x128xf32, #tpu.memory_space<vmem_shared>> -> memref<40x128xf32, #tpu.memory_space<vmem_shared>>
        %dma_start3A_109 = arith.constant 0 : i32
        %dma_start3A_110 = tpu.memref_slice %arg23[%add3A_102, %dma_start3A_109] : memref<10880x128xf32, #tpu.memory_space<vmem_shared>> -> memref<40x128xf32, #tpu.memory_space<vmem_shared>>
        %dma_start3A_111 = arith.constant 0 : i32
        %dma_start3A_112 = arith.constant 0 : i32
        %dma_start3A_113 = tpu.memref_slice %arg21[%dma_start3A_111, %dma_start3A_112] : memref<64x128xf32, #tpu.memory_space<vmem>> -> memref<40x128xf32, #tpu.memory_space<vmem>>
        tpu.enqueue_dma source(%dma_start3A_113 : memref<40x128xf32, #tpu.memory_space<vmem>>) target(%dma_start3A_110 : memref<40x128xf32, #tpu.memory_space<vmem_shared>>) target_semaphore(%run_scoped3A : memref<!tpu.dma_semaphore, #tpu.memory_space<semaphore_mem>>)
        %dma_wait3A_114 = arith.constant 0 : i32
        %dma_wait3A_115 = arith.constant 0 : i32
        %dma_wait3A_116 = tpu.memref_slice %arg21[%dma_wait3A_114, %dma_wait3A_115] : memref<64x128xf32, #tpu.memory_space<vmem>> -> memref<40x128xf32, #tpu.memory_space<vmem>>
        %dma_wait3A_117 = arith.constant 0 : i32
        %dma_wait3A_118 = tpu.memref_slice %arg23[%add3A_102, %dma_wait3A_117] : memref<10880x128xf32, #tpu.memory_space<vmem_shared>> -> memref<40x128xf32, #tpu.memory_space<vmem_shared>>
        %dma_wait3A_119 = arith.constant 0 : i32
        %dma_wait3A_120 = tpu.memref_slice %arg23[%add3A_102, %dma_wait3A_119] : memref<10880x128xf32, #tpu.memory_space<vmem_shared>> -> memref<40x128xf32, #tpu.memory_space<vmem_shared>>
        %dma_wait3A_121 = arith.constant 0 : i32
        %dma_wait3A_122 = arith.constant 0 : i32
        %dma_wait3A_123 = tpu.memref_slice %arg21[%dma_wait3A_121, %dma_wait3A_122] : memref<64x128xf32, #tpu.memory_space<vmem>> -> memref<40x128xf32, #tpu.memory_space<vmem>>
        tpu.wait_dma2 semaphore(%run_scoped3A : memref<!tpu.dma_semaphore, #tpu.memory_space<semaphore_mem>>) src(%dma_wait3A_123 : memref<40x128xf32, #tpu.memory_space<vmem>>) dst(%dma_wait3A_120 : memref<40x128xf32, #tpu.memory_space<vmem_shared>>)
        tpu.yield
      }) : () -> ()
      %scan3A_103 = arith.constant 0 : i32
      scf.yield %scan3A_103 : i32
    }
    %scan3A_14 = arith.constant 17 : i32
    %barrier3A = arith.constant 0 : index
    tpu.barrier barrier_id(%barrier3A)
    %mul3A_15 = arith.constant 10112 : i32
    %mul3A_16 = arith.muli %add3A, %mul3A_15 : i32
    %add3A_17 = arith.constant 0 : i32
    %add3A_18 = arith.addi %mul3A_16, %add3A_17 : i32
    %dma_start3A = tpu.memref_slice %arg4[%add3A_18] : memref<323584xi32, #tpu.memory_space<hbm>> -> memref<32xi32, #tpu.memory_space<hbm>>
    %dma_start3A_19 = tpu.memref_slice %arg4[%add3A_18] : memref<323584xi32, #tpu.memory_space<hbm>> -> memref<32xi32, #tpu.memory_space<hbm>>
    tpu.enqueue_dma source(%dma_start3A_19 : memref<32xi32, #tpu.memory_space<hbm>>) target(%arg7 : memref<32xi32, #tpu.memory_space<vmem>>) target_semaphore(%arg30 : memref<!tpu.dma_semaphore, #tpu.memory_space<semaphore_mem>>)
    %add3A_20 = arith.constant 0 : i32
    %add3A_21 = arith.addi %mul3A_16, %add3A_20 : i32
    %dma_start3A_22 = tpu.memref_slice %arg5[%add3A_21] : memref<323584xi32, #tpu.memory_space<hbm>> -> memref<32xi32, #tpu.memory_space<hbm>>
    %dma_start3A_23 = tpu.memref_slice %arg5[%add3A_21] : memref<323584xi32, #tpu.memory_space<hbm>> -> memref<32xi32, #tpu.memory_space<hbm>>
    tpu.enqueue_dma source(%dma_start3A_23 : memref<32xi32, #tpu.memory_space<hbm>>) target(%arg11 : memref<32xi32, #tpu.memory_space<vmem>>) target_semaphore(%arg30 : memref<!tpu.dma_semaphore, #tpu.memory_space<semaphore_mem>>)
    %add3A_24 = arith.constant 32 : i32
    %add3A_25 = arith.addi %mul3A_16, %add3A_24 : i32
    %dma_start3A_26 = tpu.memref_slice %arg4[%add3A_25] : memref<323584xi32, #tpu.memory_space<hbm>> -> memref<32xi32, #tpu.memory_space<hbm>>
    %dma_start3A_27 = tpu.memref_slice %arg4[%add3A_25] : memref<323584xi32, #tpu.memory_space<hbm>> -> memref<32xi32, #tpu.memory_space<hbm>>
    tpu.enqueue_dma source(%dma_start3A_27 : memref<32xi32, #tpu.memory_space<hbm>>) target(%arg8 : memref<32xi32, #tpu.memory_space<vmem>>) target_semaphore(%arg31 : memref<!tpu.dma_semaphore, #tpu.memory_space<semaphore_mem>>)
    %add3A_28 = arith.constant 32 : i32
    %add3A_29 = arith.addi %mul3A_16, %add3A_28 : i32
    %dma_start3A_30 = tpu.memref_slice %arg5[%add3A_29] : memref<323584xi32, #tpu.memory_space<hbm>> -> memref<32xi32, #tpu.memory_space<hbm>>
    %dma_start3A_31 = tpu.memref_slice %arg5[%add3A_29] : memref<323584xi32, #tpu.memory_space<hbm>> -> memref<32xi32, #tpu.memory_space<hbm>>
    tpu.enqueue_dma source(%dma_start3A_31 : memref<32xi32, #tpu.memory_space<hbm>>) target(%arg12 : memref<32xi32, #tpu.memory_space<vmem>>) target_semaphore(%arg31 : memref<!tpu.dma_semaphore, #tpu.memory_space<semaphore_mem>>)
    %add3A_32 = arith.constant 64 : i32
    %add3A_33 = arith.addi %mul3A_16, %add3A_32 : i32
    %dma_start3A_34 = tpu.memref_slice %arg4[%add3A_33] : memref<323584xi32, #tpu.memory_space<hbm>> -> memref<32xi32, #tpu.memory_space<hbm>>
    %dma_start3A_35 = tpu.memref_slice %arg4[%add3A_33] : memref<323584xi32, #tpu.memory_space<hbm>> -> memref<32xi32, #tpu.memory_space<hbm>>
    tpu.enqueue_dma source(%dma_start3A_35 : memref<32xi32, #tpu.memory_space<hbm>>) target(%arg9 : memref<32xi32, #tpu.memory_space<vmem>>) target_semaphore(%arg32 : memref<!tpu.dma_semaphore, #tpu.memory_space<semaphore_mem>>)
    %add3A_36 = arith.constant 64 : i32
    %add3A_37 = arith.addi %mul3A_16, %add3A_36 : i32
    %dma_start3A_38 = tpu.memref_slice %arg5[%add3A_37] : memref<323584xi32, #tpu.memory_space<hbm>> -> memref<32xi32, #tpu.memory_space<hbm>>
    %dma_start3A_39 = tpu.memref_slice %arg5[%add3A_37] : memref<323584xi32, #tpu.memory_space<hbm>> -> memref<32xi32, #tpu.memory_space<hbm>>
    tpu.enqueue_dma source(%dma_start3A_39 : memref<32xi32, #tpu.memory_space<hbm>>) target(%arg13 : memref<32xi32, #tpu.memory_space<vmem>>) target_semaphore(%arg32 : memref<!tpu.dma_semaphore, #tpu.memory_space<semaphore_mem>>)
    %add3A_40 = arith.constant 96 : i32
    %add3A_41 = arith.addi %mul3A_16, %add3A_40 : i32
    %dma_start3A_42 = tpu.memref_slice %arg4[%add3A_41] : memref<323584xi32, #tpu.memory_space<hbm>> -> memref<32xi32, #tpu.memory_space<hbm>>
    %dma_start3A_43 = tpu.memref_slice %arg4[%add3A_41] : memref<323584xi32, #tpu.memory_space<hbm>> -> memref<32xi32, #tpu.memory_space<hbm>>
    tpu.enqueue_dma source(%dma_start3A_43 : memref<32xi32, #tpu.memory_space<hbm>>) target(%arg10 : memref<32xi32, #tpu.memory_space<vmem>>) target_semaphore(%arg33 : memref<!tpu.dma_semaphore, #tpu.memory_space<semaphore_mem>>)
    %add3A_44 = arith.constant 96 : i32
    %add3A_45 = arith.addi %mul3A_16, %add3A_44 : i32
    %dma_start3A_46 = tpu.memref_slice %arg5[%add3A_45] : memref<323584xi32, #tpu.memory_space<hbm>> -> memref<32xi32, #tpu.memory_space<hbm>>
    %dma_start3A_47 = tpu.memref_slice %arg5[%add3A_45] : memref<323584xi32, #tpu.memory_space<hbm>> -> memref<32xi32, #tpu.memory_space<hbm>>
    tpu.enqueue_dma source(%dma_start3A_47 : memref<32xi32, #tpu.memory_space<hbm>>) target(%arg14 : memref<32xi32, #tpu.memory_space<vmem>>) target_semaphore(%arg33 : memref<!tpu.dma_semaphore, #tpu.memory_space<semaphore_mem>>)
    %add3A_48 = arith.constant 0 : i32
    %add3A_49 = arith.addi %mul3A_16, %add3A_48 : i32
    %dma_wait3A = tpu.memref_slice %arg4[%add3A_49] : memref<323584xi32, #tpu.memory_space<hbm>> -> memref<32xi32, #tpu.memory_space<hbm>>
    %dma_wait3A_50 = tpu.memref_slice %arg4[%add3A_49] : memref<323584xi32, #tpu.memory_space<hbm>> -> memref<32xi32, #tpu.memory_space<hbm>>
    tpu.wait_dma2 semaphore(%arg30 : memref<!tpu.dma_semaphore, #tpu.memory_space<semaphore_mem>>) src(%dma_wait3A_50 : memref<32xi32, #tpu.memory_space<hbm>>) dst(%arg7 : memref<32xi32, #tpu.memory_space<vmem>>)
    %add3A_51 = arith.constant 0 : i32
    %add3A_52 = arith.addi %mul3A_16, %add3A_51 : i32
    %dma_wait3A_53 = tpu.memref_slice %arg5[%add3A_52] : memref<323584xi32, #tpu.memory_space<hbm>> -> memref<32xi32, #tpu.memory_space<hbm>>
    %dma_wait3A_54 = tpu.memref_slice %arg5[%add3A_52] : memref<323584xi32, #tpu.memory_space<hbm>> -> memref<32xi32, #tpu.memory_space<hbm>>
    tpu.wait_dma2 semaphore(%arg30 : memref<!tpu.dma_semaphore, #tpu.memory_space<semaphore_mem>>) src(%dma_wait3A_54 : memref<32xi32, #tpu.memory_space<hbm>>) dst(%arg11 : memref<32xi32, #tpu.memory_space<vmem>>)
    %dma_start3A_55 = arith.constant 0 : i32
    %dma_start3A_56 = arith.constant 0 : i32
    %dma_start3A_57 = tpu.memref_slice %arg2[%dma_start3A_55, %dma_start3A_56] : memref<10240x128xf32, #tpu.memory_space<hbm>> -> memref<10240x128xf32, #tpu.memory_space<hbm>>
    tpu.enqueue_indirect_dma source(%dma_start3A_57 : memref<10240x128xf32, #tpu.memory_space<hbm>>) target(%arg17 : memref<32x128xf32, #tpu.memory_space<vmem>>) offsets(%arg11 : memref<32xi32, #tpu.memory_space<vmem>>) semaphore(%arg24 : memref<!tpu.dma_semaphore, #tpu.memory_space<semaphore_mem>>)
    %dma_start3A_58 = arith.constant 0 : i32
    %dma_start3A_59 = arith.constant 0 : i32
    %dma_start3A_60 = tpu.memref_slice %arg3[%dma_start3A_58, %dma_start3A_59] : memref<10240x256xf32, #tpu.memory_space<hbm>> -> memref<10240x256xf32, #tpu.memory_space<hbm>>
    tpu.enqueue_indirect_dma source(%dma_start3A_60 : memref<10240x256xf32, #tpu.memory_space<hbm>>) target(%arg19 : memref<32x256xf32, #tpu.memory_space<vmem>>) offsets(%arg7 : memref<32xi32, #tpu.memory_space<vmem>>) semaphore(%arg26 : memref<!tpu.dma_semaphore, #tpu.memory_space<semaphore_mem>>)
    %add3A_61 = arith.constant 32 : i32
    %add3A_62 = arith.addi %mul3A_16, %add3A_61 : i32
    %dma_wait3A_63 = tpu.memref_slice %arg4[%add3A_62] : memref<323584xi32, #tpu.memory_space<hbm>> -> memref<32xi32, #tpu.memory_space<hbm>>
    %dma_wait3A_64 = tpu.memref_slice %arg4[%add3A_62] : memref<323584xi32, #tpu.memory_space<hbm>> -> memref<32xi32, #tpu.memory_space<hbm>>
    tpu.wait_dma2 semaphore(%arg31 : memref<!tpu.dma_semaphore, #tpu.memory_space<semaphore_mem>>) src(%dma_wait3A_64 : memref<32xi32, #tpu.memory_space<hbm>>) dst(%arg8 : memref<32xi32, #tpu.memory_space<vmem>>)
    %add3A_65 = arith.constant 32 : i32
    %add3A_66 = arith.addi %mul3A_16, %add3A_65 : i32
    %dma_wait3A_67 = tpu.memref_slice %arg5[%add3A_66] : memref<323584xi32, #tpu.memory_space<hbm>> -> memref<32xi32, #tpu.memory_space<hbm>>
    %dma_wait3A_68 = tpu.memref_slice %arg5[%add3A_66] : memref<323584xi32, #tpu.memory_space<hbm>> -> memref<32xi32, #tpu.memory_space<hbm>>
    tpu.wait_dma2 semaphore(%arg31 : memref<!tpu.dma_semaphore, #tpu.memory_space<semaphore_mem>>) src(%dma_wait3A_68 : memref<32xi32, #tpu.memory_space<hbm>>) dst(%arg12 : memref<32xi32, #tpu.memory_space<vmem>>)
    %dma_start3A_69 = arith.constant 0 : i32
    %dma_start3A_70 = arith.constant 0 : i32
    %dma_start3A_71 = tpu.memref_slice %arg2[%dma_start3A_69, %dma_start3A_70] : memref<10240x128xf32, #tpu.memory_space<hbm>> -> memref<10240x128xf32, #tpu.memory_space<hbm>>
    tpu.enqueue_indirect_dma source(%dma_start3A_71 : memref<10240x128xf32, #tpu.memory_space<hbm>>) target(%arg18 : memref<32x128xf32, #tpu.memory_space<vmem>>) offsets(%arg12 : memref<32xi32, #tpu.memory_space<vmem>>) semaphore(%arg25 : memref<!tpu.dma_semaphore, #tpu.memory_space<semaphore_mem>>)
    %dma_start3A_72 = arith.constant 0 : i32
    %dma_start3A_73 = arith.constant 0 : i32
    %dma_start3A_74 = tpu.memref_slice %arg3[%dma_start3A_72, %dma_start3A_73] : memref<10240x256xf32, #tpu.memory_space<hbm>> -> memref<10240x256xf32, #tpu.memory_space<hbm>>
    tpu.enqueue_indirect_dma source(%dma_start3A_74 : memref<10240x256xf32, #tpu.memory_space<hbm>>) target(%arg20 : memref<32x256xf32, #tpu.memory_space<vmem>>) offsets(%arg8 : memref<32xi32, #tpu.memory_space<vmem>>) semaphore(%arg27 : memref<!tpu.dma_semaphore, #tpu.memory_space<semaphore_mem>>)
    %scan3A_75 = arith.constant 0 : i32
    %scan3A_76 = arith.constant 0 : i32
    %scan3A_77 = arith.constant 79 : i32
    %scan3A_78 = arith.addi %scan3A_76, %scan3A_77 : i32
    %scan3A_79 = arith.constant 1 : i32
    %scan3A_80 = scf.for %scan3A_96 = %scan3A_76 to %scan3A_78 step %scan3A_79 iter_args(%scan3A_97 = %scan3A_75) -> (i32)  : i32 {
      %mul3A_98 = arith.constant 4 : i32
      %mul3A_99 = arith.muli %scan3A_96, %mul3A_98 : i32
      %add3A_100 = arith.constant 0 : i32
      %add3A_101 = arith.addi %mul3A_99, %add3A_100 : i32
      %dma_wait3A_102 = arith.constant 0 : i32
      %dma_wait3A_103 = arith.constant 0 : i32
      %dma_wait3A_104 = tpu.memref_slice %arg2[%dma_wait3A_102, %dma_wait3A_103] : memref<10240x128xf32, #tpu.memory_space<hbm>> -> memref<10240x128xf32, #tpu.memory_space<hbm>>
      tpu.wait_indirect_dma semaphore(%arg24 : memref<!tpu.dma_semaphore, #tpu.memory_space<semaphore_mem>>) src(%dma_wait3A_104 : memref<10240x128xf32, #tpu.memory_space<hbm>>) dst(%arg17 : memref<32x128xf32, #tpu.memory_space<vmem>>)
      %dma_wait3A_105 = arith.constant 0 : i32
      %dma_wait3A_106 = arith.constant 0 : i32
      %dma_wait3A_107 = tpu.memref_slice %arg3[%dma_wait3A_105, %dma_wait3A_106] : memref<10240x256xf32, #tpu.memory_space<hbm>> -> memref<10240x256xf32, #tpu.memory_space<hbm>>
      tpu.wait_indirect_dma semaphore(%arg26 : memref<!tpu.dma_semaphore, #tpu.memory_space<semaphore_mem>>) src(%dma_wait3A_107 : memref<10240x256xf32, #tpu.memory_space<hbm>>) dst(%arg19 : memref<32x256xf32, #tpu.memory_space<vmem>>)
      %ge3A = arith.constant 2 : i32
      %ge3A_108 = arith.cmpi sge, %add3A_101, %ge3A : i32
      %convert_element_type3A = arith.extui %ge3A_108 : i1 to i32
      %cond3A = arith.constant 0 : i32
      %cond3A_109 = arith.cmpi ne, %convert_element_type3A, %cond3A : i32
      scf.if %cond3A_109 {
        %dma_wait3A_605 = arith.constant 0 : i32
        %dma_wait3A_606 = arith.constant 0 : i32
        %dma_wait3A_607 = tpu.memref_slice %arg23[%dma_wait3A_605, %dma_wait3A_606] : memref<10880x128xf32, #tpu.memory_space<vmem_shared>> -> memref<10880x128xf32, #tpu.memory_space<vmem_shared>>
        tpu.wait_indirect_dma semaphore(%arg28 : memref<!tpu.dma_semaphore, #tpu.memory_space<semaphore_mem>>) src(%arg21 : memref<64x128xf32, #tpu.memory_space<vmem>>) dst(%dma_wait3A_607 : memref<10880x128xf32, #tpu.memory_space<vmem_shared>>)
      } else {
      }
      %add3A_110 = arith.constant 32 : i32
      %add3A_111 = vector.broadcast %add3A_110 : i32 to vector<16xi32>
      %add3A_112 = arith.addi %add3A_111, %iota3A : vector<16xi32>
      %get3A = arith.constant 0 : index
      %get3A_113 = tpu.vector_load %arg15[%get3A] {strides = array<i32>} : memref<64xi32, #tpu.memory_space<vmem>>, vector<16xi32>,
      %and3A = arith.constant 15 : i32
      %and3A_114 = vector.broadcast %and3A : i32 to vector<16xi32>
      %and3A_115 = arith.andi %get3A_113, %and3A_114 : vector<16xi32>
      %shift_left3A = arith.constant 3 : i32
      %shift_left3A_116 = vector.broadcast %shift_left3A : i32 to vector<16xi32>
      %shift_left3A_117 = arith.shli %and3A_115, %shift_left3A_116 : vector<16xi32>
      %add3A_118 = arith.constant 0 : i32
      %add3A_119 = vector.broadcast %add3A_118 : i32 to vector<16xi32>
      %add3A_120 = arith.addi %shift_left3A_117, %add3A_119 : vector<16xi32>
      tpu.vector_store_idx %arg21[%add3A_112, %add3A_120], %broadcast_in_dim3A_1 : memref<64x128xf32, #tpu.memory_space<vmem>>[vector<16xi32>, vector<16xi32>], vector<16xf32>,
      %add3A_121 = arith.constant 1 : i32
      %add3A_122 = vector.broadcast %add3A_121 : i32 to vector<16xi32>
      %add3A_123 = arith.addi %shift_left3A_117, %add3A_122 : vector<16xi32>
      tpu.vector_store_idx %arg21[%add3A_112, %add3A_123], %broadcast_in_dim3A_1 : memref<64x128xf32, #tpu.memory_space<vmem>>[vector<16xi32>, vector<16xi32>], vector<16xf32>,
      %add3A_124 = arith.constant 2 : i32
      %add3A_125 = vector.broadcast %add3A_124 : i32 to vector<16xi32>
      %add3A_126 = arith.addi %shift_left3A_117, %add3A_125 : vector<16xi32>
      tpu.vector_store_idx %arg21[%add3A_112, %add3A_126], %broadcast_in_dim3A_1 : memref<64x128xf32, #tpu.memory_space<vmem>>[vector<16xi32>, vector<16xi32>], vector<16xf32>,
      %add3A_127 = arith.constant 3 : i32
      %add3A_128 = vector.broadcast %add3A_127 : i32 to vector<16xi32>
      %add3A_129 = arith.addi %shift_left3A_117, %add3A_128 : vector<16xi32>
      tpu.vector_store_idx %arg21[%add3A_112, %add3A_129], %broadcast_in_dim3A_1 : memref<64x128xf32, #tpu.memory_space<vmem>>[vector<16xi32>, vector<16xi32>], vector<16xf32>,
      %add3A_130 = arith.constant 4 : i32
      %add3A_131 = vector.broadcast %add3A_130 : i32 to vector<16xi32>
      %add3A_132 = arith.addi %shift_left3A_117, %add3A_131 : vector<16xi32>
      tpu.vector_store_idx %arg21[%add3A_112, %add3A_132], %broadcast_in_dim3A_1 : memref<64x128xf32, #tpu.memory_space<vmem>>[vector<16xi32>, vector<16xi32>], vector<16xf32>,
      %add3A_133 = arith.constant 5 : i32
      %add3A_134 = vector.broadcast %add3A_133 : i32 to vector<16xi32>
      %add3A_135 = arith.addi %shift_left3A_117, %add3A_134 : vector<16xi32>
      tpu.vector_store_idx %arg21[%add3A_112, %add3A_135], %broadcast_in_dim3A_1 : memref<64x128xf32, #tpu.memory_space<vmem>>[vector<16xi32>, vector<16xi32>], vector<16xf32>,
      %add3A_136 = arith.constant 6 : i32
      %add3A_137 = vector.broadcast %add3A_136 : i32 to vector<16xi32>
      %add3A_138 = arith.addi %shift_left3A_117, %add3A_137 : vector<16xi32>
      tpu.vector_store_idx %arg21[%add3A_112, %add3A_138], %broadcast_in_dim3A_1 : memref<64x128xf32, #tpu.memory_space<vmem>>[vector<16xi32>, vector<16xi32>], vector<16xf32>,
      %add3A_139 = arith.constant 7 : i32
      %add3A_140 = vector.broadcast %add3A_139 : i32 to vector<16xi32>
      %add3A_141 = arith.addi %shift_left3A_117, %add3A_140 : vector<16xi32>
      tpu.vector_store_idx %arg21[%add3A_112, %add3A_141], %broadcast_in_dim3A_1 : memref<64x128xf32, #tpu.memory_space<vmem>>[vector<16xi32>, vector<16xi32>], vector<16xf32>,
      %add3A_142 = arith.constant 48 : i32
      %add3A_143 = vector.broadcast %add3A_142 : i32 to vector<16xi32>
      %add3A_144 = arith.addi %add3A_143, %iota3A : vector<16xi32>
      %get3A_145 = arith.constant 16 : index
      %get3A_146 = tpu.vector_load %arg15[%get3A_145] {strides = array<i32>} : memref<64xi32, #tpu.memory_space<vmem>>, vector<16xi32>,
      %and3A_147 = arith.constant 15 : i32
      %and3A_148 = vector.broadcast %and3A_147 : i32 to vector<16xi32>
      %and3A_149 = arith.andi %get3A_146, %and3A_148 : vector<16xi32>
      %shift_left3A_150 = arith.constant 3 : i32
      %shift_left3A_151 = vector.broadcast %shift_left3A_150 : i32 to vector<16xi32>
      %shift_left3A_152 = arith.shli %and3A_149, %shift_left3A_151 : vector<16xi32>
      %add3A_153 = arith.constant 0 : i32
      %add3A_154 = vector.broadcast %add3A_153 : i32 to vector<16xi32>
      %add3A_155 = arith.addi %shift_left3A_152, %add3A_154 : vector<16xi32>
      tpu.vector_store_idx %arg21[%add3A_144, %add3A_155], %broadcast_in_dim3A_1 : memref<64x128xf32, #tpu.memory_space<vmem>>[vector<16xi32>, vector<16xi32>], vector<16xf32>,
      %add3A_156 = arith.constant 1 : i32
      %add3A_157 = vector.broadcast %add3A_156 : i32 to vector<16xi32>
      %add3A_158 = arith.addi %shift_left3A_152, %add3A_157 : vector<16xi32>
      tpu.vector_store_idx %arg21[%add3A_144, %add3A_158], %broadcast_in_dim3A_1 : memref<64x128xf32, #tpu.memory_space<vmem>>[vector<16xi32>, vector<16xi32>], vector<16xf32>,
      %add3A_159 = arith.constant 2 : i32
      %add3A_160 = vector.broadcast %add3A_159 : i32 to vector<16xi32>
      %add3A_161 = arith.addi %shift_left3A_152, %add3A_160 : vector<16xi32>
      tpu.vector_store_idx %arg21[%add3A_144, %add3A_161], %broadcast_in_dim3A_1 : memref<64x128xf32, #tpu.memory_space<vmem>>[vector<16xi32>, vector<16xi32>], vector<16xf32>,
      %add3A_162 = arith.constant 3 : i32
      %add3A_163 = vector.broadcast %add3A_162 : i32 to vector<16xi32>
      %add3A_164 = arith.addi %shift_left3A_152, %add3A_163 : vector<16xi32>
      tpu.vector_store_idx %arg21[%add3A_144, %add3A_164], %broadcast_in_dim3A_1 : memref<64x128xf32, #tpu.memory_space<vmem>>[vector<16xi32>, vector<16xi32>], vector<16xf32>,
      %add3A_165 = arith.constant 4 : i32
      %add3A_166 = vector.broadcast %add3A_165 : i32 to vector<16xi32>
      %add3A_167 = arith.addi %shift_left3A_152, %add3A_166 : vector<16xi32>
      tpu.vector_store_idx %arg21[%add3A_144, %add3A_167], %broadcast_in_dim3A_1 : memref<64x128xf32, #tpu.memory_space<vmem>>[vector<16xi32>, vector<16xi32>], vector<16xf32>,
      %add3A_168 = arith.constant 5 : i32
      %add3A_169 = vector.broadcast %add3A_168 : i32 to vector<16xi32>
      %add3A_170 = arith.addi %shift_left3A_152, %add3A_169 : vector<16xi32>
      tpu.vector_store_idx %arg21[%add3A_144, %add3A_170], %broadcast_in_dim3A_1 : memref<64x128xf32, #tpu.memory_space<vmem>>[vector<16xi32>, vector<16xi32>], vector<16xf32>,
      %add3A_171 = arith.constant 6 : i32
      %add3A_172 = vector.broadcast %add3A_171 : i32 to vector<16xi32>
      %add3A_173 = arith.addi %shift_left3A_152, %add3A_172 : vector<16xi32>
      tpu.vector_store_idx %arg21[%add3A_144, %add3A_173], %broadcast_in_dim3A_1 : memref<64x128xf32, #tpu.memory_space<vmem>>[vector<16xi32>, vector<16xi32>], vector<16xf32>,
      %add3A_174 = arith.constant 7 : i32
      %add3A_175 = vector.broadcast %add3A_174 : i32 to vector<16xi32>
      %add3A_176 = arith.addi %shift_left3A_152, %add3A_175 : vector<16xi32>
      tpu.vector_store_idx %arg21[%add3A_144, %add3A_176], %broadcast_in_dim3A_1 : memref<64x128xf32, #tpu.memory_space<vmem>>[vector<16xi32>, vector<16xi32>], vector<16xf32>,
      %get3A_177 = arith.constant 0 : index
      %get3A_178 = tpu.vector_load %arg11[%get3A_177] {strides = array<i32>} : memref<32xi32, #tpu.memory_space<vmem>>, vector<16xi32>,
      %swap3A = arith.constant 0 : index
      %swap3A_179 = tpu.vector_load %arg15[%swap3A] {strides = array<i32>} : memref<64xi32, #tpu.memory_space<vmem>>, vector<16xi32>,
      tpu.vector_store %arg15[%swap3A], %get3A_178 {strides = array<i32>} : memref<64xi32, #tpu.memory_space<vmem>>, vector<16xi32>,
      %shift_right_logical3A = arith.constant 4 : i32
      %shift_right_logical3A_180 = vector.broadcast %shift_right_logical3A : i32 to vector<16xi32>
      %shift_right_logical3A_181 = arith.shrui %get3A_178, %shift_right_logical3A_180 : vector<16xi32>
      %add3A_182 = arith.constant 10240 : i32
      %add3A_183 = vector.broadcast %add3A_182 : i32 to vector<16xi32>
      %add3A_184 = arith.addi %add3A_183, %shift_right_logical3A_181 : vector<16xi32>
      %swap3A_185 = arith.constant 32 : index
      %swap3A_186 = tpu.vector_load %arg15[%swap3A_185] {strides = array<i32>} : memref<64xi32, #tpu.memory_space<vmem>>, vector<16xi32>,
      tpu.vector_store %arg15[%swap3A_185], %add3A_184 {strides = array<i32>} : memref<64xi32, #tpu.memory_space<vmem>>, vector<16xi32>,
      %get3A_187 = arith.constant 16 : index
      %get3A_188 = tpu.vector_load %arg11[%get3A_187] {strides = array<i32>} : memref<32xi32, #tpu.memory_space<vmem>>, vector<16xi32>,
      %swap3A_189 = arith.constant 16 : index
      %swap3A_190 = tpu.vector_load %arg15[%swap3A_189] {strides = array<i32>} : memref<64xi32, #tpu.memory_space<vmem>>, vector<16xi32>,
      tpu.vector_store %arg15[%swap3A_189], %get3A_188 {strides = array<i32>} : memref<64xi32, #tpu.memory_space<vmem>>, vector<16xi32>,
      %shift_right_logical3A_191 = arith.constant 4 : i32
      %shift_right_logical3A_192 = vector.broadcast %shift_right_logical3A_191 : i32 to vector<16xi32>
      %shift_right_logical3A_193 = arith.shrui %get3A_188, %shift_right_logical3A_192 : vector<16xi32>
      %add3A_194 = arith.constant 10240 : i32
      %add3A_195 = vector.broadcast %add3A_194 : i32 to vector<16xi32>
      %add3A_196 = arith.addi %add3A_195, %shift_right_logical3A_193 : vector<16xi32>
      %swap3A_197 = arith.constant 48 : index
      %swap3A_198 = tpu.vector_load %arg15[%swap3A_197] {strides = array<i32>} : memref<64xi32, #tpu.memory_space<vmem>>, vector<16xi32>,
      tpu.vector_store %arg15[%swap3A_197], %add3A_196 {strides = array<i32>} : memref<64xi32, #tpu.memory_space<vmem>>, vector<16xi32>,
      %parallel_loop3A = arith.constant 0 : i32
      %parallel_loop3A_199 = arith.constant 2 : i32
      %parallel_loop3A_200 = arith.constant 1 : i32
      scf.for %parallel_loop3A_605 = %parallel_loop3A to %parallel_loop3A_199 step %parallel_loop3A_200  : i32 {
        %parallel_loop3A_606 = arith.constant 16 : i32
        %parallel_loop3A_607 = arith.muli %parallel_loop3A_605, %parallel_loop3A_606 : i32
        %parallel_loop3A_608 = vector.broadcast %parallel_loop3A_607 : i32 to vector<16xi32>
        %parallel_loop3A_609 = arith.addi %parallel_loop3A_608, %iota3A : vector<16xi32>
        %parallel_loop3A_610 = arith.constant 32 : i32
        %parallel_loop3A_611 = vector.broadcast %parallel_loop3A_610 : i32 to vector<16xi32>
        %parallel_loop3A_612 = arith.addi %parallel_loop3A_609, %parallel_loop3A_611 : vector<16xi32>
        %parallel_loop3A_613 = arith.constant 16 : i32
        %parallel_loop3A_614 = arith.muli %parallel_loop3A_605, %parallel_loop3A_613 : i32
        %parallel_loop3A_615 = arith.index_cast %parallel_loop3A_614 : i32 to index
        %parallel_loop3A_616 = tpu.vector_load %arg15[%parallel_loop3A_615] {strides = array<i32>} : memref<64xi32, #tpu.memory_space<vmem>>, vector<16xi32>,
        %parallel_loop3A_617 = arith.constant 15 : i32
        %parallel_loop3A_618 = vector.broadcast %parallel_loop3A_617 : i32 to vector<16xi32>
        %parallel_loop3A_619 = arith.andi %parallel_loop3A_616, %parallel_loop3A_618 : vector<16xi32>
        %parallel_loop3A_620 = arith.constant 3 : i32
        %parallel_loop3A_621 = vector.broadcast %parallel_loop3A_620 : i32 to vector<16xi32>
        %parallel_loop3A_622 = arith.shli %parallel_loop3A_619, %parallel_loop3A_621 : vector<16xi32>
        %parallel_loop3A_623 = arith.constant 1 : i32
        %parallel_loop3A_624 = vector.broadcast %parallel_loop3A_623 : i32 to vector<16xi32>
        %parallel_loop3A_625 = arith.constant 0 : i32
        %parallel_loop3A_626 = arith.constant 8 : i32
        %parallel_loop3A_627 = arith.constant 1 : i32
        scf.for %parallel_loop3A_628 = %parallel_loop3A_625 to %parallel_loop3A_626 step %parallel_loop3A_627  : i32 {
          %parallel_loop3A_629 = arith.constant 16 : i32
          %parallel_loop3A_630 = arith.muli %parallel_loop3A_628, %parallel_loop3A_629 : i32
          %parallel_loop3A_631 = vector.broadcast %parallel_loop3A_630 : i32 to vector<16xi32>
          %parallel_loop3A_632 = arith.constant 15 : i32
          %parallel_loop3A_633 = vector.broadcast %parallel_loop3A_632 : i32 to vector<16xi32>
          %parallel_loop3A_634 = arith.constant 0 : i32
          %parallel_loop3A_635 = arith.constant 8 : i32
          %parallel_loop3A_636 = arith.constant 1 : i32
          %parallel_loop3A_637:3 = scf.for %parallel_loop3A_649 = %parallel_loop3A_634 to %parallel_loop3A_635 step %parallel_loop3A_636 iter_args(%parallel_loop3A_650 = %broadcast_in_dim3A_1, %parallel_loop3A_651 = %broadcast_in_dim3A_1, %parallel_loop3A_652 = %iota3A) -> (vector<16xf32>, vector<16xf32>, vector<16xi32>)  : i32 {
            %parallel_loop3A_653 = arith.addi %parallel_loop3A_631, %parallel_loop3A_652 : vector<16xi32>
            %parallel_loop3A_654 = tpu.vector_load_idx %arg17[%parallel_loop3A_609, %parallel_loop3A_653] : memref<32x128xf32, #tpu.memory_space<vmem>>[vector<16xi32>, vector<16xi32>], vector<16xf32>,
            %parallel_loop3A_655 = tpu.vector_load_idx %arg19[%parallel_loop3A_609, %parallel_loop3A_653] : memref<32x256xf32, #tpu.memory_space<vmem>>[vector<16xi32>, vector<16xi32>], vector<16xf32>,
            %parallel_loop3A_656 = arith.addi %parallel_loop3A_652, %parallel_loop3A_624 : vector<16xi32>
            %parallel_loop3A_657 = arith.andi %parallel_loop3A_656, %parallel_loop3A_633 : vector<16xi32>
            %parallel_loop3A_658 = arith.addi %parallel_loop3A_631, %parallel_loop3A_657 : vector<16xi32>
            %parallel_loop3A_659 = tpu.vector_load_idx %arg17[%parallel_loop3A_609, %parallel_loop3A_658] : memref<32x128xf32, #tpu.memory_space<vmem>>[vector<16xi32>, vector<16xi32>], vector<16xf32>,
            %parallel_loop3A_660 = tpu.vector_load_idx %arg19[%parallel_loop3A_609, %parallel_loop3A_658] : memref<32x256xf32, #tpu.memory_space<vmem>>[vector<16xi32>, vector<16xi32>], vector<16xf32>,
            %parallel_loop3A_661 = arith.mulf %parallel_loop3A_654, %parallel_loop3A_655 : vector<16xf32>
            %parallel_loop3A_662 = arith.addf %parallel_loop3A_650, %parallel_loop3A_661 : vector<16xf32>
            %parallel_loop3A_663 = arith.mulf %parallel_loop3A_659, %parallel_loop3A_660 : vector<16xf32>
            %parallel_loop3A_664 = arith.addf %parallel_loop3A_651, %parallel_loop3A_663 : vector<16xf32>
            %parallel_loop3A_665 = arith.addi %parallel_loop3A_657, %parallel_loop3A_624 : vector<16xi32>
            %parallel_loop3A_666 = arith.andi %parallel_loop3A_665, %parallel_loop3A_633 : vector<16xi32>
            scf.yield %parallel_loop3A_662, %parallel_loop3A_664, %parallel_loop3A_666 : vector<16xf32>, vector<16xf32>, vector<16xi32>
          } {sc.loop_unroll_factor = 4 : i64, sc.parallel_access}
          %parallel_loop3A_638 = arith.addf %parallel_loop3A_637#0, %parallel_loop3A_637#1 : vector<16xf32>
          %parallel_loop3A_639 = math.exp %parallel_loop3A_638 : vector<16xf32>
          %parallel_loop3A_640 = arith.constant 128 : i32
          %parallel_loop3A_641 = vector.broadcast %parallel_loop3A_640 : i32 to vector<16xi32>
          %parallel_loop3A_642 = arith.addi %parallel_loop3A_631, %parallel_loop3A_641 : vector<16xi32>
          %parallel_loop3A_643 = arith.constant 0 : i32
          %parallel_loop3A_644 = arith.constant 16 : i32
          %parallel_loop3A_645 = arith.constant 1 : i32
          %parallel_loop3A_646 = scf.for %parallel_loop3A_649 = %parallel_loop3A_643 to %parallel_loop3A_644 step %parallel_loop3A_645 iter_args(%parallel_loop3A_650 = %iota3A) -> (vector<16xi32>)  : i32 {
            %parallel_loop3A_651 = arith.addi %parallel_loop3A_631, %parallel_loop3A_650 : vector<16xi32>
            %parallel_loop3A_652 = arith.addi %parallel_loop3A_642, %parallel_loop3A_650 : vector<16xi32>
            %parallel_loop3A_653 = tpu.vector_load_idx %arg19[%parallel_loop3A_609, %parallel_loop3A_652] : memref<32x256xf32, #tpu.memory_space<vmem>>[vector<16xi32>, vector<16xi32>], vector<16xf32>,
            %parallel_loop3A_654 = arith.mulf %parallel_loop3A_639, %parallel_loop3A_653 : vector<16xf32>
            tpu.vector_store_idx %arg21[%parallel_loop3A_609, %parallel_loop3A_651], %parallel_loop3A_654 : memref<64x128xf32, #tpu.memory_space<vmem>>[vector<16xi32>, vector<16xi32>], vector<16xf32>,
            %parallel_loop3A_655 = arith.addi %parallel_loop3A_650, %parallel_loop3A_624 : vector<16xi32>
            %parallel_loop3A_656 = arith.andi %parallel_loop3A_655, %parallel_loop3A_633 : vector<16xi32>
            scf.yield %parallel_loop3A_656 : vector<16xi32>
          } {sc.loop_unroll_factor = 4 : i64, sc.parallel_access}
          %parallel_loop3A_647 = vector.broadcast %parallel_loop3A_628 : i32 to vector<16xi32>
          %parallel_loop3A_648 = arith.addi %parallel_loop3A_622, %parallel_loop3A_647 : vector<16xi32>
          tpu.vector_store_idx %arg21[%parallel_loop3A_612, %parallel_loop3A_648], %parallel_loop3A_639 : memref<64x128xf32, #tpu.memory_space<vmem>>[vector<16xi32>, vector<16xi32>], vector<16xf32>,
        } {sc.loop_unroll_factor = 1 : i64, sc.parallel_access}
      } {sc.loop_unroll_factor = 1 : i64, sc.parallel_access}
      %dma_start3A_201 = arith.constant 0 : i32
      %dma_start3A_202 = arith.constant 0 : i32
      %dma_start3A_203 = tpu.memref_slice %arg23[%dma_start3A_201, %dma_start3A_202] : memref<10880x128xf32, #tpu.memory_space<vmem_shared>> -> memref<10880x128xf32, #tpu.memory_space<vmem_shared>>
      tpu.enqueue_indirect_dma source(%arg21 : memref<64x128xf32, #tpu.memory_space<vmem>>) target(%dma_start3A_203 : memref<10880x128xf32, #tpu.memory_space<vmem_shared>>) offsets(%arg15 : memref<64xi32, #tpu.memory_space<vmem>>) semaphore(%arg28 : memref<!tpu.dma_semaphore, #tpu.memory_space<semaphore_mem>>) {add = true}
      %add3A_204 = arith.constant 2 : i32
      %add3A_205 = arith.addi %add3A_101, %add3A_204 : i32
      %lt3A = arith.constant 316 : i32
      %lt3A_206 = arith.cmpi slt, %add3A_205, %lt3A : i32
      %convert_element_type3A_207 = arith.extui %lt3A_206 : i1 to i32
      %cond3A_208 = arith.constant 0 : i32
      %cond3A_209 = arith.cmpi ne, %convert_element_type3A_207, %cond3A_208 : i32
      scf.if %cond3A_209 {
        %add3A_605 = arith.constant 2 : i32
        %add3A_606 = arith.addi %add3A_101, %add3A_605 : i32
        %mul3A_607 = arith.constant 32 : i32
        %mul3A_608 = arith.muli %add3A_606, %mul3A_607 : i32
        %add3A_609 = arith.addi %mul3A_16, %mul3A_608 : i32
        %dma_wait3A_610 = tpu.memref_slice %arg4[%add3A_609] : memref<323584xi32, #tpu.memory_space<hbm>> -> memref<32xi32, #tpu.memory_space<hbm>>
        %dma_wait3A_611 = tpu.memref_slice %arg4[%add3A_609] : memref<323584xi32, #tpu.memory_space<hbm>> -> memref<32xi32, #tpu.memory_space<hbm>>
        tpu.wait_dma2 semaphore(%arg32 : memref<!tpu.dma_semaphore, #tpu.memory_space<semaphore_mem>>) src(%dma_wait3A_611 : memref<32xi32, #tpu.memory_space<hbm>>) dst(%arg9 : memref<32xi32, #tpu.memory_space<vmem>>)
        %mul3A_612 = arith.constant 32 : i32
        %mul3A_613 = arith.muli %add3A_606, %mul3A_612 : i32
        %add3A_614 = arith.addi %mul3A_16, %mul3A_613 : i32
        %dma_wait3A_615 = tpu.memref_slice %arg5[%add3A_614] : memref<323584xi32, #tpu.memory_space<hbm>> -> memref<32xi32, #tpu.memory_space<hbm>>
        %dma_wait3A_616 = tpu.memref_slice %arg5[%add3A_614] : memref<323584xi32, #tpu.memory_space<hbm>> -> memref<32xi32, #tpu.memory_space<hbm>>
        tpu.wait_dma2 semaphore(%arg32 : memref<!tpu.dma_semaphore, #tpu.memory_space<semaphore_mem>>) src(%dma_wait3A_616 : memref<32xi32, #tpu.memory_space<hbm>>) dst(%arg13 : memref<32xi32, #tpu.memory_space<vmem>>)
        %dma_start3A_617 = arith.constant 0 : i32
        %dma_start3A_618 = arith.constant 0 : i32
        %dma_start3A_619 = tpu.memref_slice %arg2[%dma_start3A_617, %dma_start3A_618] : memref<10240x128xf32, #tpu.memory_space<hbm>> -> memref<10240x128xf32, #tpu.memory_space<hbm>>
        tpu.enqueue_indirect_dma source(%dma_start3A_619 : memref<10240x128xf32, #tpu.memory_space<hbm>>) target(%arg17 : memref<32x128xf32, #tpu.memory_space<vmem>>) offsets(%arg13 : memref<32xi32, #tpu.memory_space<vmem>>) semaphore(%arg24 : memref<!tpu.dma_semaphore, #tpu.memory_space<semaphore_mem>>)
        %dma_start3A_620 = arith.constant 0 : i32
        %dma_start3A_621 = arith.constant 0 : i32
        %dma_start3A_622 = tpu.memref_slice %arg3[%dma_start3A_620, %dma_start3A_621] : memref<10240x256xf32, #tpu.memory_space<hbm>> -> memref<10240x256xf32, #tpu.memory_space<hbm>>
        tpu.enqueue_indirect_dma source(%dma_start3A_622 : memref<10240x256xf32, #tpu.memory_space<hbm>>) target(%arg19 : memref<32x256xf32, #tpu.memory_space<vmem>>) offsets(%arg9 : memref<32xi32, #tpu.memory_space<vmem>>) semaphore(%arg26 : memref<!tpu.dma_semaphore, #tpu.memory_space<semaphore_mem>>)
      } else {
      }
      %add3A_210 = arith.constant 4 : i32
      %add3A_211 = arith.addi %add3A_101, %add3A_210 : i32
      %lt3A_212 = arith.constant 316 : i32
      %lt3A_213 = arith.cmpi slt, %add3A_211, %lt3A_212 : i32
      %convert_element_type3A_214 = arith.extui %lt3A_213 : i1 to i32
      %cond3A_215 = arith.constant 0 : i32
      %cond3A_216 = arith.cmpi ne, %convert_element_type3A_214, %cond3A_215 : i32
      scf.if %cond3A_216 {
        %add3A_605 = arith.constant 4 : i32
        %add3A_606 = arith.addi %add3A_101, %add3A_605 : i32
        %mul3A_607 = arith.constant 32 : i32
        %mul3A_608 = arith.muli %add3A_606, %mul3A_607 : i32
        %add3A_609 = arith.addi %mul3A_16, %mul3A_608 : i32
        %dma_start3A_610 = tpu.memref_slice %arg4[%add3A_609] : memref<323584xi32, #tpu.memory_space<hbm>> -> memref<32xi32, #tpu.memory_space<hbm>>
        %dma_start3A_611 = tpu.memref_slice %arg4[%add3A_609] : memref<323584xi32, #tpu.memory_space<hbm>> -> memref<32xi32, #tpu.memory_space<hbm>>
        tpu.enqueue_dma source(%dma_start3A_611 : memref<32xi32, #tpu.memory_space<hbm>>) target(%arg7 : memref<32xi32, #tpu.memory_space<vmem>>) target_semaphore(%arg30 : memref<!tpu.dma_semaphore, #tpu.memory_space<semaphore_mem>>)
        %mul3A_612 = arith.constant 32 : i32
        %mul3A_613 = arith.muli %add3A_606, %mul3A_612 : i32
        %add3A_614 = arith.addi %mul3A_16, %mul3A_613 : i32
        %dma_start3A_615 = tpu.memref_slice %arg5[%add3A_614] : memref<323584xi32, #tpu.memory_space<hbm>> -> memref<32xi32, #tpu.memory_space<hbm>>
        %dma_start3A_616 = tpu.memref_slice %arg5[%add3A_614] : memref<323584xi32, #tpu.memory_space<hbm>> -> memref<32xi32, #tpu.memory_space<hbm>>
        tpu.enqueue_dma source(%dma_start3A_616 : memref<32xi32, #tpu.memory_space<hbm>>) target(%arg11 : memref<32xi32, #tpu.memory_space<vmem>>) target_semaphore(%arg30 : memref<!tpu.dma_semaphore, #tpu.memory_space<semaphore_mem>>)
      } else {
      }
      %mul3A_217 = arith.constant 4 : i32
      %mul3A_218 = arith.muli %scan3A_96, %mul3A_217 : i32
      %add3A_219 = arith.constant 1 : i32
      %add3A_220 = arith.addi %mul3A_218, %add3A_219 : i32
      %dma_wait3A_221 = arith.constant 0 : i32
      %dma_wait3A_222 = arith.constant 0 : i32
      %dma_wait3A_223 = tpu.memref_slice %arg2[%dma_wait3A_221, %dma_wait3A_222] : memref<10240x128xf32, #tpu.memory_space<hbm>> -> memref<10240x128xf32, #tpu.memory_space<hbm>>
      tpu.wait_indirect_dma semaphore(%arg25 : memref<!tpu.dma_semaphore, #tpu.memory_space<semaphore_mem>>) src(%dma_wait3A_223 : memref<10240x128xf32, #tpu.memory_space<hbm>>) dst(%arg18 : memref<32x128xf32, #tpu.memory_space<vmem>>)
      %dma_wait3A_224 = arith.constant 0 : i32
      %dma_wait3A_225 = arith.constant 0 : i32
      %dma_wait3A_226 = tpu.memref_slice %arg3[%dma_wait3A_224, %dma_wait3A_225] : memref<10240x256xf32, #tpu.memory_space<hbm>> -> memref<10240x256xf32, #tpu.memory_space<hbm>>
      tpu.wait_indirect_dma semaphore(%arg27 : memref<!tpu.dma_semaphore, #tpu.memory_space<semaphore_mem>>) src(%dma_wait3A_226 : memref<10240x256xf32, #tpu.memory_space<hbm>>) dst(%arg20 : memref<32x256xf32, #tpu.memory_space<vmem>>)
      %ge3A_227 = arith.constant 2 : i32
      %ge3A_228 = arith.cmpi sge, %add3A_220, %ge3A_227 : i32
      %convert_element_type3A_229 = arith.extui %ge3A_228 : i1 to i32
      %cond3A_230 = arith.constant 0 : i32
      %cond3A_231 = arith.cmpi ne, %convert_element_type3A_229, %cond3A_230 : i32
      scf.if %cond3A_231 {
        %dma_wait3A_605 = arith.constant 0 : i32
        %dma_wait3A_606 = arith.constant 0 : i32
        %dma_wait3A_607 = tpu.memref_slice %arg23[%dma_wait3A_605, %dma_wait3A_606] : memref<10880x128xf32, #tpu.memory_space<vmem_shared>> -> memref<10880x128xf32, #tpu.memory_space<vmem_shared>>
        tpu.wait_indirect_dma semaphore(%arg29 : memref<!tpu.dma_semaphore, #tpu.memory_space<semaphore_mem>>) src(%arg22 : memref<64x128xf32, #tpu.memory_space<vmem>>) dst(%dma_wait3A_607 : memref<10880x128xf32, #tpu.memory_space<vmem_shared>>)
      } else {
      }
      %add3A_232 = arith.constant 32 : i32
      %add3A_233 = vector.broadcast %add3A_232 : i32 to vector<16xi32>
      %add3A_234 = arith.addi %add3A_233, %iota3A : vector<16xi32>
      %get3A_235 = arith.constant 0 : index
      %get3A_236 = tpu.vector_load %arg16[%get3A_235] {strides = array<i32>} : memref<64xi32, #tpu.memory_space<vmem>>, vector<16xi32>,
      %and3A_237 = arith.constant 15 : i32
      %and3A_238 = vector.broadcast %and3A_237 : i32 to vector<16xi32>
      %and3A_239 = arith.andi %get3A_236, %and3A_238 : vector<16xi32>
      %shift_left3A_240 = arith.constant 3 : i32
      %shift_left3A_241 = vector.broadcast %shift_left3A_240 : i32 to vector<16xi32>
      %shift_left3A_242 = arith.shli %and3A_239, %shift_left3A_241 : vector<16xi32>
      %add3A_243 = arith.constant 0 : i32
      %add3A_244 = vector.broadcast %add3A_243 : i32 to vector<16xi32>
      %add3A_245 = arith.addi %shift_left3A_242, %add3A_244 : vector<16xi32>
      tpu.vector_store_idx %arg22[%add3A_234, %add3A_245], %broadcast_in_dim3A_1 : memref<64x128xf32, #tpu.memory_space<vmem>>[vector<16xi32>, vector<16xi32>], vector<16xf32>,
      %add3A_246 = arith.constant 1 : i32
      %add3A_247 = vector.broadcast %add3A_246 : i32 to vector<16xi32>
      %add3A_248 = arith.addi %shift_left3A_242, %add3A_247 : vector<16xi32>
      tpu.vector_store_idx %arg22[%add3A_234, %add3A_248], %broadcast_in_dim3A_1 : memref<64x128xf32, #tpu.memory_space<vmem>>[vector<16xi32>, vector<16xi32>], vector<16xf32>,
      %add3A_249 = arith.constant 2 : i32
      %add3A_250 = vector.broadcast %add3A_249 : i32 to vector<16xi32>
      %add3A_251 = arith.addi %shift_left3A_242, %add3A_250 : vector<16xi32>
      tpu.vector_store_idx %arg22[%add3A_234, %add3A_251], %broadcast_in_dim3A_1 : memref<64x128xf32, #tpu.memory_space<vmem>>[vector<16xi32>, vector<16xi32>], vector<16xf32>,
      %add3A_252 = arith.constant 3 : i32
      %add3A_253 = vector.broadcast %add3A_252 : i32 to vector<16xi32>
      %add3A_254 = arith.addi %shift_left3A_242, %add3A_253 : vector<16xi32>
      tpu.vector_store_idx %arg22[%add3A_234, %add3A_254], %broadcast_in_dim3A_1 : memref<64x128xf32, #tpu.memory_space<vmem>>[vector<16xi32>, vector<16xi32>], vector<16xf32>,
      %add3A_255 = arith.constant 4 : i32
      %add3A_256 = vector.broadcast %add3A_255 : i32 to vector<16xi32>
      %add3A_257 = arith.addi %shift_left3A_242, %add3A_256 : vector<16xi32>
      tpu.vector_store_idx %arg22[%add3A_234, %add3A_257], %broadcast_in_dim3A_1 : memref<64x128xf32, #tpu.memory_space<vmem>>[vector<16xi32>, vector<16xi32>], vector<16xf32>,
      %add3A_258 = arith.constant 5 : i32
      %add3A_259 = vector.broadcast %add3A_258 : i32 to vector<16xi32>
      %add3A_260 = arith.addi %shift_left3A_242, %add3A_259 : vector<16xi32>
      tpu.vector_store_idx %arg22[%add3A_234, %add3A_260], %broadcast_in_dim3A_1 : memref<64x128xf32, #tpu.memory_space<vmem>>[vector<16xi32>, vector<16xi32>], vector<16xf32>,
      %add3A_261 = arith.constant 6 : i32
      %add3A_262 = vector.broadcast %add3A_261 : i32 to vector<16xi32>
      %add3A_263 = arith.addi %shift_left3A_242, %add3A_262 : vector<16xi32>
      tpu.vector_store_idx %arg22[%add3A_234, %add3A_263], %broadcast_in_dim3A_1 : memref<64x128xf32, #tpu.memory_space<vmem>>[vector<16xi32>, vector<16xi32>], vector<16xf32>,
      %add3A_264 = arith.constant 7 : i32
      %add3A_265 = vector.broadcast %add3A_264 : i32 to vector<16xi32>
      %add3A_266 = arith.addi %shift_left3A_242, %add3A_265 : vector<16xi32>
      tpu.vector_store_idx %arg22[%add3A_234, %add3A_266], %broadcast_in_dim3A_1 : memref<64x128xf32, #tpu.memory_space<vmem>>[vector<16xi32>, vector<16xi32>], vector<16xf32>,
      %add3A_267 = arith.constant 48 : i32
      %add3A_268 = vector.broadcast %add3A_267 : i32 to vector<16xi32>
      %add3A_269 = arith.addi %add3A_268, %iota3A : vector<16xi32>
      %get3A_270 = arith.constant 16 : index
      %get3A_271 = tpu.vector_load %arg16[%get3A_270] {strides = array<i32>} : memref<64xi32, #tpu.memory_space<vmem>>, vector<16xi32>,
      %and3A_272 = arith.constant 15 : i32
      %and3A_273 = vector.broadcast %and3A_272 : i32 to vector<16xi32>
      %and3A_274 = arith.andi %get3A_271, %and3A_273 : vector<16xi32>
      %shift_left3A_275 = arith.constant 3 : i32
      %shift_left3A_276 = vector.broadcast %shift_left3A_275 : i32 to vector<16xi32>
      %shift_left3A_277 = arith.shli %and3A_274, %shift_left3A_276 : vector<16xi32>
      %add3A_278 = arith.constant 0 : i32
      %add3A_279 = vector.broadcast %add3A_278 : i32 to vector<16xi32>
      %add3A_280 = arith.addi %shift_left3A_277, %add3A_279 : vector<16xi32>
      tpu.vector_store_idx %arg22[%add3A_269, %add3A_280], %broadcast_in_dim3A_1 : memref<64x128xf32, #tpu.memory_space<vmem>>[vector<16xi32>, vector<16xi32>], vector<16xf32>,
      %add3A_281 = arith.constant 1 : i32
      %add3A_282 = vector.broadcast %add3A_281 : i32 to vector<16xi32>
      %add3A_283 = arith.addi %shift_left3A_277, %add3A_282 : vector<16xi32>
      tpu.vector_store_idx %arg22[%add3A_269, %add3A_283], %broadcast_in_dim3A_1 : memref<64x128xf32, #tpu.memory_space<vmem>>[vector<16xi32>, vector<16xi32>], vector<16xf32>,
      %add3A_284 = arith.constant 2 : i32
      %add3A_285 = vector.broadcast %add3A_284 : i32 to vector<16xi32>
      %add3A_286 = arith.addi %shift_left3A_277, %add3A_285 : vector<16xi32>
      tpu.vector_store_idx %arg22[%add3A_269, %add3A_286], %broadcast_in_dim3A_1 : memref<64x128xf32, #tpu.memory_space<vmem>>[vector<16xi32>, vector<16xi32>], vector<16xf32>,
      %add3A_287 = arith.constant 3 : i32
      %add3A_288 = vector.broadcast %add3A_287 : i32 to vector<16xi32>
      %add3A_289 = arith.addi %shift_left3A_277, %add3A_288 : vector<16xi32>
      tpu.vector_store_idx %arg22[%add3A_269, %add3A_289], %broadcast_in_dim3A_1 : memref<64x128xf32, #tpu.memory_space<vmem>>[vector<16xi32>, vector<16xi32>], vector<16xf32>,
      %add3A_290 = arith.constant 4 : i32
      %add3A_291 = vector.broadcast %add3A_290 : i32 to vector<16xi32>
      %add3A_292 = arith.addi %shift_left3A_277, %add3A_291 : vector<16xi32>
      tpu.vector_store_idx %arg22[%add3A_269, %add3A_292], %broadcast_in_dim3A_1 : memref<64x128xf32, #tpu.memory_space<vmem>>[vector<16xi32>, vector<16xi32>], vector<16xf32>,
      %add3A_293 = arith.constant 5 : i32
      %add3A_294 = vector.broadcast %add3A_293 : i32 to vector<16xi32>
      %add3A_295 = arith.addi %shift_left3A_277, %add3A_294 : vector<16xi32>
      tpu.vector_store_idx %arg22[%add3A_269, %add3A_295], %broadcast_in_dim3A_1 : memref<64x128xf32, #tpu.memory_space<vmem>>[vector<16xi32>, vector<16xi32>], vector<16xf32>,
      %add3A_296 = arith.constant 6 : i32
      %add3A_297 = vector.broadcast %add3A_296 : i32 to vector<16xi32>
      %add3A_298 = arith.addi %shift_left3A_277, %add3A_297 : vector<16xi32>
      tpu.vector_store_idx %arg22[%add3A_269, %add3A_298], %broadcast_in_dim3A_1 : memref<64x128xf32, #tpu.memory_space<vmem>>[vector<16xi32>, vector<16xi32>], vector<16xf32>,
      %add3A_299 = arith.constant 7 : i32
      %add3A_300 = vector.broadcast %add3A_299 : i32 to vector<16xi32>
      %add3A_301 = arith.addi %shift_left3A_277, %add3A_300 : vector<16xi32>
      tpu.vector_store_idx %arg22[%add3A_269, %add3A_301], %broadcast_in_dim3A_1 : memref<64x128xf32, #tpu.memory_space<vmem>>[vector<16xi32>, vector<16xi32>], vector<16xf32>,
      %get3A_302 = arith.constant 0 : index
      %get3A_303 = tpu.vector_load %arg12[%get3A_302] {strides = array<i32>} : memref<32xi32, #tpu.memory_space<vmem>>, vector<16xi32>,
      %swap3A_304 = arith.constant 0 : index
      %swap3A_305 = tpu.vector_load %arg16[%swap3A_304] {strides = array<i32>} : memref<64xi32, #tpu.memory_space<vmem>>, vector<16xi32>,
      tpu.vector_store %arg16[%swap3A_304], %get3A_303 {strides = array<i32>} : memref<64xi32, #tpu.memory_space<vmem>>, vector<16xi32>,
      %shift_right_logical3A_306 = arith.constant 4 : i32
      %shift_right_logical3A_307 = vector.broadcast %shift_right_logical3A_306 : i32 to vector<16xi32>
      %shift_right_logical3A_308 = arith.shrui %get3A_303, %shift_right_logical3A_307 : vector<16xi32>
      %add3A_309 = arith.constant 10240 : i32
      %add3A_310 = vector.broadcast %add3A_309 : i32 to vector<16xi32>
      %add3A_311 = arith.addi %add3A_310, %shift_right_logical3A_308 : vector<16xi32>
      %swap3A_312 = arith.constant 32 : index
      %swap3A_313 = tpu.vector_load %arg16[%swap3A_312] {strides = array<i32>} : memref<64xi32, #tpu.memory_space<vmem>>, vector<16xi32>,
      tpu.vector_store %arg16[%swap3A_312], %add3A_311 {strides = array<i32>} : memref<64xi32, #tpu.memory_space<vmem>>, vector<16xi32>,
      %get3A_314 = arith.constant 16 : index
      %get3A_315 = tpu.vector_load %arg12[%get3A_314] {strides = array<i32>} : memref<32xi32, #tpu.memory_space<vmem>>, vector<16xi32>,
      %swap3A_316 = arith.constant 16 : index
      %swap3A_317 = tpu.vector_load %arg16[%swap3A_316] {strides = array<i32>} : memref<64xi32, #tpu.memory_space<vmem>>, vector<16xi32>,
      tpu.vector_store %arg16[%swap3A_316], %get3A_315 {strides = array<i32>} : memref<64xi32, #tpu.memory_space<vmem>>, vector<16xi32>,
      %shift_right_logical3A_318 = arith.constant 4 : i32
      %shift_right_logical3A_319 = vector.broadcast %shift_right_logical3A_318 : i32 to vector<16xi32>
      %shift_right_logical3A_320 = arith.shrui %get3A_315, %shift_right_logical3A_319 : vector<16xi32>
      %add3A_321 = arith.constant 10240 : i32
      %add3A_322 = vector.broadcast %add3A_321 : i32 to vector<16xi32>
      %add3A_323 = arith.addi %add3A_322, %shift_right_logical3A_320 : vector<16xi32>
      %swap3A_324 = arith.constant 48 : index
      %swap3A_325 = tpu.vector_load %arg16[%swap3A_324] {strides = array<i32>} : memref<64xi32, #tpu.memory_space<vmem>>, vector<16xi32>,
      tpu.vector_store %arg16[%swap3A_324], %add3A_323 {strides = array<i32>} : memref<64xi32, #tpu.memory_space<vmem>>, vector<16xi32>,
      %parallel_loop3A_326 = arith.constant 0 : i32
      %parallel_loop3A_327 = arith.constant 2 : i32
      %parallel_loop3A_328 = arith.constant 1 : i32
      scf.for %parallel_loop3A_605 = %parallel_loop3A_326 to %parallel_loop3A_327 step %parallel_loop3A_328  : i32 {
        %parallel_loop3A_606 = arith.constant 16 : i32
        %parallel_loop3A_607 = arith.muli %parallel_loop3A_605, %parallel_loop3A_606 : i32
        %parallel_loop3A_608 = vector.broadcast %parallel_loop3A_607 : i32 to vector<16xi32>
        %parallel_loop3A_609 = arith.addi %parallel_loop3A_608, %iota3A : vector<16xi32>
        %parallel_loop3A_610 = arith.constant 32 : i32
        %parallel_loop3A_611 = vector.broadcast %parallel_loop3A_610 : i32 to vector<16xi32>
        %parallel_loop3A_612 = arith.addi %parallel_loop3A_609, %parallel_loop3A_611 : vector<16xi32>
        %parallel_loop3A_613 = arith.constant 16 : i32
        %parallel_loop3A_614 = arith.muli %parallel_loop3A_605, %parallel_loop3A_613 : i32
        %parallel_loop3A_615 = arith.index_cast %parallel_loop3A_614 : i32 to index
        %parallel_loop3A_616 = tpu.vector_load %arg16[%parallel_loop3A_615] {strides = array<i32>} : memref<64xi32, #tpu.memory_space<vmem>>, vector<16xi32>,
        %parallel_loop3A_617 = arith.constant 15 : i32
        %parallel_loop3A_618 = vector.broadcast %parallel_loop3A_617 : i32 to vector<16xi32>
        %parallel_loop3A_619 = arith.andi %parallel_loop3A_616, %parallel_loop3A_618 : vector<16xi32>
        %parallel_loop3A_620 = arith.constant 3 : i32
        %parallel_loop3A_621 = vector.broadcast %parallel_loop3A_620 : i32 to vector<16xi32>
        %parallel_loop3A_622 = arith.shli %parallel_loop3A_619, %parallel_loop3A_621 : vector<16xi32>
        %parallel_loop3A_623 = arith.constant 1 : i32
        %parallel_loop3A_624 = vector.broadcast %parallel_loop3A_623 : i32 to vector<16xi32>
        %parallel_loop3A_625 = arith.constant 0 : i32
        %parallel_loop3A_626 = arith.constant 8 : i32
        %parallel_loop3A_627 = arith.constant 1 : i32
        scf.for %parallel_loop3A_628 = %parallel_loop3A_625 to %parallel_loop3A_626 step %parallel_loop3A_627  : i32 {
          %parallel_loop3A_629 = arith.constant 16 : i32
          %parallel_loop3A_630 = arith.muli %parallel_loop3A_628, %parallel_loop3A_629 : i32
          %parallel_loop3A_631 = vector.broadcast %parallel_loop3A_630 : i32 to vector<16xi32>
          %parallel_loop3A_632 = arith.constant 15 : i32
          %parallel_loop3A_633 = vector.broadcast %parallel_loop3A_632 : i32 to vector<16xi32>
          %parallel_loop3A_634 = arith.constant 0 : i32
          %parallel_loop3A_635 = arith.constant 8 : i32
          %parallel_loop3A_636 = arith.constant 1 : i32
          %parallel_loop3A_637:3 = scf.for %parallel_loop3A_649 = %parallel_loop3A_634 to %parallel_loop3A_635 step %parallel_loop3A_636 iter_args(%parallel_loop3A_650 = %broadcast_in_dim3A_1, %parallel_loop3A_651 = %broadcast_in_dim3A_1, %parallel_loop3A_652 = %iota3A) -> (vector<16xf32>, vector<16xf32>, vector<16xi32>)  : i32 {
            %parallel_loop3A_653 = arith.addi %parallel_loop3A_631, %parallel_loop3A_652 : vector<16xi32>
            %parallel_loop3A_654 = tpu.vector_load_idx %arg18[%parallel_loop3A_609, %parallel_loop3A_653] : memref<32x128xf32, #tpu.memory_space<vmem>>[vector<16xi32>, vector<16xi32>], vector<16xf32>,
            %parallel_loop3A_655 = tpu.vector_load_idx %arg20[%parallel_loop3A_609, %parallel_loop3A_653] : memref<32x256xf32, #tpu.memory_space<vmem>>[vector<16xi32>, vector<16xi32>], vector<16xf32>,
            %parallel_loop3A_656 = arith.addi %parallel_loop3A_652, %parallel_loop3A_624 : vector<16xi32>
            %parallel_loop3A_657 = arith.andi %parallel_loop3A_656, %parallel_loop3A_633 : vector<16xi32>
            %parallel_loop3A_658 = arith.addi %parallel_loop3A_631, %parallel_loop3A_657 : vector<16xi32>
            %parallel_loop3A_659 = tpu.vector_load_idx %arg18[%parallel_loop3A_609, %parallel_loop3A_658] : memref<32x128xf32, #tpu.memory_space<vmem>>[vector<16xi32>, vector<16xi32>], vector<16xf32>,
            %parallel_loop3A_660 = tpu.vector_load_idx %arg20[%parallel_loop3A_609, %parallel_loop3A_658] : memref<32x256xf32, #tpu.memory_space<vmem>>[vector<16xi32>, vector<16xi32>], vector<16xf32>,
            %parallel_loop3A_661 = arith.mulf %parallel_loop3A_654, %parallel_loop3A_655 : vector<16xf32>
            %parallel_loop3A_662 = arith.addf %parallel_loop3A_650, %parallel_loop3A_661 : vector<16xf32>
            %parallel_loop3A_663 = arith.mulf %parallel_loop3A_659, %parallel_loop3A_660 : vector<16xf32>
            %parallel_loop3A_664 = arith.addf %parallel_loop3A_651, %parallel_loop3A_663 : vector<16xf32>
            %parallel_loop3A_665 = arith.addi %parallel_loop3A_657, %parallel_loop3A_624 : vector<16xi32>
            %parallel_loop3A_666 = arith.andi %parallel_loop3A_665, %parallel_loop3A_633 : vector<16xi32>
            scf.yield %parallel_loop3A_662, %parallel_loop3A_664, %parallel_loop3A_666 : vector<16xf32>, vector<16xf32>, vector<16xi32>
          } {sc.loop_unroll_factor = 4 : i64, sc.parallel_access}
          %parallel_loop3A_638 = arith.addf %parallel_loop3A_637#0, %parallel_loop3A_637#1 : vector<16xf32>
          %parallel_loop3A_639 = math.exp %parallel_loop3A_638 : vector<16xf32>
          %parallel_loop3A_640 = arith.constant 128 : i32
          %parallel_loop3A_641 = vector.broadcast %parallel_loop3A_640 : i32 to vector<16xi32>
          %parallel_loop3A_642 = arith.addi %parallel_loop3A_631, %parallel_loop3A_641 : vector<16xi32>
          %parallel_loop3A_643 = arith.constant 0 : i32
          %parallel_loop3A_644 = arith.constant 16 : i32
          %parallel_loop3A_645 = arith.constant 1 : i32
          %parallel_loop3A_646 = scf.for %parallel_loop3A_649 = %parallel_loop3A_643 to %parallel_loop3A_644 step %parallel_loop3A_645 iter_args(%parallel_loop3A_650 = %iota3A) -> (vector<16xi32>)  : i32 {
            %parallel_loop3A_651 = arith.addi %parallel_loop3A_631, %parallel_loop3A_650 : vector<16xi32>
            %parallel_loop3A_652 = arith.addi %parallel_loop3A_642, %parallel_loop3A_650 : vector<16xi32>
            %parallel_loop3A_653 = tpu.vector_load_idx %arg20[%parallel_loop3A_609, %parallel_loop3A_652] : memref<32x256xf32, #tpu.memory_space<vmem>>[vector<16xi32>, vector<16xi32>], vector<16xf32>,
            %parallel_loop3A_654 = arith.mulf %parallel_loop3A_639, %parallel_loop3A_653 : vector<16xf32>
            tpu.vector_store_idx %arg22[%parallel_loop3A_609, %parallel_loop3A_651], %parallel_loop3A_654 : memref<64x128xf32, #tpu.memory_space<vmem>>[vector<16xi32>, vector<16xi32>], vector<16xf32>,
            %parallel_loop3A_655 = arith.addi %parallel_loop3A_650, %parallel_loop3A_624 : vector<16xi32>
            %parallel_loop3A_656 = arith.andi %parallel_loop3A_655, %parallel_loop3A_633 : vector<16xi32>
            scf.yield %parallel_loop3A_656 : vector<16xi32>
          } {sc.loop_unroll_factor = 4 : i64, sc.parallel_access}
          %parallel_loop3A_647 = vector.broadcast %parallel_loop3A_628 : i32 to vector<16xi32>
          %parallel_loop3A_648 = arith.addi %parallel_loop3A_622, %parallel_loop3A_647 : vector<16xi32>
          tpu.vector_store_idx %arg22[%parallel_loop3A_612, %parallel_loop3A_648], %parallel_loop3A_639 : memref<64x128xf32, #tpu.memory_space<vmem>>[vector<16xi32>, vector<16xi32>], vector<16xf32>,
        } {sc.loop_unroll_factor = 1 : i64, sc.parallel_access}
      } {sc.loop_unroll_factor = 1 : i64, sc.parallel_access}
      %dma_start3A_329 = arith.constant 0 : i32
      %dma_start3A_330 = arith.constant 0 : i32
      %dma_start3A_331 = tpu.memref_slice %arg23[%dma_start3A_329, %dma_start3A_330] : memref<10880x128xf32, #tpu.memory_space<vmem_shared>> -> memref<10880x128xf32, #tpu.memory_space<vmem_shared>>
      tpu.enqueue_indirect_dma source(%arg22 : memref<64x128xf32, #tpu.memory_space<vmem>>) target(%dma_start3A_331 : memref<10880x128xf32, #tpu.memory_space<vmem_shared>>) offsets(%arg16 : memref<64xi32, #tpu.memory_space<vmem>>) semaphore(%arg29 : memref<!tpu.dma_semaphore, #tpu.memory_space<semaphore_mem>>) {add = true}
      %add3A_332 = arith.constant 2 : i32
      %add3A_333 = arith.addi %add3A_220, %add3A_332 : i32
      %lt3A_334 = arith.constant 316 : i32
      %lt3A_335 = arith.cmpi slt, %add3A_333, %lt3A_334 : i32
      %convert_element_type3A_336 = arith.extui %lt3A_335 : i1 to i32
      %cond3A_337 = arith.constant 0 : i32
      %cond3A_338 = arith.cmpi ne, %convert_element_type3A_336, %cond3A_337 : i32
      scf.if %cond3A_338 {
        %add3A_605 = arith.constant 2 : i32
        %add3A_606 = arith.addi %add3A_220, %add3A_605 : i32
        %mul3A_607 = arith.constant 32 : i32
        %mul3A_608 = arith.muli %add3A_606, %mul3A_607 : i32
        %add3A_609 = arith.addi %mul3A_16, %mul3A_608 : i32
        %dma_wait3A_610 = tpu.memref_slice %arg4[%add3A_609] : memref<323584xi32, #tpu.memory_space<hbm>> -> memref<32xi32, #tpu.memory_space<hbm>>
        %dma_wait3A_611 = tpu.memref_slice %arg4[%add3A_609] : memref<323584xi32, #tpu.memory_space<hbm>> -> memref<32xi32, #tpu.memory_space<hbm>>
        tpu.wait_dma2 semaphore(%arg33 : memref<!tpu.dma_semaphore, #tpu.memory_space<semaphore_mem>>) src(%dma_wait3A_611 : memref<32xi32, #tpu.memory_space<hbm>>) dst(%arg10 : memref<32xi32, #tpu.memory_space<vmem>>)
        %mul3A_612 = arith.constant 32 : i32
        %mul3A_613 = arith.muli %add3A_606, %mul3A_612 : i32
        %add3A_614 = arith.addi %mul3A_16, %mul3A_613 : i32
        %dma_wait3A_615 = tpu.memref_slice %arg5[%add3A_614] : memref<323584xi32, #tpu.memory_space<hbm>> -> memref<32xi32, #tpu.memory_space<hbm>>
        %dma_wait3A_616 = tpu.memref_slice %arg5[%add3A_614] : memref<323584xi32, #tpu.memory_space<hbm>> -> memref<32xi32, #tpu.memory_space<hbm>>
        tpu.wait_dma2 semaphore(%arg33 : memref<!tpu.dma_semaphore, #tpu.memory_space<semaphore_mem>>) src(%dma_wait3A_616 : memref<32xi32, #tpu.memory_space<hbm>>) dst(%arg14 : memref<32xi32, #tpu.memory_space<vmem>>)
        %dma_start3A_617 = arith.constant 0 : i32
        %dma_start3A_618 = arith.constant 0 : i32
        %dma_start3A_619 = tpu.memref_slice %arg2[%dma_start3A_617, %dma_start3A_618] : memref<10240x128xf32, #tpu.memory_space<hbm>> -> memref<10240x128xf32, #tpu.memory_space<hbm>>
        tpu.enqueue_indirect_dma source(%dma_start3A_619 : memref<10240x128xf32, #tpu.memory_space<hbm>>) target(%arg18 : memref<32x128xf32, #tpu.memory_space<vmem>>) offsets(%arg14 : memref<32xi32, #tpu.memory_space<vmem>>) semaphore(%arg25 : memref<!tpu.dma_semaphore, #tpu.memory_space<semaphore_mem>>)
        %dma_start3A_620 = arith.constant 0 : i32
        %dma_start3A_621 = arith.constant 0 : i32
        %dma_start3A_622 = tpu.memref_slice %arg3[%dma_start3A_620, %dma_start3A_621] : memref<10240x256xf32, #tpu.memory_space<hbm>> -> memref<10240x256xf32, #tpu.memory_space<hbm>>
        tpu.enqueue_indirect_dma source(%dma_start3A_622 : memref<10240x256xf32, #tpu.memory_space<hbm>>) target(%arg20 : memref<32x256xf32, #tpu.memory_space<vmem>>) offsets(%arg10 : memref<32xi32, #tpu.memory_space<vmem>>) semaphore(%arg27 : memref<!tpu.dma_semaphore, #tpu.memory_space<semaphore_mem>>)
      } else {
      }
      %add3A_339 = arith.constant 4 : i32
      %add3A_340 = arith.addi %add3A_220, %add3A_339 : i32
      %lt3A_341 = arith.constant 316 : i32
      %lt3A_342 = arith.cmpi slt, %add3A_340, %lt3A_341 : i32
      %convert_element_type3A_343 = arith.extui %lt3A_342 : i1 to i32
      %cond3A_344 = arith.constant 0 : i32
      %cond3A_345 = arith.cmpi ne, %convert_element_type3A_343, %cond3A_344 : i32
      scf.if %cond3A_345 {
        %add3A_605 = arith.constant 4 : i32
        %add3A_606 = arith.addi %add3A_220, %add3A_605 : i32
        %mul3A_607 = arith.constant 32 : i32
        %mul3A_608 = arith.muli %add3A_606, %mul3A_607 : i32
        %add3A_609 = arith.addi %mul3A_16, %mul3A_608 : i32
        %dma_start3A_610 = tpu.memref_slice %arg4[%add3A_609] : memref<323584xi32, #tpu.memory_space<hbm>> -> memref<32xi32, #tpu.memory_space<hbm>>
        %dma_start3A_611 = tpu.memref_slice %arg4[%add3A_609] : memref<323584xi32, #tpu.memory_space<hbm>> -> memref<32xi32, #tpu.memory_space<hbm>>
        tpu.enqueue_dma source(%dma_start3A_611 : memref<32xi32, #tpu.memory_space<hbm>>) target(%arg8 : memref<32xi32, #tpu.memory_space<vmem>>) target_semaphore(%arg31 : memref<!tpu.dma_semaphore, #tpu.memory_space<semaphore_mem>>)
        %mul3A_612 = arith.constant 32 : i32
        %mul3A_613 = arith.muli %add3A_606, %mul3A_612 : i32
        %add3A_614 = arith.addi %mul3A_16, %mul3A_613 : i32
        %dma_start3A_615 = tpu.memref_slice %arg5[%add3A_614] : memref<323584xi32, #tpu.memory_space<hbm>> -> memref<32xi32, #tpu.memory_space<hbm>>
        %dma_start3A_616 = tpu.memref_slice %arg5[%add3A_614] : memref<323584xi32, #tpu.memory_space<hbm>> -> memref<32xi32, #tpu.memory_space<hbm>>
        tpu.enqueue_dma source(%dma_start3A_616 : memref<32xi32, #tpu.memory_space<hbm>>) target(%arg12 : memref<32xi32, #tpu.memory_space<vmem>>) target_semaphore(%arg31 : memref<!tpu.dma_semaphore, #tpu.memory_space<semaphore_mem>>)
      } else {
      }
      %mul3A_346 = arith.constant 4 : i32
      %mul3A_347 = arith.muli %scan3A_96, %mul3A_346 : i32
      %add3A_348 = arith.constant 2 : i32
      %add3A_349 = arith.addi %mul3A_347, %add3A_348 : i32
      %dma_wait3A_350 = arith.constant 0 : i32
      %dma_wait3A_351 = arith.constant 0 : i32
      %dma_wait3A_352 = tpu.memref_slice %arg2[%dma_wait3A_350, %dma_wait3A_351] : memref<10240x128xf32, #tpu.memory_space<hbm>> -> memref<10240x128xf32, #tpu.memory_space<hbm>>
      tpu.wait_indirect_dma semaphore(%arg24 : memref<!tpu.dma_semaphore, #tpu.memory_space<semaphore_mem>>) src(%dma_wait3A_352 : memref<10240x128xf32, #tpu.memory_space<hbm>>) dst(%arg17 : memref<32x128xf32, #tpu.memory_space<vmem>>)
      %dma_wait3A_353 = arith.constant 0 : i32
      %dma_wait3A_354 = arith.constant 0 : i32
      %dma_wait3A_355 = tpu.memref_slice %arg3[%dma_wait3A_353, %dma_wait3A_354] : memref<10240x256xf32, #tpu.memory_space<hbm>> -> memref<10240x256xf32, #tpu.memory_space<hbm>>
      tpu.wait_indirect_dma semaphore(%arg26 : memref<!tpu.dma_semaphore, #tpu.memory_space<semaphore_mem>>) src(%dma_wait3A_355 : memref<10240x256xf32, #tpu.memory_space<hbm>>) dst(%arg19 : memref<32x256xf32, #tpu.memory_space<vmem>>)
      %ge3A_356 = arith.constant 2 : i32
      %ge3A_357 = arith.cmpi sge, %add3A_349, %ge3A_356 : i32
      %convert_element_type3A_358 = arith.extui %ge3A_357 : i1 to i32
      %cond3A_359 = arith.constant 0 : i32
      %cond3A_360 = arith.cmpi ne, %convert_element_type3A_358, %cond3A_359 : i32
      scf.if %cond3A_360 {
        %dma_wait3A_605 = arith.constant 0 : i32
        %dma_wait3A_606 = arith.constant 0 : i32
        %dma_wait3A_607 = tpu.memref_slice %arg23[%dma_wait3A_605, %dma_wait3A_606] : memref<10880x128xf32, #tpu.memory_space<vmem_shared>> -> memref<10880x128xf32, #tpu.memory_space<vmem_shared>>
        tpu.wait_indirect_dma semaphore(%arg28 : memref<!tpu.dma_semaphore, #tpu.memory_space<semaphore_mem>>) src(%arg21 : memref<64x128xf32, #tpu.memory_space<vmem>>) dst(%dma_wait3A_607 : memref<10880x128xf32, #tpu.memory_space<vmem_shared>>)
      } else {
      }
      %add3A_361 = arith.constant 32 : i32
      %add3A_362 = vector.broadcast %add3A_361 : i32 to vector<16xi32>
      %add3A_363 = arith.addi %add3A_362, %iota3A : vector<16xi32>
      %get3A_364 = arith.constant 0 : index
      %get3A_365 = tpu.vector_load %arg15[%get3A_364] {strides = array<i32>} : memref<64xi32, #tpu.memory_space<vmem>>, vector<16xi32>,
      %and3A_366 = arith.constant 15 : i32
      %and3A_367 = vector.broadcast %and3A_366 : i32 to vector<16xi32>
      %and3A_368 = arith.andi %get3A_365, %and3A_367 : vector<16xi32>
      %shift_left3A_369 = arith.constant 3 : i32
      %shift_left3A_370 = vector.broadcast %shift_left3A_369 : i32 to vector<16xi32>
      %shift_left3A_371 = arith.shli %and3A_368, %shift_left3A_370 : vector<16xi32>
      %add3A_372 = arith.constant 0 : i32
      %add3A_373 = vector.broadcast %add3A_372 : i32 to vector<16xi32>
      %add3A_374 = arith.addi %shift_left3A_371, %add3A_373 : vector<16xi32>
      tpu.vector_store_idx %arg21[%add3A_363, %add3A_374], %broadcast_in_dim3A_1 : memref<64x128xf32, #tpu.memory_space<vmem>>[vector<16xi32>, vector<16xi32>], vector<16xf32>,
      %add3A_375 = arith.constant 1 : i32
      %add3A_376 = vector.broadcast %add3A_375 : i32 to vector<16xi32>
      %add3A_377 = arith.addi %shift_left3A_371, %add3A_376 : vector<16xi32>
      tpu.vector_store_idx %arg21[%add3A_363, %add3A_377], %broadcast_in_dim3A_1 : memref<64x128xf32, #tpu.memory_space<vmem>>[vector<16xi32>, vector<16xi32>], vector<16xf32>,
      %add3A_378 = arith.constant 2 : i32
      %add3A_379 = vector.broadcast %add3A_378 : i32 to vector<16xi32>
      %add3A_380 = arith.addi %shift_left3A_371, %add3A_379 : vector<16xi32>
      tpu.vector_store_idx %arg21[%add3A_363, %add3A_380], %broadcast_in_dim3A_1 : memref<64x128xf32, #tpu.memory_space<vmem>>[vector<16xi32>, vector<16xi32>], vector<16xf32>,
      %add3A_381 = arith.constant 3 : i32
      %add3A_382 = vector.broadcast %add3A_381 : i32 to vector<16xi32>
      %add3A_383 = arith.addi %shift_left3A_371, %add3A_382 : vector<16xi32>
      tpu.vector_store_idx %arg21[%add3A_363, %add3A_383], %broadcast_in_dim3A_1 : memref<64x128xf32, #tpu.memory_space<vmem>>[vector<16xi32>, vector<16xi32>], vector<16xf32>,
      %add3A_384 = arith.constant 4 : i32
      %add3A_385 = vector.broadcast %add3A_384 : i32 to vector<16xi32>
      %add3A_386 = arith.addi %shift_left3A_371, %add3A_385 : vector<16xi32>
      tpu.vector_store_idx %arg21[%add3A_363, %add3A_386], %broadcast_in_dim3A_1 : memref<64x128xf32, #tpu.memory_space<vmem>>[vector<16xi32>, vector<16xi32>], vector<16xf32>,
      %add3A_387 = arith.constant 5 : i32
      %add3A_388 = vector.broadcast %add3A_387 : i32 to vector<16xi32>
      %add3A_389 = arith.addi %shift_left3A_371, %add3A_388 : vector<16xi32>
      tpu.vector_store_idx %arg21[%add3A_363, %add3A_389], %broadcast_in_dim3A_1 : memref<64x128xf32, #tpu.memory_space<vmem>>[vector<16xi32>, vector<16xi32>], vector<16xf32>,
      %add3A_390 = arith.constant 6 : i32
      %add3A_391 = vector.broadcast %add3A_390 : i32 to vector<16xi32>
      %add3A_392 = arith.addi %shift_left3A_371, %add3A_391 : vector<16xi32>
      tpu.vector_store_idx %arg21[%add3A_363, %add3A_392], %broadcast_in_dim3A_1 : memref<64x128xf32, #tpu.memory_space<vmem>>[vector<16xi32>, vector<16xi32>], vector<16xf32>,
      %add3A_393 = arith.constant 7 : i32
      %add3A_394 = vector.broadcast %add3A_393 : i32 to vector<16xi32>
      %add3A_395 = arith.addi %shift_left3A_371, %add3A_394 : vector<16xi32>
      tpu.vector_store_idx %arg21[%add3A_363, %add3A_395], %broadcast_in_dim3A_1 : memref<64x128xf32, #tpu.memory_space<vmem>>[vector<16xi32>, vector<16xi32>], vector<16xf32>,
      %add3A_396 = arith.constant 48 : i32
      %add3A_397 = vector.broadcast %add3A_396 : i32 to vector<16xi32>
      %add3A_398 = arith.addi %add3A_397, %iota3A : vector<16xi32>
      %get3A_399 = arith.constant 16 : index
      %get3A_400 = tpu.vector_load %arg15[%get3A_399] {strides = array<i32>} : memref<64xi32, #tpu.memory_space<vmem>>, vector<16xi32>,
      %and3A_401 = arith.constant 15 : i32
      %and3A_402 = vector.broadcast %and3A_401 : i32 to vector<16xi32>
      %and3A_403 = arith.andi %get3A_400, %and3A_402 : vector<16xi32>
      %shift_left3A_404 = arith.constant 3 : i32
      %shift_left3A_405 = vector.broadcast %shift_left3A_404 : i32 to vector<16xi32>
      %shift_left3A_406 = arith.shli %and3A_403, %shift_left3A_405 : vector<16xi32>
      %add3A_407 = arith.constant 0 : i32
      %add3A_408 = vector.broadcast %add3A_407 : i32 to vector<16xi32>
      %add3A_409 = arith.addi %shift_left3A_406, %add3A_408 : vector<16xi32>
      tpu.vector_store_idx %arg21[%add3A_398, %add3A_409], %broadcast_in_dim3A_1 : memref<64x128xf32, #tpu.memory_space<vmem>>[vector<16xi32>, vector<16xi32>], vector<16xf32>,
      %add3A_410 = arith.constant 1 : i32
      %add3A_411 = vector.broadcast %add3A_410 : i32 to vector<16xi32>
      %add3A_412 = arith.addi %shift_left3A_406, %add3A_411 : vector<16xi32>
      tpu.vector_store_idx %arg21[%add3A_398, %add3A_412], %broadcast_in_dim3A_1 : memref<64x128xf32, #tpu.memory_space<vmem>>[vector<16xi32>, vector<16xi32>], vector<16xf32>,
      %add3A_413 = arith.constant 2 : i32
      %add3A_414 = vector.broadcast %add3A_413 : i32 to vector<16xi32>
      %add3A_415 = arith.addi %shift_left3A_406, %add3A_414 : vector<16xi32>
      tpu.vector_store_idx %arg21[%add3A_398, %add3A_415], %broadcast_in_dim3A_1 : memref<64x128xf32, #tpu.memory_space<vmem>>[vector<16xi32>, vector<16xi32>], vector<16xf32>,
      %add3A_416 = arith.constant 3 : i32
      %add3A_417 = vector.broadcast %add3A_416 : i32 to vector<16xi32>
      %add3A_418 = arith.addi %shift_left3A_406, %add3A_417 : vector<16xi32>
      tpu.vector_store_idx %arg21[%add3A_398, %add3A_418], %broadcast_in_dim3A_1 : memref<64x128xf32, #tpu.memory_space<vmem>>[vector<16xi32>, vector<16xi32>], vector<16xf32>,
      %add3A_419 = arith.constant 4 : i32
      %add3A_420 = vector.broadcast %add3A_419 : i32 to vector<16xi32>
      %add3A_421 = arith.addi %shift_left3A_406, %add3A_420 : vector<16xi32>
      tpu.vector_store_idx %arg21[%add3A_398, %add3A_421], %broadcast_in_dim3A_1 : memref<64x128xf32, #tpu.memory_space<vmem>>[vector<16xi32>, vector<16xi32>], vector<16xf32>,
      %add3A_422 = arith.constant 5 : i32
      %add3A_423 = vector.broadcast %add3A_422 : i32 to vector<16xi32>
      %add3A_424 = arith.addi %shift_left3A_406, %add3A_423 : vector<16xi32>
      tpu.vector_store_idx %arg21[%add3A_398, %add3A_424], %broadcast_in_dim3A_1 : memref<64x128xf32, #tpu.memory_space<vmem>>[vector<16xi32>, vector<16xi32>], vector<16xf32>,
      %add3A_425 = arith.constant 6 : i32
      %add3A_426 = vector.broadcast %add3A_425 : i32 to vector<16xi32>
      %add3A_427 = arith.addi %shift_left3A_406, %add3A_426 : vector<16xi32>
      tpu.vector_store_idx %arg21[%add3A_398, %add3A_427], %broadcast_in_dim3A_1 : memref<64x128xf32, #tpu.memory_space<vmem>>[vector<16xi32>, vector<16xi32>], vector<16xf32>,
      %add3A_428 = arith.constant 7 : i32
      %add3A_429 = vector.broadcast %add3A_428 : i32 to vector<16xi32>
      %add3A_430 = arith.addi %shift_left3A_406, %add3A_429 : vector<16xi32>
      tpu.vector_store_idx %arg21[%add3A_398, %add3A_430], %broadcast_in_dim3A_1 : memref<64x128xf32, #tpu.memory_space<vmem>>[vector<16xi32>, vector<16xi32>], vector<16xf32>,
      %get3A_431 = arith.constant 0 : index
      %get3A_432 = tpu.vector_load %arg13[%get3A_431] {strides = array<i32>} : memref<32xi32, #tpu.memory_space<vmem>>, vector<16xi32>,
      %swap3A_433 = arith.constant 0 : index
      %swap3A_434 = tpu.vector_load %arg15[%swap3A_433] {strides = array<i32>} : memref<64xi32, #tpu.memory_space<vmem>>, vector<16xi32>,
      tpu.vector_store %arg15[%swap3A_433], %get3A_432 {strides = array<i32>} : memref<64xi32, #tpu.memory_space<vmem>>, vector<16xi32>,
      %shift_right_logical3A_435 = arith.constant 4 : i32
      %shift_right_logical3A_436 = vector.broadcast %shift_right_logical3A_435 : i32 to vector<16xi32>
      %shift_right_logical3A_437 = arith.shrui %get3A_432, %shift_right_logical3A_436 : vector<16xi32>
      %add3A_438 = arith.constant 10240 : i32
      %add3A_439 = vector.broadcast %add3A_438 : i32 to vector<16xi32>
      %add3A_440 = arith.addi %add3A_439, %shift_right_logical3A_437 : vector<16xi32>
      %swap3A_441 = arith.constant 32 : index
      %swap3A_442 = tpu.vector_load %arg15[%swap3A_441] {strides = array<i32>} : memref<64xi32, #tpu.memory_space<vmem>>, vector<16xi32>,
      tpu.vector_store %arg15[%swap3A_441], %add3A_440 {strides = array<i32>} : memref<64xi32, #tpu.memory_space<vmem>>, vector<16xi32>,
      %get3A_443 = arith.constant 16 : index
      %get3A_444 = tpu.vector_load %arg13[%get3A_443] {strides = array<i32>} : memref<32xi32, #tpu.memory_space<vmem>>, vector<16xi32>,
      %swap3A_445 = arith.constant 16 : index
      %swap3A_446 = tpu.vector_load %arg15[%swap3A_445] {strides = array<i32>} : memref<64xi32, #tpu.memory_space<vmem>>, vector<16xi32>,
      tpu.vector_store %arg15[%swap3A_445], %get3A_444 {strides = array<i32>} : memref<64xi32, #tpu.memory_space<vmem>>, vector<16xi32>,
      %shift_right_logical3A_447 = arith.constant 4 : i32
      %shift_right_logical3A_448 = vector.broadcast %shift_right_logical3A_447 : i32 to vector<16xi32>
      %shift_right_logical3A_449 = arith.shrui %get3A_444, %shift_right_logical3A_448 : vector<16xi32>
      %add3A_450 = arith.constant 10240 : i32
      %add3A_451 = vector.broadcast %add3A_450 : i32 to vector<16xi32>
      %add3A_452 = arith.addi %add3A_451, %shift_right_logical3A_449 : vector<16xi32>
      %swap3A_453 = arith.constant 48 : index
      %swap3A_454 = tpu.vector_load %arg15[%swap3A_453] {strides = array<i32>} : memref<64xi32, #tpu.memory_space<vmem>>, vector<16xi32>,
      tpu.vector_store %arg15[%swap3A_453], %add3A_452 {strides = array<i32>} : memref<64xi32, #tpu.memory_space<vmem>>, vector<16xi32>,
      %parallel_loop3A_455 = arith.constant 0 : i32
      %parallel_loop3A_456 = arith.constant 2 : i32
      %parallel_loop3A_457 = arith.constant 1 : i32
      scf.for %parallel_loop3A_605 = %parallel_loop3A_455 to %parallel_loop3A_456 step %parallel_loop3A_457  : i32 {
        %parallel_loop3A_606 = arith.constant 16 : i32
        %parallel_loop3A_607 = arith.muli %parallel_loop3A_605, %parallel_loop3A_606 : i32
        %parallel_loop3A_608 = vector.broadcast %parallel_loop3A_607 : i32 to vector<16xi32>
        %parallel_loop3A_609 = arith.addi %parallel_loop3A_608, %iota3A : vector<16xi32>
        %parallel_loop3A_610 = arith.constant 32 : i32
        %parallel_loop3A_611 = vector.broadcast %parallel_loop3A_610 : i32 to vector<16xi32>
        %parallel_loop3A_612 = arith.addi %parallel_loop3A_609, %parallel_loop3A_611 : vector<16xi32>
        %parallel_loop3A_613 = arith.constant 16 : i32
        %parallel_loop3A_614 = arith.muli %parallel_loop3A_605, %parallel_loop3A_613 : i32
        %parallel_loop3A_615 = arith.index_cast %parallel_loop3A_614 : i32 to index
        %parallel_loop3A_616 = tpu.vector_load %arg15[%parallel_loop3A_615] {strides = array<i32>} : memref<64xi32, #tpu.memory_space<vmem>>, vector<16xi32>,
        %parallel_loop3A_617 = arith.constant 15 : i32
        %parallel_loop3A_618 = vector.broadcast %parallel_loop3A_617 : i32 to vector<16xi32>
        %parallel_loop3A_619 = arith.andi %parallel_loop3A_616, %parallel_loop3A_618 : vector<16xi32>
        %parallel_loop3A_620 = arith.constant 3 : i32
        %parallel_loop3A_621 = vector.broadcast %parallel_loop3A_620 : i32 to vector<16xi32>
        %parallel_loop3A_622 = arith.shli %parallel_loop3A_619, %parallel_loop3A_621 : vector<16xi32>
        %parallel_loop3A_623 = arith.constant 1 : i32
        %parallel_loop3A_624 = vector.broadcast %parallel_loop3A_623 : i32 to vector<16xi32>
        %parallel_loop3A_625 = arith.constant 0 : i32
        %parallel_loop3A_626 = arith.constant 8 : i32
        %parallel_loop3A_627 = arith.constant 1 : i32
        scf.for %parallel_loop3A_628 = %parallel_loop3A_625 to %parallel_loop3A_626 step %parallel_loop3A_627  : i32 {
          %parallel_loop3A_629 = arith.constant 16 : i32
          %parallel_loop3A_630 = arith.muli %parallel_loop3A_628, %parallel_loop3A_629 : i32
          %parallel_loop3A_631 = vector.broadcast %parallel_loop3A_630 : i32 to vector<16xi32>
          %parallel_loop3A_632 = arith.constant 15 : i32
          %parallel_loop3A_633 = vector.broadcast %parallel_loop3A_632 : i32 to vector<16xi32>
          %parallel_loop3A_634 = arith.constant 0 : i32
          %parallel_loop3A_635 = arith.constant 8 : i32
          %parallel_loop3A_636 = arith.constant 1 : i32
          %parallel_loop3A_637:3 = scf.for %parallel_loop3A_649 = %parallel_loop3A_634 to %parallel_loop3A_635 step %parallel_loop3A_636 iter_args(%parallel_loop3A_650 = %broadcast_in_dim3A_1, %parallel_loop3A_651 = %broadcast_in_dim3A_1, %parallel_loop3A_652 = %iota3A) -> (vector<16xf32>, vector<16xf32>, vector<16xi32>)  : i32 {
            %parallel_loop3A_653 = arith.addi %parallel_loop3A_631, %parallel_loop3A_652 : vector<16xi32>
            %parallel_loop3A_654 = tpu.vector_load_idx %arg17[%parallel_loop3A_609, %parallel_loop3A_653] : memref<32x128xf32, #tpu.memory_space<vmem>>[vector<16xi32>, vector<16xi32>], vector<16xf32>,
            %parallel_loop3A_655 = tpu.vector_load_idx %arg19[%parallel_loop3A_609, %parallel_loop3A_653] : memref<32x256xf32, #tpu.memory_space<vmem>>[vector<16xi32>, vector<16xi32>], vector<16xf32>,
            %parallel_loop3A_656 = arith.addi %parallel_loop3A_652, %parallel_loop3A_624 : vector<16xi32>
            %parallel_loop3A_657 = arith.andi %parallel_loop3A_656, %parallel_loop3A_633 : vector<16xi32>
            %parallel_loop3A_658 = arith.addi %parallel_loop3A_631, %parallel_loop3A_657 : vector<16xi32>
            %parallel_loop3A_659 = tpu.vector_load_idx %arg17[%parallel_loop3A_609, %parallel_loop3A_658] : memref<32x128xf32, #tpu.memory_space<vmem>>[vector<16xi32>, vector<16xi32>], vector<16xf32>,
            %parallel_loop3A_660 = tpu.vector_load_idx %arg19[%parallel_loop3A_609, %parallel_loop3A_658] : memref<32x256xf32, #tpu.memory_space<vmem>>[vector<16xi32>, vector<16xi32>], vector<16xf32>,
            %parallel_loop3A_661 = arith.mulf %parallel_loop3A_654, %parallel_loop3A_655 : vector<16xf32>
            %parallel_loop3A_662 = arith.addf %parallel_loop3A_650, %parallel_loop3A_661 : vector<16xf32>
            %parallel_loop3A_663 = arith.mulf %parallel_loop3A_659, %parallel_loop3A_660 : vector<16xf32>
            %parallel_loop3A_664 = arith.addf %parallel_loop3A_651, %parallel_loop3A_663 : vector<16xf32>
            %parallel_loop3A_665 = arith.addi %parallel_loop3A_657, %parallel_loop3A_624 : vector<16xi32>
            %parallel_loop3A_666 = arith.andi %parallel_loop3A_665, %parallel_loop3A_633 : vector<16xi32>
            scf.yield %parallel_loop3A_662, %parallel_loop3A_664, %parallel_loop3A_666 : vector<16xf32>, vector<16xf32>, vector<16xi32>
          } {sc.loop_unroll_factor = 4 : i64, sc.parallel_access}
          %parallel_loop3A_638 = arith.addf %parallel_loop3A_637#0, %parallel_loop3A_637#1 : vector<16xf32>
          %parallel_loop3A_639 = math.exp %parallel_loop3A_638 : vector<16xf32>
          %parallel_loop3A_640 = arith.constant 128 : i32
          %parallel_loop3A_641 = vector.broadcast %parallel_loop3A_640 : i32 to vector<16xi32>
          %parallel_loop3A_642 = arith.addi %parallel_loop3A_631, %parallel_loop3A_641 : vector<16xi32>
          %parallel_loop3A_643 = arith.constant 0 : i32
          %parallel_loop3A_644 = arith.constant 16 : i32
          %parallel_loop3A_645 = arith.constant 1 : i32
          %parallel_loop3A_646 = scf.for %parallel_loop3A_649 = %parallel_loop3A_643 to %parallel_loop3A_644 step %parallel_loop3A_645 iter_args(%parallel_loop3A_650 = %iota3A) -> (vector<16xi32>)  : i32 {
            %parallel_loop3A_651 = arith.addi %parallel_loop3A_631, %parallel_loop3A_650 : vector<16xi32>
            %parallel_loop3A_652 = arith.addi %parallel_loop3A_642, %parallel_loop3A_650 : vector<16xi32>
            %parallel_loop3A_653 = tpu.vector_load_idx %arg19[%parallel_loop3A_609, %parallel_loop3A_652] : memref<32x256xf32, #tpu.memory_space<vmem>>[vector<16xi32>, vector<16xi32>], vector<16xf32>,
            %parallel_loop3A_654 = arith.mulf %parallel_loop3A_639, %parallel_loop3A_653 : vector<16xf32>
            tpu.vector_store_idx %arg21[%parallel_loop3A_609, %parallel_loop3A_651], %parallel_loop3A_654 : memref<64x128xf32, #tpu.memory_space<vmem>>[vector<16xi32>, vector<16xi32>], vector<16xf32>,
            %parallel_loop3A_655 = arith.addi %parallel_loop3A_650, %parallel_loop3A_624 : vector<16xi32>
            %parallel_loop3A_656 = arith.andi %parallel_loop3A_655, %parallel_loop3A_633 : vector<16xi32>
            scf.yield %parallel_loop3A_656 : vector<16xi32>
          } {sc.loop_unroll_factor = 4 : i64, sc.parallel_access}
          %parallel_loop3A_647 = vector.broadcast %parallel_loop3A_628 : i32 to vector<16xi32>
          %parallel_loop3A_648 = arith.addi %parallel_loop3A_622, %parallel_loop3A_647 : vector<16xi32>
          tpu.vector_store_idx %arg21[%parallel_loop3A_612, %parallel_loop3A_648], %parallel_loop3A_639 : memref<64x128xf32, #tpu.memory_space<vmem>>[vector<16xi32>, vector<16xi32>], vector<16xf32>,
        } {sc.loop_unroll_factor = 1 : i64, sc.parallel_access}
      } {sc.loop_unroll_factor = 1 : i64, sc.parallel_access}
      %dma_start3A_458 = arith.constant 0 : i32
      %dma_start3A_459 = arith.constant 0 : i32
      %dma_start3A_460 = tpu.memref_slice %arg23[%dma_start3A_458, %dma_start3A_459] : memref<10880x128xf32, #tpu.memory_space<vmem_shared>> -> memref<10880x128xf32, #tpu.memory_space<vmem_shared>>
      tpu.enqueue_indirect_dma source(%arg21 : memref<64x128xf32, #tpu.memory_space<vmem>>) target(%dma_start3A_460 : memref<10880x128xf32, #tpu.memory_space<vmem_shared>>) offsets(%arg15 : memref<64xi32, #tpu.memory_space<vmem>>) semaphore(%arg28 : memref<!tpu.dma_semaphore, #tpu.memory_space<semaphore_mem>>) {add = true}
      %add3A_461 = arith.constant 2 : i32
      %add3A_462 = arith.addi %add3A_349, %add3A_461 : i32
      %lt3A_463 = arith.constant 316 : i32
      %lt3A_464 = arith.cmpi slt, %add3A_462, %lt3A_463 : i32
      %convert_element_type3A_465 = arith.extui %lt3A_464 : i1 to i32
      %cond3A_466 = arith.constant 0 : i32
      %cond3A_467 = arith.cmpi ne, %convert_element_type3A_465, %cond3A_466 : i32
      scf.if %cond3A_467 {
        %add3A_605 = arith.constant 2 : i32
        %add3A_606 = arith.addi %add3A_349, %add3A_605 : i32
        %mul3A_607 = arith.constant 32 : i32
        %mul3A_608 = arith.muli %add3A_606, %mul3A_607 : i32
        %add3A_609 = arith.addi %mul3A_16, %mul3A_608 : i32
        %dma_wait3A_610 = tpu.memref_slice %arg4[%add3A_609] : memref<323584xi32, #tpu.memory_space<hbm>> -> memref<32xi32, #tpu.memory_space<hbm>>
        %dma_wait3A_611 = tpu.memref_slice %arg4[%add3A_609] : memref<323584xi32, #tpu.memory_space<hbm>> -> memref<32xi32, #tpu.memory_space<hbm>>
        tpu.wait_dma2 semaphore(%arg30 : memref<!tpu.dma_semaphore, #tpu.memory_space<semaphore_mem>>) src(%dma_wait3A_611 : memref<32xi32, #tpu.memory_space<hbm>>) dst(%arg7 : memref<32xi32, #tpu.memory_space<vmem>>)
        %mul3A_612 = arith.constant 32 : i32
        %mul3A_613 = arith.muli %add3A_606, %mul3A_612 : i32
        %add3A_614 = arith.addi %mul3A_16, %mul3A_613 : i32
        %dma_wait3A_615 = tpu.memref_slice %arg5[%add3A_614] : memref<323584xi32, #tpu.memory_space<hbm>> -> memref<32xi32, #tpu.memory_space<hbm>>
        %dma_wait3A_616 = tpu.memref_slice %arg5[%add3A_614] : memref<323584xi32, #tpu.memory_space<hbm>> -> memref<32xi32, #tpu.memory_space<hbm>>
        tpu.wait_dma2 semaphore(%arg30 : memref<!tpu.dma_semaphore, #tpu.memory_space<semaphore_mem>>) src(%dma_wait3A_616 : memref<32xi32, #tpu.memory_space<hbm>>) dst(%arg11 : memref<32xi32, #tpu.memory_space<vmem>>)
        %dma_start3A_617 = arith.constant 0 : i32
        %dma_start3A_618 = arith.constant 0 : i32
        %dma_start3A_619 = tpu.memref_slice %arg2[%dma_start3A_617, %dma_start3A_618] : memref<10240x128xf32, #tpu.memory_space<hbm>> -> memref<10240x128xf32, #tpu.memory_space<hbm>>
        tpu.enqueue_indirect_dma source(%dma_start3A_619 : memref<10240x128xf32, #tpu.memory_space<hbm>>) target(%arg17 : memref<32x128xf32, #tpu.memory_space<vmem>>) offsets(%arg11 : memref<32xi32, #tpu.memory_space<vmem>>) semaphore(%arg24 : memref<!tpu.dma_semaphore, #tpu.memory_space<semaphore_mem>>)
        %dma_start3A_620 = arith.constant 0 : i32
        %dma_start3A_621 = arith.constant 0 : i32
        %dma_start3A_622 = tpu.memref_slice %arg3[%dma_start3A_620, %dma_start3A_621] : memref<10240x256xf32, #tpu.memory_space<hbm>> -> memref<10240x256xf32, #tpu.memory_space<hbm>>
        tpu.enqueue_indirect_dma source(%dma_start3A_622 : memref<10240x256xf32, #tpu.memory_space<hbm>>) target(%arg19 : memref<32x256xf32, #tpu.memory_space<vmem>>) offsets(%arg7 : memref<32xi32, #tpu.memory_space<vmem>>) semaphore(%arg26 : memref<!tpu.dma_semaphore, #tpu.memory_space<semaphore_mem>>)
      } else {
      }
      %add3A_468 = arith.constant 4 : i32
      %add3A_469 = arith.addi %add3A_349, %add3A_468 : i32
      %lt3A_470 = arith.constant 316 : i32
      %lt3A_471 = arith.cmpi slt, %add3A_469, %lt3A_470 : i32
      %convert_element_type3A_472 = arith.extui %lt3A_471 : i1 to i32
      %cond3A_473 = arith.constant 0 : i32
      %cond3A_474 = arith.cmpi ne, %convert_element_type3A_472, %cond3A_473 : i32
      scf.if %cond3A_474 {
        %add3A_605 = arith.constant 4 : i32
        %add3A_606 = arith.addi %add3A_349, %add3A_605 : i32
        %mul3A_607 = arith.constant 32 : i32
        %mul3A_608 = arith.muli %add3A_606, %mul3A_607 : i32
        %add3A_609 = arith.addi %mul3A_16, %mul3A_608 : i32
        %dma_start3A_610 = tpu.memref_slice %arg4[%add3A_609] : memref<323584xi32, #tpu.memory_space<hbm>> -> memref<32xi32, #tpu.memory_space<hbm>>
        %dma_start3A_611 = tpu.memref_slice %arg4[%add3A_609] : memref<323584xi32, #tpu.memory_space<hbm>> -> memref<32xi32, #tpu.memory_space<hbm>>
        tpu.enqueue_dma source(%dma_start3A_611 : memref<32xi32, #tpu.memory_space<hbm>>) target(%arg9 : memref<32xi32, #tpu.memory_space<vmem>>) target_semaphore(%arg32 : memref<!tpu.dma_semaphore, #tpu.memory_space<semaphore_mem>>)
        %mul3A_612 = arith.constant 32 : i32
        %mul3A_613 = arith.muli %add3A_606, %mul3A_612 : i32
        %add3A_614 = arith.addi %mul3A_16, %mul3A_613 : i32
        %dma_start3A_615 = tpu.memref_slice %arg5[%add3A_614] : memref<323584xi32, #tpu.memory_space<hbm>> -> memref<32xi32, #tpu.memory_space<hbm>>
        %dma_start3A_616 = tpu.memref_slice %arg5[%add3A_614] : memref<323584xi32, #tpu.memory_space<hbm>> -> memref<32xi32, #tpu.memory_space<hbm>>
        tpu.enqueue_dma source(%dma_start3A_616 : memref<32xi32, #tpu.memory_space<hbm>>) target(%arg13 : memref<32xi32, #tpu.memory_space<vmem>>) target_semaphore(%arg32 : memref<!tpu.dma_semaphore, #tpu.memory_space<semaphore_mem>>)
      } else {
      }
      %mul3A_475 = arith.constant 4 : i32
      %mul3A_476 = arith.muli %scan3A_96, %mul3A_475 : i32
      %add3A_477 = arith.constant 3 : i32
      %add3A_478 = arith.addi %mul3A_476, %add3A_477 : i32
      %dma_wait3A_479 = arith.constant 0 : i32
      %dma_wait3A_480 = arith.constant 0 : i32
      %dma_wait3A_481 = tpu.memref_slice %arg2[%dma_wait3A_479, %dma_wait3A_480] : memref<10240x128xf32, #tpu.memory_space<hbm>> -> memref<10240x128xf32, #tpu.memory_space<hbm>>
      tpu.wait_indirect_dma semaphore(%arg25 : memref<!tpu.dma_semaphore, #tpu.memory_space<semaphore_mem>>) src(%dma_wait3A_481 : memref<10240x128xf32, #tpu.memory_space<hbm>>) dst(%arg18 : memref<32x128xf32, #tpu.memory_space<vmem>>)
      %dma_wait3A_482 = arith.constant 0 : i32
      %dma_wait3A_483 = arith.constant 0 : i32
      %dma_wait3A_484 = tpu.memref_slice %arg3[%dma_wait3A_482, %dma_wait3A_483] : memref<10240x256xf32, #tpu.memory_space<hbm>> -> memref<10240x256xf32, #tpu.memory_space<hbm>>
      tpu.wait_indirect_dma semaphore(%arg27 : memref<!tpu.dma_semaphore, #tpu.memory_space<semaphore_mem>>) src(%dma_wait3A_484 : memref<10240x256xf32, #tpu.memory_space<hbm>>) dst(%arg20 : memref<32x256xf32, #tpu.memory_space<vmem>>)
      %ge3A_485 = arith.constant 2 : i32
      %ge3A_486 = arith.cmpi sge, %add3A_478, %ge3A_485 : i32
      %convert_element_type3A_487 = arith.extui %ge3A_486 : i1 to i32
      %cond3A_488 = arith.constant 0 : i32
      %cond3A_489 = arith.cmpi ne, %convert_element_type3A_487, %cond3A_488 : i32
      scf.if %cond3A_489 {
        %dma_wait3A_605 = arith.constant 0 : i32
        %dma_wait3A_606 = arith.constant 0 : i32
        %dma_wait3A_607 = tpu.memref_slice %arg23[%dma_wait3A_605, %dma_wait3A_606] : memref<10880x128xf32, #tpu.memory_space<vmem_shared>> -> memref<10880x128xf32, #tpu.memory_space<vmem_shared>>
        tpu.wait_indirect_dma semaphore(%arg29 : memref<!tpu.dma_semaphore, #tpu.memory_space<semaphore_mem>>) src(%arg22 : memref<64x128xf32, #tpu.memory_space<vmem>>) dst(%dma_wait3A_607 : memref<10880x128xf32, #tpu.memory_space<vmem_shared>>)
      } else {
      }
      %add3A_490 = arith.constant 32 : i32
      %add3A_491 = vector.broadcast %add3A_490 : i32 to vector<16xi32>
      %add3A_492 = arith.addi %add3A_491, %iota3A : vector<16xi32>
      %get3A_493 = arith.constant 0 : index
      %get3A_494 = tpu.vector_load %arg16[%get3A_493] {strides = array<i32>} : memref<64xi32, #tpu.memory_space<vmem>>, vector<16xi32>,
      %and3A_495 = arith.constant 15 : i32
      %and3A_496 = vector.broadcast %and3A_495 : i32 to vector<16xi32>
      %and3A_497 = arith.andi %get3A_494, %and3A_496 : vector<16xi32>
      %shift_left3A_498 = arith.constant 3 : i32
      %shift_left3A_499 = vector.broadcast %shift_left3A_498 : i32 to vector<16xi32>
      %shift_left3A_500 = arith.shli %and3A_497, %shift_left3A_499 : vector<16xi32>
      %add3A_501 = arith.constant 0 : i32
      %add3A_502 = vector.broadcast %add3A_501 : i32 to vector<16xi32>
      %add3A_503 = arith.addi %shift_left3A_500, %add3A_502 : vector<16xi32>
      tpu.vector_store_idx %arg22[%add3A_492, %add3A_503], %broadcast_in_dim3A_1 : memref<64x128xf32, #tpu.memory_space<vmem>>[vector<16xi32>, vector<16xi32>], vector<16xf32>,
      %add3A_504 = arith.constant 1 : i32
      %add3A_505 = vector.broadcast %add3A_504 : i32 to vector<16xi32>
      %add3A_506 = arith.addi %shift_left3A_500, %add3A_505 : vector<16xi32>
      tpu.vector_store_idx %arg22[%add3A_492, %add3A_506], %broadcast_in_dim3A_1 : memref<64x128xf32, #tpu.memory_space<vmem>>[vector<16xi32>, vector<16xi32>], vector<16xf32>,
      %add3A_507 = arith.constant 2 : i32
      %add3A_508 = vector.broadcast %add3A_507 : i32 to vector<16xi32>
      %add3A_509 = arith.addi %shift_left3A_500, %add3A_508 : vector<16xi32>
      tpu.vector_store_idx %arg22[%add3A_492, %add3A_509], %broadcast_in_dim3A_1 : memref<64x128xf32, #tpu.memory_space<vmem>>[vector<16xi32>, vector<16xi32>], vector<16xf32>,
      %add3A_510 = arith.constant 3 : i32
      %add3A_511 = vector.broadcast %add3A_510 : i32 to vector<16xi32>
      %add3A_512 = arith.addi %shift_left3A_500, %add3A_511 : vector<16xi32>
      tpu.vector_store_idx %arg22[%add3A_492, %add3A_512], %broadcast_in_dim3A_1 : memref<64x128xf32, #tpu.memory_space<vmem>>[vector<16xi32>, vector<16xi32>], vector<16xf32>,
      %add3A_513 = arith.constant 4 : i32
      %add3A_514 = vector.broadcast %add3A_513 : i32 to vector<16xi32>
      %add3A_515 = arith.addi %shift_left3A_500, %add3A_514 : vector<16xi32>
      tpu.vector_store_idx %arg22[%add3A_492, %add3A_515], %broadcast_in_dim3A_1 : memref<64x128xf32, #tpu.memory_space<vmem>>[vector<16xi32>, vector<16xi32>], vector<16xf32>,
      %add3A_516 = arith.constant 5 : i32
      %add3A_517 = vector.broadcast %add3A_516 : i32 to vector<16xi32>
      %add3A_518 = arith.addi %shift_left3A_500, %add3A_517 : vector<16xi32>
      tpu.vector_store_idx %arg22[%add3A_492, %add3A_518], %broadcast_in_dim3A_1 : memref<64x128xf32, #tpu.memory_space<vmem>>[vector<16xi32>, vector<16xi32>], vector<16xf32>,
      %add3A_519 = arith.constant 6 : i32
      %add3A_520 = vector.broadcast %add3A_519 : i32 to vector<16xi32>
      %add3A_521 = arith.addi %shift_left3A_500, %add3A_520 : vector<16xi32>
      tpu.vector_store_idx %arg22[%add3A_492, %add3A_521], %broadcast_in_dim3A_1 : memref<64x128xf32, #tpu.memory_space<vmem>>[vector<16xi32>, vector<16xi32>], vector<16xf32>,
      %add3A_522 = arith.constant 7 : i32
      %add3A_523 = vector.broadcast %add3A_522 : i32 to vector<16xi32>
      %add3A_524 = arith.addi %shift_left3A_500, %add3A_523 : vector<16xi32>
      tpu.vector_store_idx %arg22[%add3A_492, %add3A_524], %broadcast_in_dim3A_1 : memref<64x128xf32, #tpu.memory_space<vmem>>[vector<16xi32>, vector<16xi32>], vector<16xf32>,
      %add3A_525 = arith.constant 48 : i32
      %add3A_526 = vector.broadcast %add3A_525 : i32 to vector<16xi32>
      %add3A_527 = arith.addi %add3A_526, %iota3A : vector<16xi32>
      %get3A_528 = arith.constant 16 : index
      %get3A_529 = tpu.vector_load %arg16[%get3A_528] {strides = array<i32>} : memref<64xi32, #tpu.memory_space<vmem>>, vector<16xi32>,
      %and3A_530 = arith.constant 15 : i32
      %and3A_531 = vector.broadcast %and3A_530 : i32 to vector<16xi32>
      %and3A_532 = arith.andi %get3A_529, %and3A_531 : vector<16xi32>
      %shift_left3A_533 = arith.constant 3 : i32
      %shift_left3A_534 = vector.broadcast %shift_left3A_533 : i32 to vector<16xi32>
      %shift_left3A_535 = arith.shli %and3A_532, %shift_left3A_534 : vector<16xi32>
      %add3A_536 = arith.constant 0 : i32
      %add3A_537 = vector.broadcast %add3A_536 : i32 to vector<16xi32>
      %add3A_538 = arith.addi %shift_left3A_535, %add3A_537 : vector<16xi32>
      tpu.vector_store_idx %arg22[%add3A_527, %add3A_538], %broadcast_in_dim3A_1 : memref<64x128xf32, #tpu.memory_space<vmem>>[vector<16xi32>, vector<16xi32>], vector<16xf32>,
      %add3A_539 = arith.constant 1 : i32
      %add3A_540 = vector.broadcast %add3A_539 : i32 to vector<16xi32>
      %add3A_541 = arith.addi %shift_left3A_535, %add3A_540 : vector<16xi32>
      tpu.vector_store_idx %arg22[%add3A_527, %add3A_541], %broadcast_in_dim3A_1 : memref<64x128xf32, #tpu.memory_space<vmem>>[vector<16xi32>, vector<16xi32>], vector<16xf32>,
      %add3A_542 = arith.constant 2 : i32
      %add3A_543 = vector.broadcast %add3A_542 : i32 to vector<16xi32>
      %add3A_544 = arith.addi %shift_left3A_535, %add3A_543 : vector<16xi32>
      tpu.vector_store_idx %arg22[%add3A_527, %add3A_544], %broadcast_in_dim3A_1 : memref<64x128xf32, #tpu.memory_space<vmem>>[vector<16xi32>, vector<16xi32>], vector<16xf32>,
      %add3A_545 = arith.constant 3 : i32
      %add3A_546 = vector.broadcast %add3A_545 : i32 to vector<16xi32>
      %add3A_547 = arith.addi %shift_left3A_535, %add3A_546 : vector<16xi32>
      tpu.vector_store_idx %arg22[%add3A_527, %add3A_547], %broadcast_in_dim3A_1 : memref<64x128xf32, #tpu.memory_space<vmem>>[vector<16xi32>, vector<16xi32>], vector<16xf32>,
      %add3A_548 = arith.constant 4 : i32
      %add3A_549 = vector.broadcast %add3A_548 : i32 to vector<16xi32>
      %add3A_550 = arith.addi %shift_left3A_535, %add3A_549 : vector<16xi32>
      tpu.vector_store_idx %arg22[%add3A_527, %add3A_550], %broadcast_in_dim3A_1 : memref<64x128xf32, #tpu.memory_space<vmem>>[vector<16xi32>, vector<16xi32>], vector<16xf32>,
      %add3A_551 = arith.constant 5 : i32
      %add3A_552 = vector.broadcast %add3A_551 : i32 to vector<16xi32>
      %add3A_553 = arith.addi %shift_left3A_535, %add3A_552 : vector<16xi32>
      tpu.vector_store_idx %arg22[%add3A_527, %add3A_553], %broadcast_in_dim3A_1 : memref<64x128xf32, #tpu.memory_space<vmem>>[vector<16xi32>, vector<16xi32>], vector<16xf32>,
      %add3A_554 = arith.constant 6 : i32
      %add3A_555 = vector.broadcast %add3A_554 : i32 to vector<16xi32>
      %add3A_556 = arith.addi %shift_left3A_535, %add3A_555 : vector<16xi32>
      tpu.vector_store_idx %arg22[%add3A_527, %add3A_556], %broadcast_in_dim3A_1 : memref<64x128xf32, #tpu.memory_space<vmem>>[vector<16xi32>, vector<16xi32>], vector<16xf32>,
      %add3A_557 = arith.constant 7 : i32
      %add3A_558 = vector.broadcast %add3A_557 : i32 to vector<16xi32>
      %add3A_559 = arith.addi %shift_left3A_535, %add3A_558 : vector<16xi32>
      tpu.vector_store_idx %arg22[%add3A_527, %add3A_559], %broadcast_in_dim3A_1 : memref<64x128xf32, #tpu.memory_space<vmem>>[vector<16xi32>, vector<16xi32>], vector<16xf32>,
      %get3A_560 = arith.constant 0 : index
      %get3A_561 = tpu.vector_load %arg14[%get3A_560] {strides = array<i32>} : memref<32xi32, #tpu.memory_space<vmem>>, vector<16xi32>,
      %swap3A_562 = arith.constant 0 : index
      %swap3A_563 = tpu.vector_load %arg16[%swap3A_562] {strides = array<i32>} : memref<64xi32, #tpu.memory_space<vmem>>, vector<16xi32>,
      tpu.vector_store %arg16[%swap3A_562], %get3A_561 {strides = array<i32>} : memref<64xi32, #tpu.memory_space<vmem>>, vector<16xi32>,
      %shift_right_logical3A_564 = arith.constant 4 : i32
      %shift_right_logical3A_565 = vector.broadcast %shift_right_logical3A_564 : i32 to vector<16xi32>
      %shift_right_logical3A_566 = arith.shrui %get3A_561, %shift_right_logical3A_565 : vector<16xi32>
      %add3A_567 = arith.constant 10240 : i32
      %add3A_568 = vector.broadcast %add3A_567 : i32 to vector<16xi32>
      %add3A_569 = arith.addi %add3A_568, %shift_right_logical3A_566 : vector<16xi32>
      %swap3A_570 = arith.constant 32 : index
      %swap3A_571 = tpu.vector_load %arg16[%swap3A_570] {strides = array<i32>} : memref<64xi32, #tpu.memory_space<vmem>>, vector<16xi32>,
      tpu.vector_store %arg16[%swap3A_570], %add3A_569 {strides = array<i32>} : memref<64xi32, #tpu.memory_space<vmem>>, vector<16xi32>,
      %get3A_572 = arith.constant 16 : index
      %get3A_573 = tpu.vector_load %arg14[%get3A_572] {strides = array<i32>} : memref<32xi32, #tpu.memory_space<vmem>>, vector<16xi32>,
      %swap3A_574 = arith.constant 16 : index
      %swap3A_575 = tpu.vector_load %arg16[%swap3A_574] {strides = array<i32>} : memref<64xi32, #tpu.memory_space<vmem>>, vector<16xi32>,
      tpu.vector_store %arg16[%swap3A_574], %get3A_573 {strides = array<i32>} : memref<64xi32, #tpu.memory_space<vmem>>, vector<16xi32>,
      %shift_right_logical3A_576 = arith.constant 4 : i32
      %shift_right_logical3A_577 = vector.broadcast %shift_right_logical3A_576 : i32 to vector<16xi32>
      %shift_right_logical3A_578 = arith.shrui %get3A_573, %shift_right_logical3A_577 : vector<16xi32>
      %add3A_579 = arith.constant 10240 : i32
      %add3A_580 = vector.broadcast %add3A_579 : i32 to vector<16xi32>
      %add3A_581 = arith.addi %add3A_580, %shift_right_logical3A_578 : vector<16xi32>
      %swap3A_582 = arith.constant 48 : index
      %swap3A_583 = tpu.vector_load %arg16[%swap3A_582] {strides = array<i32>} : memref<64xi32, #tpu.memory_space<vmem>>, vector<16xi32>,
      tpu.vector_store %arg16[%swap3A_582], %add3A_581 {strides = array<i32>} : memref<64xi32, #tpu.memory_space<vmem>>, vector<16xi32>,
      %parallel_loop3A_584 = arith.constant 0 : i32
      %parallel_loop3A_585 = arith.constant 2 : i32
      %parallel_loop3A_586 = arith.constant 1 : i32
      scf.for %parallel_loop3A_605 = %parallel_loop3A_584 to %parallel_loop3A_585 step %parallel_loop3A_586  : i32 {
        %parallel_loop3A_606 = arith.constant 16 : i32
        %parallel_loop3A_607 = arith.muli %parallel_loop3A_605, %parallel_loop3A_606 : i32
        %parallel_loop3A_608 = vector.broadcast %parallel_loop3A_607 : i32 to vector<16xi32>
        %parallel_loop3A_609 = arith.addi %parallel_loop3A_608, %iota3A : vector<16xi32>
        %parallel_loop3A_610 = arith.constant 32 : i32
        %parallel_loop3A_611 = vector.broadcast %parallel_loop3A_610 : i32 to vector<16xi32>
        %parallel_loop3A_612 = arith.addi %parallel_loop3A_609, %parallel_loop3A_611 : vector<16xi32>
        %parallel_loop3A_613 = arith.constant 16 : i32
        %parallel_loop3A_614 = arith.muli %parallel_loop3A_605, %parallel_loop3A_613 : i32
        %parallel_loop3A_615 = arith.index_cast %parallel_loop3A_614 : i32 to index
        %parallel_loop3A_616 = tpu.vector_load %arg16[%parallel_loop3A_615] {strides = array<i32>} : memref<64xi32, #tpu.memory_space<vmem>>, vector<16xi32>,
        %parallel_loop3A_617 = arith.constant 15 : i32
        %parallel_loop3A_618 = vector.broadcast %parallel_loop3A_617 : i32 to vector<16xi32>
        %parallel_loop3A_619 = arith.andi %parallel_loop3A_616, %parallel_loop3A_618 : vector<16xi32>
        %parallel_loop3A_620 = arith.constant 3 : i32
        %parallel_loop3A_621 = vector.broadcast %parallel_loop3A_620 : i32 to vector<16xi32>
        %parallel_loop3A_622 = arith.shli %parallel_loop3A_619, %parallel_loop3A_621 : vector<16xi32>
        %parallel_loop3A_623 = arith.constant 1 : i32
        %parallel_loop3A_624 = vector.broadcast %parallel_loop3A_623 : i32 to vector<16xi32>
        %parallel_loop3A_625 = arith.constant 0 : i32
        %parallel_loop3A_626 = arith.constant 8 : i32
        %parallel_loop3A_627 = arith.constant 1 : i32
        scf.for %parallel_loop3A_628 = %parallel_loop3A_625 to %parallel_loop3A_626 step %parallel_loop3A_627  : i32 {
          %parallel_loop3A_629 = arith.constant 16 : i32
          %parallel_loop3A_630 = arith.muli %parallel_loop3A_628, %parallel_loop3A_629 : i32
          %parallel_loop3A_631 = vector.broadcast %parallel_loop3A_630 : i32 to vector<16xi32>
          %parallel_loop3A_632 = arith.constant 15 : i32
          %parallel_loop3A_633 = vector.broadcast %parallel_loop3A_632 : i32 to vector<16xi32>
          %parallel_loop3A_634 = arith.constant 0 : i32
          %parallel_loop3A_635 = arith.constant 8 : i32
          %parallel_loop3A_636 = arith.constant 1 : i32
          %parallel_loop3A_637:3 = scf.for %parallel_loop3A_649 = %parallel_loop3A_634 to %parallel_loop3A_635 step %parallel_loop3A_636 iter_args(%parallel_loop3A_650 = %broadcast_in_dim3A_1, %parallel_loop3A_651 = %broadcast_in_dim3A_1, %parallel_loop3A_652 = %iota3A) -> (vector<16xf32>, vector<16xf32>, vector<16xi32>)  : i32 {
            %parallel_loop3A_653 = arith.addi %parallel_loop3A_631, %parallel_loop3A_652 : vector<16xi32>
            %parallel_loop3A_654 = tpu.vector_load_idx %arg18[%parallel_loop3A_609, %parallel_loop3A_653] : memref<32x128xf32, #tpu.memory_space<vmem>>[vector<16xi32>, vector<16xi32>], vector<16xf32>,
            %parallel_loop3A_655 = tpu.vector_load_idx %arg20[%parallel_loop3A_609, %parallel_loop3A_653] : memref<32x256xf32, #tpu.memory_space<vmem>>[vector<16xi32>, vector<16xi32>], vector<16xf32>,
            %parallel_loop3A_656 = arith.addi %parallel_loop3A_652, %parallel_loop3A_624 : vector<16xi32>
            %parallel_loop3A_657 = arith.andi %parallel_loop3A_656, %parallel_loop3A_633 : vector<16xi32>
            %parallel_loop3A_658 = arith.addi %parallel_loop3A_631, %parallel_loop3A_657 : vector<16xi32>
            %parallel_loop3A_659 = tpu.vector_load_idx %arg18[%parallel_loop3A_609, %parallel_loop3A_658] : memref<32x128xf32, #tpu.memory_space<vmem>>[vector<16xi32>, vector<16xi32>], vector<16xf32>,
            %parallel_loop3A_660 = tpu.vector_load_idx %arg20[%parallel_loop3A_609, %parallel_loop3A_658] : memref<32x256xf32, #tpu.memory_space<vmem>>[vector<16xi32>, vector<16xi32>], vector<16xf32>,
            %parallel_loop3A_661 = arith.mulf %parallel_loop3A_654, %parallel_loop3A_655 : vector<16xf32>
            %parallel_loop3A_662 = arith.addf %parallel_loop3A_650, %parallel_loop3A_661 : vector<16xf32>
            %parallel_loop3A_663 = arith.mulf %parallel_loop3A_659, %parallel_loop3A_660 : vector<16xf32>
            %parallel_loop3A_664 = arith.addf %parallel_loop3A_651, %parallel_loop3A_663 : vector<16xf32>
            %parallel_loop3A_665 = arith.addi %parallel_loop3A_657, %parallel_loop3A_624 : vector<16xi32>
            %parallel_loop3A_666 = arith.andi %parallel_loop3A_665, %parallel_loop3A_633 : vector<16xi32>
            scf.yield %parallel_loop3A_662, %parallel_loop3A_664, %parallel_loop3A_666 : vector<16xf32>, vector<16xf32>, vector<16xi32>
          } {sc.loop_unroll_factor = 4 : i64, sc.parallel_access}
          %parallel_loop3A_638 = arith.addf %parallel_loop3A_637#0, %parallel_loop3A_637#1 : vector<16xf32>
          %parallel_loop3A_639 = math.exp %parallel_loop3A_638 : vector<16xf32>
          %parallel_loop3A_640 = arith.constant 128 : i32
          %parallel_loop3A_641 = vector.broadcast %parallel_loop3A_640 : i32 to vector<16xi32>
          %parallel_loop3A_642 = arith.addi %parallel_loop3A_631, %parallel_loop3A_641 : vector<16xi32>
          %parallel_loop3A_643 = arith.constant 0 : i32
          %parallel_loop3A_644 = arith.constant 16 : i32
          %parallel_loop3A_645 = arith.constant 1 : i32
          %parallel_loop3A_646 = scf.for %parallel_loop3A_649 = %parallel_loop3A_643 to %parallel_loop3A_644 step %parallel_loop3A_645 iter_args(%parallel_loop3A_650 = %iota3A) -> (vector<16xi32>)  : i32 {
            %parallel_loop3A_651 = arith.addi %parallel_loop3A_631, %parallel_loop3A_650 : vector<16xi32>
            %parallel_loop3A_652 = arith.addi %parallel_loop3A_642, %parallel_loop3A_650 : vector<16xi32>
            %parallel_loop3A_653 = tpu.vector_load_idx %arg20[%parallel_loop3A_609, %parallel_loop3A_652] : memref<32x256xf32, #tpu.memory_space<vmem>>[vector<16xi32>, vector<16xi32>], vector<16xf32>,
            %parallel_loop3A_654 = arith.mulf %parallel_loop3A_639, %parallel_loop3A_653 : vector<16xf32>
            tpu.vector_store_idx %arg22[%parallel_loop3A_609, %parallel_loop3A_651], %parallel_loop3A_654 : memref<64x128xf32, #tpu.memory_space<vmem>>[vector<16xi32>, vector<16xi32>], vector<16xf32>,
            %parallel_loop3A_655 = arith.addi %parallel_loop3A_650, %parallel_loop3A_624 : vector<16xi32>
            %parallel_loop3A_656 = arith.andi %parallel_loop3A_655, %parallel_loop3A_633 : vector<16xi32>
            scf.yield %parallel_loop3A_656 : vector<16xi32>
          } {sc.loop_unroll_factor = 4 : i64, sc.parallel_access}
          %parallel_loop3A_647 = vector.broadcast %parallel_loop3A_628 : i32 to vector<16xi32>
          %parallel_loop3A_648 = arith.addi %parallel_loop3A_622, %parallel_loop3A_647 : vector<16xi32>
          tpu.vector_store_idx %arg22[%parallel_loop3A_612, %parallel_loop3A_648], %parallel_loop3A_639 : memref<64x128xf32, #tpu.memory_space<vmem>>[vector<16xi32>, vector<16xi32>], vector<16xf32>,
        } {sc.loop_unroll_factor = 1 : i64, sc.parallel_access}
      } {sc.loop_unroll_factor = 1 : i64, sc.parallel_access}
      %dma_start3A_587 = arith.constant 0 : i32
      %dma_start3A_588 = arith.constant 0 : i32
      %dma_start3A_589 = tpu.memref_slice %arg23[%dma_start3A_587, %dma_start3A_588] : memref<10880x128xf32, #tpu.memory_space<vmem_shared>> -> memref<10880x128xf32, #tpu.memory_space<vmem_shared>>
      tpu.enqueue_indirect_dma source(%arg22 : memref<64x128xf32, #tpu.memory_space<vmem>>) target(%dma_start3A_589 : memref<10880x128xf32, #tpu.memory_space<vmem_shared>>) offsets(%arg16 : memref<64xi32, #tpu.memory_space<vmem>>) semaphore(%arg29 : memref<!tpu.dma_semaphore, #tpu.memory_space<semaphore_mem>>) {add = true}
      %add3A_590 = arith.constant 2 : i32
      %add3A_591 = arith.addi %add3A_478, %add3A_590 : i32
      %lt3A_592 = arith.constant 316 : i32
      %lt3A_593 = arith.cmpi slt, %add3A_591, %lt3A_592 : i32
      %convert_element_type3A_594 = arith.extui %lt3A_593 : i1 to i32
      %cond3A_595 = arith.constant 0 : i32
      %cond3A_596 = arith.cmpi ne, %convert_element_type3A_594, %cond3A_595 : i32
      scf.if %cond3A_596 {
        %add3A_605 = arith.constant 2 : i32
        %add3A_606 = arith.addi %add3A_478, %add3A_605 : i32
        %mul3A_607 = arith.constant 32 : i32
        %mul3A_608 = arith.muli %add3A_606, %mul3A_607 : i32
        %add3A_609 = arith.addi %mul3A_16, %mul3A_608 : i32
        %dma_wait3A_610 = tpu.memref_slice %arg4[%add3A_609] : memref<323584xi32, #tpu.memory_space<hbm>> -> memref<32xi32, #tpu.memory_space<hbm>>
        %dma_wait3A_611 = tpu.memref_slice %arg4[%add3A_609] : memref<323584xi32, #tpu.memory_space<hbm>> -> memref<32xi32, #tpu.memory_space<hbm>>
        tpu.wait_dma2 semaphore(%arg31 : memref<!tpu.dma_semaphore, #tpu.memory_space<semaphore_mem>>) src(%dma_wait3A_611 : memref<32xi32, #tpu.memory_space<hbm>>) dst(%arg8 : memref<32xi32, #tpu.memory_space<vmem>>)
        %mul3A_612 = arith.constant 32 : i32
        %mul3A_613 = arith.muli %add3A_606, %mul3A_612 : i32
        %add3A_614 = arith.addi %mul3A_16, %mul3A_613 : i32
        %dma_wait3A_615 = tpu.memref_slice %arg5[%add3A_614] : memref<323584xi32, #tpu.memory_space<hbm>> -> memref<32xi32, #tpu.memory_space<hbm>>
        %dma_wait3A_616 = tpu.memref_slice %arg5[%add3A_614] : memref<323584xi32, #tpu.memory_space<hbm>> -> memref<32xi32, #tpu.memory_space<hbm>>
        tpu.wait_dma2 semaphore(%arg31 : memref<!tpu.dma_semaphore, #tpu.memory_space<semaphore_mem>>) src(%dma_wait3A_616 : memref<32xi32, #tpu.memory_space<hbm>>) dst(%arg12 : memref<32xi32, #tpu.memory_space<vmem>>)
        %dma_start3A_617 = arith.constant 0 : i32
        %dma_start3A_618 = arith.constant 0 : i32
        %dma_start3A_619 = tpu.memref_slice %arg2[%dma_start3A_617, %dma_start3A_618] : memref<10240x128xf32, #tpu.memory_space<hbm>> -> memref<10240x128xf32, #tpu.memory_space<hbm>>
        tpu.enqueue_indirect_dma source(%dma_start3A_619 : memref<10240x128xf32, #tpu.memory_space<hbm>>) target(%arg18 : memref<32x128xf32, #tpu.memory_space<vmem>>) offsets(%arg12 : memref<32xi32, #tpu.memory_space<vmem>>) semaphore(%arg25 : memref<!tpu.dma_semaphore, #tpu.memory_space<semaphore_mem>>)
        %dma_start3A_620 = arith.constant 0 : i32
        %dma_start3A_621 = arith.constant 0 : i32
        %dma_start3A_622 = tpu.memref_slice %arg3[%dma_start3A_620, %dma_start3A_621] : memref<10240x256xf32, #tpu.memory_space<hbm>> -> memref<10240x256xf32, #tpu.memory_space<hbm>>
        tpu.enqueue_indirect_dma source(%dma_start3A_622 : memref<10240x256xf32, #tpu.memory_space<hbm>>) target(%arg20 : memref<32x256xf32, #tpu.memory_space<vmem>>) offsets(%arg8 : memref<32xi32, #tpu.memory_space<vmem>>) semaphore(%arg27 : memref<!tpu.dma_semaphore, #tpu.memory_space<semaphore_mem>>)
      } else {
      }
      %add3A_597 = arith.constant 4 : i32
      %add3A_598 = arith.addi %add3A_478, %add3A_597 : i32
      %lt3A_599 = arith.constant 316 : i32
      %lt3A_600 = arith.cmpi slt, %add3A_598, %lt3A_599 : i32
      %convert_element_type3A_601 = arith.extui %lt3A_600 : i1 to i32
      %cond3A_602 = arith.constant 0 : i32
      %cond3A_603 = arith.cmpi ne, %convert_element_type3A_601, %cond3A_602 : i32
      scf.if %cond3A_603 {
        %add3A_605 = arith.constant 4 : i32
        %add3A_606 = arith.addi %add3A_478, %add3A_605 : i32
        %mul3A_607 = arith.constant 32 : i32
        %mul3A_608 = arith.muli %add3A_606, %mul3A_607 : i32
        %add3A_609 = arith.addi %mul3A_16, %mul3A_608 : i32
        %dma_start3A_610 = tpu.memref_slice %arg4[%add3A_609] : memref<323584xi32, #tpu.memory_space<hbm>> -> memref<32xi32, #tpu.memory_space<hbm>>
        %dma_start3A_611 = tpu.memref_slice %arg4[%add3A_609] : memref<323584xi32, #tpu.memory_space<hbm>> -> memref<32xi32, #tpu.memory_space<hbm>>
        tpu.enqueue_dma source(%dma_start3A_611 : memref<32xi32, #tpu.memory_space<hbm>>) target(%arg10 : memref<32xi32, #tpu.memory_space<vmem>>) target_semaphore(%arg33 : memref<!tpu.dma_semaphore, #tpu.memory_space<semaphore_mem>>)
        %mul3A_612 = arith.constant 32 : i32
        %mul3A_613 = arith.muli %add3A_606, %mul3A_612 : i32
        %add3A_614 = arith.addi %mul3A_16, %mul3A_613 : i32
        %dma_start3A_615 = tpu.memref_slice %arg5[%add3A_614] : memref<323584xi32, #tpu.memory_space<hbm>> -> memref<32xi32, #tpu.memory_space<hbm>>
        %dma_start3A_616 = tpu.memref_slice %arg5[%add3A_614] : memref<323584xi32, #tpu.memory_space<hbm>> -> memref<32xi32, #tpu.memory_space<hbm>>
        tpu.enqueue_dma source(%dma_start3A_616 : memref<32xi32, #tpu.memory_space<hbm>>) target(%arg14 : memref<32xi32, #tpu.memory_space<vmem>>) target_semaphore(%arg33 : memref<!tpu.dma_semaphore, #tpu.memory_space<semaphore_mem>>)
      } else {
      }
      %scan3A_604 = arith.constant 0 : i32
      scf.yield %scan3A_604 : i32
    }
    %scan3A_81 = arith.constant 79 : i32
    %dma_wait3A_82 = arith.constant 0 : i32
    %dma_wait3A_83 = arith.constant 0 : i32
    %dma_wait3A_84 = tpu.memref_slice %arg23[%dma_wait3A_82, %dma_wait3A_83] : memref<10880x128xf32, #tpu.memory_space<vmem_shared>> -> memref<10880x128xf32, #tpu.memory_space<vmem_shared>>
    tpu.wait_indirect_dma semaphore(%arg28 : memref<!tpu.dma_semaphore, #tpu.memory_space<semaphore_mem>>) src(%arg21 : memref<64x128xf32, #tpu.memory_space<vmem>>) dst(%dma_wait3A_84 : memref<10880x128xf32, #tpu.memory_space<vmem_shared>>)
    %dma_wait3A_85 = arith.constant 0 : i32
    %dma_wait3A_86 = arith.constant 0 : i32
    %dma_wait3A_87 = tpu.memref_slice %arg23[%dma_wait3A_85, %dma_wait3A_86] : memref<10880x128xf32, #tpu.memory_space<vmem_shared>> -> memref<10880x128xf32, #tpu.memory_space<vmem_shared>>
    tpu.wait_indirect_dma semaphore(%arg29 : memref<!tpu.dma_semaphore, #tpu.memory_space<semaphore_mem>>) src(%arg22 : memref<64x128xf32, #tpu.memory_space<vmem>>) dst(%dma_wait3A_87 : memref<10880x128xf32, #tpu.memory_space<vmem_shared>>)
    %barrier3A_88 = arith.constant 0 : index
    tpu.barrier barrier_id(%barrier3A_88)
    %mul3A_89 = arith.constant 680 : i32
    %mul3A_90 = arith.muli %arg1, %mul3A_89 : i32
    %mul3A_91 = arith.constant 10880 : i32
    %mul3A_92 = arith.muli %arg0, %mul3A_91 : i32
    %mul3A_93 = arith.constant 680 : i32
    %mul3A_94 = arith.muli %arg1, %mul3A_93 : i32
    %add3A_95 = arith.addi %mul3A_92, %mul3A_94 : i32
    "tpu.region"() ({
      %run_scoped3A = tpu.sem_alloc : memref<!tpu.dma_semaphore, #tpu.memory_space<semaphore_mem>>
      %dma_start3A_96 = arith.constant 0 : i32
      %dma_start3A_97 = tpu.memref_slice %arg6[%add3A_95, %dma_start3A_96] : memref<21760x128xf32, #tpu.memory_space<hbm>> -> memref<680x128xf32, #tpu.memory_space<hbm>>
      %dma_start3A_98 = arith.constant 0 : i32
      %dma_start3A_99 = tpu.memref_slice %arg23[%mul3A_90, %dma_start3A_98] : memref<10880x128xf32, #tpu.memory_space<vmem_shared>> -> memref<680x128xf32, #tpu.memory_space<vmem_shared>>
      tpu.enqueue_dma source(%dma_start3A_99 : memref<680x128xf32, #tpu.memory_space<vmem_shared>>) target(%dma_start3A_97 : memref<680x128xf32, #tpu.memory_space<hbm>>) target_semaphore(%run_scoped3A : memref<!tpu.dma_semaphore, #tpu.memory_space<semaphore_mem>>)
      %dma_wait3A_100 = arith.constant 0 : i32
      %dma_wait3A_101 = tpu.memref_slice %arg6[%add3A_95, %dma_wait3A_100] : memref<21760x128xf32, #tpu.memory_space<hbm>> -> memref<680x128xf32, #tpu.memory_space<hbm>>
      %dma_wait3A_102 = arith.constant 0 : i32
      %dma_wait3A_103 = tpu.memref_slice %arg23[%mul3A_90, %dma_wait3A_102] : memref<10880x128xf32, #tpu.memory_space<vmem_shared>> -> memref<680x128xf32, #tpu.memory_space<vmem_shared>>
      tpu.wait_dma2 semaphore(%run_scoped3A : memref<!tpu.dma_semaphore, #tpu.memory_space<semaphore_mem>>) src(%dma_wait3A_103 : memref<680x128xf32, #tpu.memory_space<vmem_shared>>) dst(%dma_wait3A_101 : memref<680x128xf32, #tpu.memory_space<hbm>>)
      tpu.yield
    }) : () -> ()
    return
  }
}

module attributes {stable_mosaic.version = 14 : i64} {
  func.func @_proj_body(%arg0: i32, %arg1: memref<1024x128xf32, #tpu.memory_space<vmem>>, %arg2: memref<128x384xf32, #tpu.memory_space<vmem>>, %arg3: memref<1x384xf32, #tpu.memory_space<vmem>>, %arg4: memref<1024x128xf32, #tpu.memory_space<vmem>>, %arg5: memref<1024x256xf32, #tpu.memory_space<vmem>>) attributes {dimension_semantics = [#tpu.dimension_semantics<arbitrary>], iteration_bounds = array<i64: 10>, scalar_prefetch = 0 : i64, scratch_operands = 0 : i64, tpu.core_type = #tpu.core_type<tc>, window_params = [{transform_indices = @transform_0, window_bounds = array<i64: 1024, 128>}, {pipeline_mode = #tpu.pipeline_mode<synchronous>, transform_indices = @transform_1, window_bounds = array<i64: 128, 384>}, {pipeline_mode = #tpu.pipeline_mode<synchronous>, transform_indices = @transform_2, window_bounds = array<i64: 1, 384>}, {transform_indices = @transform_3, window_bounds = array<i64: 1024, 128>}, {transform_indices = @transform_4, window_bounds = array<i64: 1024, 256>}]} {
    %get3A = arith.constant 0 : index
    %get3A_0 = arith.constant 0 : index
    %get3A_1 = vector.load %arg1[%get3A, %get3A_0] : memref<1024x128xf32, #tpu.memory_space<vmem>>, vector<1024x128xf32>
    %get3A_2 = arith.constant 0 : index
    %get3A_3 = arith.constant 0 : index
    %get3A_4 = vector.load %arg2[%get3A_2, %get3A_3] : memref<128x384xf32, #tpu.memory_space<vmem>>, vector<128x384xf32>
    %dot_general3A = arith.constant dense<0.000000e+00> : vector<1024x384xf32>
    %dot_general3A_5 = tpu.matmul %get3A_1, %get3A_4, %dot_general3A {dimension_numbers = #tpu.dot_dimension_numbers<[1], [0], [0], [1], [0, 0, 1, 1], [], []>, transpose_lhs_hint = false} : vector<1024x128xf32>, vector<128x384xf32>, vector<1024x384xf32> -> vector<1024x384xf32>
    %get3A_6 = arith.constant 0 : index
    %get3A_7 = arith.constant 0 : index
    %get3A_8 = vector.load %arg3[%get3A_6, %get3A_7] : memref<1x384xf32, #tpu.memory_space<vmem>>, vector<1x384xf32>
    %add3A = vector.broadcast %get3A_8 : vector<1x384xf32> to vector<1024x384xf32>
    %add3A_9 = arith.addf %dot_general3A_5, %add3A : vector<1024x384xf32>
    %slice3A = vector.extract_strided_slice %add3A_9 {offsets = [0, 0], sizes = [1024, 128], strides = [1, 1]} : vector<1024x384xf32> to vector<1024x128xf32>
    %swap3A = arith.constant 0 : index
    %swap3A_10 = arith.constant 0 : index
    %swap3A_11 = vector.load %arg4[%swap3A, %swap3A_10] : memref<1024x128xf32, #tpu.memory_space<vmem>>, vector<1024x128xf32>
    tpu.vector_store %arg4[%swap3A, %swap3A_10], %slice3A {strides = array<i32>} : memref<1024x128xf32, #tpu.memory_space<vmem>>, vector<1024x128xf32>,
    %slice3A_12 = vector.extract_strided_slice %add3A_9 {offsets = [0, 128], sizes = [1024, 256], strides = [1, 1]} : vector<1024x384xf32> to vector<1024x256xf32>
    %swap3A_13 = arith.constant 0 : index
    %swap3A_14 = arith.constant 0 : index
    %swap3A_15 = vector.load %arg5[%swap3A_13, %swap3A_14] : memref<1024x256xf32, #tpu.memory_space<vmem>>, vector<1024x256xf32>
    tpu.vector_store %arg5[%swap3A_13, %swap3A_14], %slice3A_12 {strides = array<i32>} : memref<1024x256xf32, #tpu.memory_space<vmem>>, vector<1024x256xf32>,
    return
  }
  func.func @transform_0(%arg0: i32) -> (i32, i32) {
    %c0_i32 = arith.constant 0 : i32
    %c0_i32_0 = arith.constant 0 : i32
    return %arg0, %c0_i32 : i32, i32
  }
  func.func @transform_1(%arg0: i32) -> (i32, i32) {
    %c0_i32 = arith.constant 0 : i32
    %c0_i32_0 = arith.constant 0 : i32
    %c0_i32_1 = arith.constant 0 : i32
    return %c0_i32, %c0_i32_0 : i32, i32
  }
  func.func @transform_2(%arg0: i32) -> (i32, i32) {
    %c0_i32 = arith.constant 0 : i32
    %c0_i32_0 = arith.constant 0 : i32
    %c0_i32_1 = arith.constant 0 : i32
    return %c0_i32, %c0_i32_0 : i32, i32
  }
  func.func @transform_3(%arg0: i32) -> (i32, i32) {
    %c0_i32 = arith.constant 0 : i32
    %c0_i32_0 = arith.constant 0 : i32
    return %arg0, %c0_i32 : i32, i32
  }
  func.func @transform_4(%arg0: i32) -> (i32, i32) {
    %c0_i32 = arith.constant 0 : i32
    %c0_i32_0 = arith.constant 0 : i32
    return %arg0, %c0_i32 : i32, i32
  }
}

module attributes {stable_mosaic.version = 14 : i64} {
  func.func @_finish_body(%arg0: i32, %arg1: memref<1024x128xf32, #tpu.memory_space<vmem>>, %arg2: memref<1024x128xf32, #tpu.memory_space<vmem>>, %arg3: memref<64x128xf32, #tpu.memory_space<vmem>>, %arg4: memref<64x128xf32, #tpu.memory_space<vmem>>, %arg5: memref<1024x128xf32, #tpu.memory_space<vmem>>, %arg6: memref<128x128xf32, #tpu.memory_space<vmem>>, %arg7: memref<1x128xf32, #tpu.memory_space<vmem>>, %arg8: memref<1x1xf32, #tpu.memory_space<vmem>>, %arg9: memref<1x128xf32, #tpu.memory_space<vmem>>, %arg10: memref<1x128xf32, #tpu.memory_space<vmem>>, %arg11: memref<1024x128xf32, #tpu.memory_space<vmem>>) attributes {dimension_semantics = [#tpu.dimension_semantics<arbitrary>], iteration_bounds = array<i64: 10>, scalar_prefetch = 0 : i64, scratch_operands = 0 : i64, tpu.core_type = #tpu.core_type<tc>, window_params = [{transform_indices = @transform_0, window_bounds = array<i64: 1024, 128>}, {transform_indices = @transform_1, window_bounds = array<i64: 1024, 128>}, {transform_indices = @transform_2, window_bounds = array<i64: 64, 128>}, {transform_indices = @transform_3, window_bounds = array<i64: 64, 128>}, {transform_indices = @transform_4, window_bounds = array<i64: 1024, 128>}, {pipeline_mode = #tpu.pipeline_mode<synchronous>, transform_indices = @transform_5, window_bounds = array<i64: 128, 128>}, {pipeline_mode = #tpu.pipeline_mode<synchronous>, transform_indices = @transform_6, window_bounds = array<i64: 1, 128>}, {pipeline_mode = #tpu.pipeline_mode<synchronous>, transform_indices = @transform_7, window_bounds = array<i64: 1, 1>}, {pipeline_mode = #tpu.pipeline_mode<synchronous>, transform_indices = @transform_8, window_bounds = array<i64: 1, 128>}, {pipeline_mode = #tpu.pipeline_mode<synchronous>, transform_indices = @transform_9, window_bounds = array<i64: 1, 128>}, {transform_indices = @transform_10, window_bounds = array<i64: 1024, 128>}]} {
    %get3A = arith.constant 0 : index
    %get3A_0 = arith.constant 0 : index
    %get3A_1 = vector.load %arg1[%get3A, %get3A_0] : memref<1024x128xf32, #tpu.memory_space<vmem>>, vector<1024x128xf32>
    %get3A_2 = arith.constant 0 : index
    %get3A_3 = arith.constant 0 : index
    %get3A_4 = vector.load %arg2[%get3A_2, %get3A_3] : memref<1024x128xf32, #tpu.memory_space<vmem>>, vector<1024x128xf32>
    %add3A = arith.addf %get3A_1, %get3A_4 : vector<1024x128xf32>
    %get3A_5 = arith.constant 0 : index
    %get3A_6 = arith.constant 0 : index
    %get3A_7 = vector.load %arg3[%get3A_5, %get3A_6] : memref<64x128xf32, #tpu.memory_space<vmem>>, vector<64x128xf32>
    %get3A_8 = arith.constant 0 : index
    %get3A_9 = arith.constant 0 : index
    %get3A_10 = vector.load %arg4[%get3A_8, %get3A_9] : memref<64x128xf32, #tpu.memory_space<vmem>>, vector<64x128xf32>
    %add3A_11 = arith.addf %get3A_7, %get3A_10 : vector<64x128xf32>
    %iota3A = tpu.iota {dimensions = array<i32: 0>} : vector<1024x64xi32>
    %iota3A_12 = tpu.iota {dimensions = array<i32: 1>} : vector<1024x64xi32>
    %jit3A = arith.constant 16 : i32
    %div3A = vector.broadcast %jit3A : i32 to vector<1024x64xi32>
    %div3A_13 = arith.divsi %iota3A, %div3A : vector<1024x64xi32>
    %sign3A = arith.constant 0 : i32
    %sign3A_14 = vector.broadcast %sign3A : i32 to vector<1024x64xi32>
    %sign3A_15 = arith.cmpi sgt, %iota3A, %sign3A_14 : vector<1024x64xi32>
    %sign3A_16 = arith.extui %sign3A_15 : vector<1024x64xi1> to vector<1024x64xi32>
    %sign3A_17 = arith.constant 0 : i32
    %sign3A_18 = vector.broadcast %sign3A_17 : i32 to vector<1024x64xi32>
    %sign3A_19 = arith.cmpi slt, %iota3A, %sign3A_18 : vector<1024x64xi32>
    %sign3A_20 = arith.extui %sign3A_19 : vector<1024x64xi1> to vector<1024x64xi32>
    %sign3A_21 = arith.subi %sign3A_16, %sign3A_20 : vector<1024x64xi32>
    %sign3A_22 = arith.constant 0 : i32
    %sign3A_23 = arith.cmpi sgt, %jit3A, %sign3A_22 : i32
    %sign3A_24 = arith.extui %sign3A_23 : i1 to i32
    %sign3A_25 = arith.constant 0 : i32
    %sign3A_26 = arith.cmpi slt, %jit3A, %sign3A_25 : i32
    %sign3A_27 = arith.extui %sign3A_26 : i1 to i32
    %sign3A_28 = arith.subi %sign3A_24, %sign3A_27 : i32
    %ne3A = vector.broadcast %sign3A_28 : i32 to vector<1024x64xi32>
    %ne3A_29 = arith.cmpi ne, %sign3A_21, %ne3A : vector<1024x64xi32>
    %rem3A = vector.broadcast %jit3A : i32 to vector<1024x64xi32>
    %rem3A_30 = arith.remsi %iota3A, %rem3A : vector<1024x64xi32>
    %ne3A_31 = arith.constant 0 : i32
    %ne3A_32 = vector.broadcast %ne3A_31 : i32 to vector<1024x64xi32>
    %ne3A_33 = arith.cmpi ne, %rem3A_30, %ne3A_32 : vector<1024x64xi32>
    %and3A = arith.andi %ne3A_29, %ne3A_33 : vector<1024x64xi1>
    %sub3A = arith.constant 1 : i32
    %sub3A_34 = vector.broadcast %sub3A : i32 to vector<1024x64xi32>
    %sub3A_35 = arith.subi %div3A_13, %sub3A_34 : vector<1024x64xi32>
    %select_n3A = arith.select %and3A, %sub3A_35, %div3A_13 : vector<1024x64xi1>, vector<1024x64xi32>
    %eq3A = arith.cmpi eq, %select_n3A, %iota3A_12 : vector<1024x64xi32>
    %convert_element_type3A = arith.extui %eq3A : vector<1024x64xi1> to vector<1024x64xi32>
    %convert_element_type3A_36 = arith.sitofp %convert_element_type3A : vector<1024x64xi32> to vector<1024x64xf32>
    %dot_general3A = arith.constant dense<0.000000e+00> : vector<1024x128xf32>
    %dot_general3A_37 = tpu.matmul %convert_element_type3A_36, %add3A_11, %dot_general3A {dimension_numbers = #tpu.dot_dimension_numbers<[1], [0], [0], [1], [0, 0, 1, 1], [], []>, transpose_lhs_hint = false} : vector<1024x64xf32>, vector<64x128xf32>, vector<1024x128xf32> -> vector<1024x128xf32>
    %iota3A_38 = tpu.iota {dimensions = array<i32: 0>} : vector<1024x128xi32>
    %iota3A_39 = tpu.iota {dimensions = array<i32: 1>} : vector<1024x128xi32>
    %jit3A_40 = arith.constant 8 : i32
    %div3A_41 = vector.broadcast %jit3A_40 : i32 to vector<1024x128xi32>
    %div3A_42 = arith.divsi %iota3A_39, %div3A_41 : vector<1024x128xi32>
    %sign3A_43 = arith.constant 0 : i32
    %sign3A_44 = vector.broadcast %sign3A_43 : i32 to vector<1024x128xi32>
    %sign3A_45 = arith.cmpi sgt, %iota3A_39, %sign3A_44 : vector<1024x128xi32>
    %sign3A_46 = arith.extui %sign3A_45 : vector<1024x128xi1> to vector<1024x128xi32>
    %sign3A_47 = arith.constant 0 : i32
    %sign3A_48 = vector.broadcast %sign3A_47 : i32 to vector<1024x128xi32>
    %sign3A_49 = arith.cmpi slt, %iota3A_39, %sign3A_48 : vector<1024x128xi32>
    %sign3A_50 = arith.extui %sign3A_49 : vector<1024x128xi1> to vector<1024x128xi32>
    %sign3A_51 = arith.subi %sign3A_46, %sign3A_50 : vector<1024x128xi32>
    %sign3A_52 = arith.constant 0 : i32
    %sign3A_53 = arith.cmpi sgt, %jit3A_40, %sign3A_52 : i32
    %sign3A_54 = arith.extui %sign3A_53 : i1 to i32
    %sign3A_55 = arith.constant 0 : i32
    %sign3A_56 = arith.cmpi slt, %jit3A_40, %sign3A_55 : i32
    %sign3A_57 = arith.extui %sign3A_56 : i1 to i32
    %sign3A_58 = arith.subi %sign3A_54, %sign3A_57 : i32
    %ne3A_59 = vector.broadcast %sign3A_58 : i32 to vector<1024x128xi32>
    %ne3A_60 = arith.cmpi ne, %sign3A_51, %ne3A_59 : vector<1024x128xi32>
    %rem3A_61 = vector.broadcast %jit3A_40 : i32 to vector<1024x128xi32>
    %rem3A_62 = arith.remsi %iota3A_39, %rem3A_61 : vector<1024x128xi32>
    %ne3A_63 = arith.constant 0 : i32
    %ne3A_64 = vector.broadcast %ne3A_63 : i32 to vector<1024x128xi32>
    %ne3A_65 = arith.cmpi ne, %rem3A_62, %ne3A_64 : vector<1024x128xi32>
    %and3A_66 = arith.andi %ne3A_60, %ne3A_65 : vector<1024x128xi1>
    %sub3A_67 = arith.constant 1 : i32
    %sub3A_68 = vector.broadcast %sub3A_67 : i32 to vector<1024x128xi32>
    %sub3A_69 = arith.subi %div3A_42, %sub3A_68 : vector<1024x128xi32>
    %select_n3A_70 = arith.select %and3A_66, %sub3A_69, %div3A_42 : vector<1024x128xi1>, vector<1024x128xi32>
    %jit3A_71 = arith.constant 16 : i32
    %eq3A_72 = arith.constant 0 : i32
    %eq3A_73 = arith.cmpi eq, %jit3A_71, %eq3A_72 : i32
    %jit3A_74 = arith.constant 1 : i32
    %select_n3A_75 = arith.select %eq3A_73, %jit3A_74, %jit3A_71 : i32
    %rem3A_76 = vector.broadcast %select_n3A_75 : i32 to vector<1024x128xi32>
    %rem3A_77 = arith.remsi %iota3A_38, %rem3A_76 : vector<1024x128xi32>
    %ne3A_78 = arith.constant 0 : i32
    %ne3A_79 = vector.broadcast %ne3A_78 : i32 to vector<1024x128xi32>
    %ne3A_80 = arith.cmpi ne, %rem3A_77, %ne3A_79 : vector<1024x128xi32>
    %lt3A = arith.constant 0 : i32
    %lt3A_81 = vector.broadcast %lt3A : i32 to vector<1024x128xi32>
    %lt3A_82 = arith.cmpi slt, %rem3A_77, %lt3A_81 : vector<1024x128xi32>
    %lt3A_83 = arith.constant 0 : i32
    %lt3A_84 = arith.cmpi slt, %select_n3A_75, %lt3A_83 : i32
    %ne3A_85 = vector.broadcast %lt3A_84 : i1 to vector<1024x128xi1>
    %ne3A_86 = vector.broadcast %ne3A_85 : vector<1024x128xi1> to vector<1024x128xi1>
    %ne3A_87 = arith.xori %lt3A_82, %ne3A_86 : vector<1024x128xi1>
    %and3A_88 = arith.andi %ne3A_87, %ne3A_80 : vector<1024x128xi1>
    %add3A_89 = vector.broadcast %select_n3A_75 : i32 to vector<1024x128xi32>
    %add3A_90 = arith.addi %rem3A_77, %add3A_89 : vector<1024x128xi32>
    %select_n3A_91 = arith.select %and3A_88, %add3A_90, %rem3A_77 : vector<1024x128xi1>, vector<1024x128xi32>
    %eq3A_92 = arith.cmpi eq, %select_n3A_70, %select_n3A_91 : vector<1024x128xi32>
    %convert_element_type3A_93 = arith.extui %eq3A_92 : vector<1024x128xi1> to vector<1024x128xi32>
    %convert_element_type3A_94 = arith.sitofp %convert_element_type3A_93 : vector<1024x128xi32> to vector<1024x128xf32>
    %iota3A_95 = tpu.iota {dimensions = array<i32: 0>} : vector<128x128xi32>
    %iota3A_96 = tpu.iota {dimensions = array<i32: 1>} : vector<128x128xi32>
    %jit3A_97 = arith.constant 8 : i32
    %eq3A_98 = arith.constant 0 : i32
    %eq3A_99 = arith.cmpi eq, %jit3A_97, %eq3A_98 : i32
    %jit3A_100 = arith.constant 1 : i32
    %select_n3A_101 = arith.select %eq3A_99, %jit3A_100, %jit3A_97 : i32
    %rem3A_102 = vector.broadcast %select_n3A_101 : i32 to vector<128x128xi32>
    %rem3A_103 = arith.remsi %iota3A_95, %rem3A_102 : vector<128x128xi32>
    %ne3A_104 = arith.constant 0 : i32
    %ne3A_105 = vector.broadcast %ne3A_104 : i32 to vector<128x128xi32>
    %ne3A_106 = arith.cmpi ne, %rem3A_103, %ne3A_105 : vector<128x128xi32>
    %lt3A_107 = arith.constant 0 : i32
    %lt3A_108 = vector.broadcast %lt3A_107 : i32 to vector<128x128xi32>
    %lt3A_109 = arith.cmpi slt, %rem3A_103, %lt3A_108 : vector<128x128xi32>
    %lt3A_110 = arith.constant 0 : i32
    %lt3A_111 = arith.cmpi slt, %select_n3A_101, %lt3A_110 : i32
    %ne3A_112 = vector.broadcast %lt3A_111 : i1 to vector<128x128xi1>
    %ne3A_113 = vector.broadcast %ne3A_112 : vector<128x128xi1> to vector<128x128xi1>
    %ne3A_114 = arith.xori %lt3A_109, %ne3A_113 : vector<128x128xi1>
    %and3A_115 = arith.andi %ne3A_114, %ne3A_106 : vector<128x128xi1>
    %add3A_116 = vector.broadcast %select_n3A_101 : i32 to vector<128x128xi32>
    %add3A_117 = arith.addi %rem3A_103, %add3A_116 : vector<128x128xi32>
    %select_n3A_118 = arith.select %and3A_115, %add3A_117, %rem3A_103 : vector<128x128xi1>, vector<128x128xi32>
    %jit3A_119 = arith.constant 16 : i32
    %div3A_120 = vector.broadcast %jit3A_119 : i32 to vector<128x128xi32>
    %div3A_121 = arith.divsi %iota3A_96, %div3A_120 : vector<128x128xi32>
    %sign3A_122 = arith.constant 0 : i32
    %sign3A_123 = vector.broadcast %sign3A_122 : i32 to vector<128x128xi32>
    %sign3A_124 = arith.cmpi sgt, %iota3A_96, %sign3A_123 : vector<128x128xi32>
    %sign3A_125 = arith.extui %sign3A_124 : vector<128x128xi1> to vector<128x128xi32>
    %sign3A_126 = arith.constant 0 : i32
    %sign3A_127 = vector.broadcast %sign3A_126 : i32 to vector<128x128xi32>
    %sign3A_128 = arith.cmpi slt, %iota3A_96, %sign3A_127 : vector<128x128xi32>
    %sign3A_129 = arith.extui %sign3A_128 : vector<128x128xi1> to vector<128x128xi32>
    %sign3A_130 = arith.subi %sign3A_125, %sign3A_129 : vector<128x128xi32>
    %sign3A_131 = arith.constant 0 : i32
    %sign3A_132 = arith.cmpi sgt, %jit3A_119, %sign3A_131 : i32
    %sign3A_133 = arith.extui %sign3A_132 : i1 to i32
    %sign3A_134 = arith.constant 0 : i32
    %sign3A_135 = arith.cmpi slt, %jit3A_119, %sign3A_134 : i32
    %sign3A_136 = arith.extui %sign3A_135 : i1 to i32
    %sign3A_137 = arith.subi %sign3A_133, %sign3A_136 : i32
    %ne3A_138 = vector.broadcast %sign3A_137 : i32 to vector<128x128xi32>
    %ne3A_139 = arith.cmpi ne, %sign3A_130, %ne3A_138 : vector<128x128xi32>
    %rem3A_140 = vector.broadcast %jit3A_119 : i32 to vector<128x128xi32>
    %rem3A_141 = arith.remsi %iota3A_96, %rem3A_140 : vector<128x128xi32>
    %ne3A_142 = arith.constant 0 : i32
    %ne3A_143 = vector.broadcast %ne3A_142 : i32 to vector<128x128xi32>
    %ne3A_144 = arith.cmpi ne, %rem3A_141, %ne3A_143 : vector<128x128xi32>
    %and3A_145 = arith.andi %ne3A_139, %ne3A_144 : vector<128x128xi1>
    %sub3A_146 = arith.constant 1 : i32
    %sub3A_147 = vector.broadcast %sub3A_146 : i32 to vector<128x128xi32>
    %sub3A_148 = arith.subi %div3A_121, %sub3A_147 : vector<128x128xi32>
    %select_n3A_149 = arith.select %and3A_145, %sub3A_148, %div3A_121 : vector<128x128xi1>, vector<128x128xi32>
    %eq3A_150 = arith.cmpi eq, %select_n3A_118, %select_n3A_149 : vector<128x128xi32>
    %convert_element_type3A_151 = arith.extui %eq3A_150 : vector<128x128xi1> to vector<128x128xi32>
    %convert_element_type3A_152 = arith.sitofp %convert_element_type3A_151 : vector<128x128xi32> to vector<128x128xf32>
    %mul3A = arith.mulf %dot_general3A_37, %convert_element_type3A_94 : vector<1024x128xf32>
    %dot_general3A_153 = arith.constant dense<0.000000e+00> : vector<1024x128xf32>
    %dot_general3A_154 = tpu.matmul %mul3A, %convert_element_type3A_152, %dot_general3A_153 {dimension_numbers = #tpu.dot_dimension_numbers<[1], [0], [0], [1], [0, 0, 1, 1], [], []>, transpose_lhs_hint = false} : vector<1024x128xf32>, vector<128x128xf32>, vector<1024x128xf32> -> vector<1024x128xf32>
    %gt3A = arith.constant 0.000000e+00 : f32
    %gt3A_155 = vector.broadcast %gt3A : f32 to vector<1024x128xf32>
    %gt3A_156 = arith.cmpf ogt, %dot_general3A_154, %gt3A_155 : vector<1024x128xf32>
    %div3A_157 = arith.divf %add3A, %dot_general3A_154 : vector<1024x128xf32>
    %jit3A_158 = arith.constant 0.000000e+00 : f32
    %broadcast_in_dim3A = vector.broadcast %jit3A_158 : f32 to vector<1024x128xf32>
    %select_n3A_159 = arith.select %gt3A_156, %div3A_157, %broadcast_in_dim3A : vector<1024x128xi1>, vector<1024x128xf32>
    %get3A_160 = arith.constant 0 : index
    %get3A_161 = arith.constant 0 : index
    %get3A_162 = vector.load %arg6[%get3A_160, %get3A_161] : memref<128x128xf32, #tpu.memory_space<vmem>>, vector<128x128xf32>
    %dot_general3A_163 = arith.constant dense<0.000000e+00> : vector<1024x128xf32>
    %dot_general3A_164 = tpu.matmul %select_n3A_159, %get3A_162, %dot_general3A_163 {dimension_numbers = #tpu.dot_dimension_numbers<[1], [0], [0], [1], [0, 0, 1, 1], [], []>, transpose_lhs_hint = false} : vector<1024x128xf32>, vector<128x128xf32>, vector<1024x128xf32> -> vector<1024x128xf32>
    %get3A_165 = arith.constant 0 : index
    %get3A_166 = arith.constant 0 : index
    %get3A_167 = vector.load %arg7[%get3A_165, %get3A_166] : memref<1x128xf32, #tpu.memory_space<vmem>>, vector<1x128xf32>
    %add3A_168 = vector.broadcast %get3A_167 : vector<1x128xf32> to vector<1024x128xf32>
    %add3A_169 = arith.addf %dot_general3A_164, %add3A_168 : vector<1024x128xf32>
    %get3A_170 = arith.constant 0 : index
    %get3A_171 = arith.constant 0 : index
    %get3A_172 = vector.load %arg8[%get3A_170, %get3A_171] : memref<1x1xf32, #tpu.memory_space<vmem>>, vector<1x1xf32>
    %get3A_173 = vector.extract %get3A_172[0, 0] : f32 from vector<1x1xf32>
    %neg3A = arith.constant 0.000000e+00 : f32
    %neg3A_174 = arith.subf %neg3A, %get3A_173 : f32
    %exp3A = math.exp %neg3A_174 : f32
    %add3A_175 = arith.constant 1.000000e+00 : f32
    %add3A_176 = arith.addf %add3A_175, %exp3A : f32
    %div3A_177 = arith.constant 1.000000e+00 : f32
    %div3A_178 = arith.divf %div3A_177, %add3A_176 : f32
    %mul3A_179 = vector.broadcast %div3A_178 : f32 to vector<1024x128xf32>
    %mul3A_180 = arith.mulf %add3A_169, %mul3A_179 : vector<1024x128xf32>
    %get3A_181 = arith.constant 0 : index
    %get3A_182 = arith.constant 0 : index
    %get3A_183 = vector.load %arg5[%get3A_181, %get3A_182] : memref<1024x128xf32, #tpu.memory_space<vmem>>, vector<1024x128xf32>
    %sub3A_184 = arith.constant 1.000000e+00 : f32
    %sub3A_185 = arith.subf %sub3A_184, %div3A_178 : f32
    %mul3A_186 = vector.broadcast %sub3A_185 : f32 to vector<1024x128xf32>
    %mul3A_187 = arith.mulf %get3A_183, %mul3A_186 : vector<1024x128xf32>
    %add3A_188 = arith.addf %mul3A_180, %mul3A_187 : vector<1024x128xf32>
    %reduce_sum3A = arith.constant dense<0.000000e+00> : vector<1024xf32>
    %reduce_sum3A_189 = vector.multi_reduction <add>, %add3A_188, %reduce_sum3A [1] : vector<1024x128xf32> to vector<1024xf32>
    %broadcast_in_dim3A_190 = vector.shape_cast %reduce_sum3A_189 : vector<1024xf32> to vector<1024x1xf32>
    %div3A_191 = arith.constant 1.280000e+02 : f32
    %div3A_192 = vector.broadcast %div3A_191 : f32 to vector<1024x1xf32>
    %div3A_193 = arith.divf %broadcast_in_dim3A_190, %div3A_192 : vector<1024x1xf32>
    %sub3A_194 = vector.broadcast %div3A_193 : vector<1024x1xf32> to vector<1024x128xf32>
    %sub3A_195 = arith.subf %add3A_188, %sub3A_194 : vector<1024x128xf32>
    %sub3A_196 = vector.broadcast %div3A_193 : vector<1024x1xf32> to vector<1024x128xf32>
    %sub3A_197 = arith.subf %add3A_188, %sub3A_196 : vector<1024x128xf32>
    %mul3A_198 = arith.mulf %sub3A_195, %sub3A_197 : vector<1024x128xf32>
    %reduce_sum3A_199 = arith.constant dense<0.000000e+00> : vector<1024xf32>
    %reduce_sum3A_200 = vector.multi_reduction <add>, %mul3A_198, %reduce_sum3A_199 [1] : vector<1024x128xf32> to vector<1024xf32>
    %broadcast_in_dim3A_201 = vector.shape_cast %reduce_sum3A_200 : vector<1024xf32> to vector<1024x1xf32>
    %div3A_202 = arith.constant 1.280000e+02 : f32
    %div3A_203 = vector.broadcast %div3A_202 : f32 to vector<1024x1xf32>
    %div3A_204 = arith.divf %broadcast_in_dim3A_201, %div3A_203 : vector<1024x1xf32>
    %sub3A_205 = vector.broadcast %div3A_193 : vector<1024x1xf32> to vector<1024x128xf32>
    %sub3A_206 = arith.subf %add3A_188, %sub3A_205 : vector<1024x128xf32>
    %add3A_207 = arith.constant 9.99999974E-6 : f32
    %add3A_208 = vector.broadcast %add3A_207 : f32 to vector<1024x1xf32>
    %add3A_209 = arith.addf %div3A_204, %add3A_208 : vector<1024x1xf32>
    %rsqrt3A = math.rsqrt %add3A_209 : vector<1024x1xf32>
    %mul3A_210 = vector.broadcast %rsqrt3A : vector<1024x1xf32> to vector<1024x128xf32>
    %mul3A_211 = arith.mulf %sub3A_206, %mul3A_210 : vector<1024x128xf32>
    %get3A_212 = arith.constant 0 : index
    %get3A_213 = arith.constant 0 : index
    %get3A_214 = vector.load %arg9[%get3A_212, %get3A_213] : memref<1x128xf32, #tpu.memory_space<vmem>>, vector<1x128xf32>
    %mul3A_215 = vector.broadcast %get3A_214 : vector<1x128xf32> to vector<1024x128xf32>
    %mul3A_216 = arith.mulf %mul3A_211, %mul3A_215 : vector<1024x128xf32>
    %get3A_217 = arith.constant 0 : index
    %get3A_218 = arith.constant 0 : index
    %get3A_219 = vector.load %arg10[%get3A_217, %get3A_218] : memref<1x128xf32, #tpu.memory_space<vmem>>, vector<1x128xf32>
    %add3A_220 = vector.broadcast %get3A_219 : vector<1x128xf32> to vector<1024x128xf32>
    %add3A_221 = arith.addf %mul3A_216, %add3A_220 : vector<1024x128xf32>
    %swap3A = arith.constant 0 : index
    %swap3A_222 = arith.constant 0 : index
    %swap3A_223 = vector.load %arg11[%swap3A, %swap3A_222] : memref<1024x128xf32, #tpu.memory_space<vmem>>, vector<1024x128xf32>
    tpu.vector_store %arg11[%swap3A, %swap3A_222], %add3A_221 {strides = array<i32>} : memref<1024x128xf32, #tpu.memory_space<vmem>>, vector<1024x128xf32>,
    return
  }
  func.func @transform_0(%arg0: i32) -> (i32, i32) {
    %c0_i32 = arith.constant 0 : i32
    %c0_i32_0 = arith.constant 0 : i32
    return %arg0, %c0_i32 : i32, i32
  }
  func.func @transform_1(%arg0: i32) -> (i32, i32) {
    %c0_i32 = arith.constant 0 : i32
    %c0_i32_0 = arith.constant 0 : i32
    return %arg0, %c0_i32 : i32, i32
  }
  func.func @transform_2(%arg0: i32) -> (i32, i32) {
    %c0_i32 = arith.constant 0 : i32
    %c0_i32_0 = arith.constant 0 : i32
    return %arg0, %c0_i32 : i32, i32
  }
  func.func @transform_3(%arg0: i32) -> (i32, i32) {
    %c0_i32 = arith.constant 0 : i32
    %c0_i32_0 = arith.constant 0 : i32
    return %arg0, %c0_i32 : i32, i32
  }
  func.func @transform_4(%arg0: i32) -> (i32, i32) {
    %c0_i32 = arith.constant 0 : i32
    %c0_i32_0 = arith.constant 0 : i32
    return %arg0, %c0_i32 : i32, i32
  }
  func.func @transform_5(%arg0: i32) -> (i32, i32) {
    %c0_i32 = arith.constant 0 : i32
    %c0_i32_0 = arith.constant 0 : i32
    %c0_i32_1 = arith.constant 0 : i32
    return %c0_i32, %c0_i32_0 : i32, i32
  }
  func.func @transform_6(%arg0: i32) -> (i32, i32) {
    %c0_i32 = arith.constant 0 : i32
    %c0_i32_0 = arith.constant 0 : i32
    %c0_i32_1 = arith.constant 0 : i32
    return %c0_i32, %c0_i32_0 : i32, i32
  }
  func.func @transform_7(%arg0: i32) -> (i32, i32) {
    %c0_i32 = arith.constant 0 : i32
    %c0_i32_0 = arith.constant 0 : i32
    %c0_i32_1 = arith.constant 0 : i32
    return %c0_i32, %c0_i32_0 : i32, i32
  }
  func.func @transform_8(%arg0: i32) -> (i32, i32) {
    %c0_i32 = arith.constant 0 : i32
    %c0_i32_0 = arith.constant 0 : i32
    %c0_i32_1 = arith.constant 0 : i32
    return %c0_i32, %c0_i32_0 : i32, i32
  }
  func.func @transform_9(%arg0: i32) -> (i32, i32) {
    %c0_i32 = arith.constant 0 : i32
    %c0_i32_0 = arith.constant 0 : i32
    %c0_i32_1 = arith.constant 0 : i32
    return %c0_i32, %c0_i32_0 : i32, i32
  }
  func.func @transform_10(%arg0: i32) -> (i32, i32) {
    %c0_i32 = arith.constant 0 : i32
    %c0_i32_0 = arith.constant 0 : i32
    return %arg0, %c0_i32 : i32, i32
  }
}

</mosaic_0001>

<sc_bundles>
// kernel: kernel.5.cloned.1.call-start
scs
__scs_entry_jumppad:
0x0: {  	(pc) =	sbr.rel $0x88, $3  }
0x1: {  	(tag) =	ssettag $0x0;
	lr =	simm.s32 $0x1  }
0x2: {  	[smem:$0x3F91] =	sst lr;
	_ =	strace $0xD0000000  }
0x3: {  	_ = 	snop  }
0x4: {  	_ = 	snop  }
0x5: {  	_ = 	snop  }
0x6: {  	_ = 	snop  }
0x7: {  	_ = 	snop  }
__scs_overlays_trampoline_lowered:
0x8: {  	[smem:$0x3FA0] =	sst s0  }
0x9: {  	[smem:$0x3FA1] =	sst s1  }
0xa: {  	[smem:$0x3FA2] =	sst s2  }
0xb: {  	[smem:$0x3FA3] =	sst s3  }
0xc: {  	[smem:$0x3FA4] =	sst s4  }
0xd: {  	[smem:$0x3FA5] =	sst s5  }
0xe: {  	[smem:$0x3FA6] =	sst s6  }
0xf: {  	[smem:$0x3FA7] =	sst s7  }
0x10: {  	[smem:$0x3FA8] =	sst s8  }
0x11: {  	[smem:$0x3FA9] =	sst s9;
	s0 =	simm.s32 @!p0 $0x0  }
0x12: {  	s1 =	sld [smem:$0x3F8F];
	s0 =	simm.s32 @p0 $0x1  }
0x13: {  	[smem:$0x3FAA] =	sst s0;
	s0 =	simm.s32 @!p1 $0x0  }
0x14: {  	s2 =	sld [smem:$0x3F8E];
	s0 =	simm.s32 @p1 $0x1  }
0x15: {  	[smem:$0x3FAB] =	sst s0;
	s0 =	simm.s32 @!p2 $0x0  }
0x16: {  	s3 =	sld [smem:$0x3FDB];
	s0 =	simm.s32 @p2 $0x1  }
0x17: {  	s4 =	simm.s32 $0x1BF5;
	[smem:$0x3FAD] =	sst s0  }
0x18: {  	s0 =	sld [smem:$0x3F90];
	_ =	swait.ge [sflag:s4], $0x0  }
0x19: {  	s7 =	sld [smem:$0x3F91]  }
0x1a: {  	s8 =	sadd.s32 $0xFFFFE003, lr  }
0x1b: {  	s9 =	sadd.s32 $0xFFFFFEF7, lr;
	s5 =	simm.s32 $0xFFFFFFFF;
	p2 =	slt.u32 s8, $0xFFFFF086  }
0x1c: {  	p1 =	slt.u32 s9, $0xF7A;
	s5 =	simm.s32 @!p2 $0x0  }
0x1d: {  	s5 =	simm.s32 @p1 $0x1;
	p0 =	seq.s32 s7, s2  }
0x1e: {  	s7 =	smul.u32 @!p0 $0xF7A, s2;
	p2 =	seq.s32 @!p0 s5, $0x0  }
0x1f: {  	s9 =	smul.u32 $0xF7A, s1;
	s8 =	simm.s32 @!p0 $0x1BF5;
	p2 =	por !p2, p0  }
0x20: {  	[sflag:s8] =	ssyncset.s32 @!p0 $0xFFFFF086;
	s6 =	sadd.s32 @!p0 s3, s7;
	s7 =	simm.s32 @!p0 $0x108  }
0x21: {  	s3 =	sadd.s32 s3, s9;
	s6 =	sadd.s32 @!p0 $0x88, s6;
	s7 =	simm.s32 @p2 $0x1082  }
0x22: {  	[simem:s7], [sflag:s8] =	dma.local @!p0 [hbm:s6], $0xF7A  }
0x23: {  	s9 =	sor.u32 $0xD0000000, s2;
	s6 =	simm.s32 $0x108;
	_ =	swait.ge @!p0 [sflag:s8], $0x0  }
0x24: {  	s3 =	sadd.s32 $0x88, s3;
	s6 =	simm.s32 @!p1 $0x1082;
	[sflag:s4] =	ssyncset.s32 $0xFFFFF086  }
0x25: {  	[simem:s6], [sflag:s4] =	dma.local [hbm:s3], $0xF7A  }
0x26: {  	[smem:$0x3F91] =	sst s1;
	(tag) =	ssettag s2;
	_ =	strace s9  }
0x27: {  	s1 =	sld [smem:$0x3FA1]  }
0x28: {  	s2 =	sld [smem:$0x3FA2]  }
0x29: {  	s4 =	sld [smem:$0x3FA4]  }
0x2a: {  	p0 =	seq.s32 s5, $0x0;
	s5 =	sld [smem:$0x3FA5]  }
0x2b: {  	s6 =	sld [smem:$0x3FA6]  }
0x2c: {  	s7 =	sld [smem:$0x3FA7]  }
0x2d: {  	s3 =	simm.s32 $0x108;
	s8 =	sld [smem:$0x3FA8]  }
0x2e: {  	s3 =	simm.s32 @!p0 $0x1082;
	s9 =	sld [smem:$0x3FA9]  }
0x2f: {  	lr =	sadd.s32 s0, s3;
	s0 =	sld [smem:$0x3FA0]  }
0x30: {  	s3 =	sld [smem:$0x3FA3]  }
0x31: {  	[smem:$0x3FAC] =	sst s10  }
0x32: {  	s10 =	sld [smem:$0x3FAA];
	_ =	sdelay $0x3  }
0x33: {  	p0 =	seq.s32 s10, $0x1;
	s10 =	sld [smem:$0x3FAC];
	_ =	sdelay $0x3  }
0x34: {  	[smem:$0x3FAC] =	sst s10  }
0x35: {  	s10 =	sld [smem:$0x3FAB];
	_ =	sdelay $0x3  }
0x36: {  	p1 =	seq.s32 s10, $0x1;
	s10 =	sld [smem:$0x3FAC];
	_ =	sdelay $0x3  }
0x37: {  	[smem:$0x3FAC] =	sst s10  }
0x38: {  	s10 =	sld [smem:$0x3FAD]  }
0x39: {  	_ = 	snop;
	(pc) =	sbr.ind lr, $3  }
0x3a: {  	_ = 	snop  }
0x3b: {  	_ = 	snop  }
0x3c: {  	p2 =	seq.s32 s10, $0x1;
	s10 =	sld [smem:$0x3FAC]  }
0x3d: {  	_ =	shalt  }
0x3e: {  	_ =	shalt  }
0x3f: {  	_ =	shalt  }
0x40: {  	_ =	shalt  }
0x41: {  	_ =	shalt  }
0x42: {  	_ =	shalt  }
0x43: {  	_ =	shalt  }
0x44: {  	_ =	shalt  }
0x45: {  	_ =	shalt  }
0x46: {  	_ =	shalt  }
0x47: {  	_ =	shalt  }
0x48: {  	_ =	shalt  }
0x49: {  	_ =	shalt  }
0x4a: {  	_ =	shalt  }
0x4b: {  	_ =	shalt  }
0x4c: {  	_ =	shalt  }
0x4d: {  	_ =	shalt  }
0x4e: {  	_ =	shalt  }
0x4f: {  	_ =	shalt  }
0x50: {  	_ =	shalt  }
0x51: {  	_ =	shalt  }
0x52: {  	_ =	shalt  }
0x53: {  	_ =	shalt  }
0x54: {  	_ =	shalt  }
0x55: {  	_ =	shalt  }
0x56: {  	_ =	shalt  }
0x57: {  	_ =	shalt  }
0x58: {  	_ =	shalt  }
0x59: {  	_ =	shalt  }
0x5a: {  	_ =	shalt  }
0x5b: {  	_ =	shalt  }
0x5c: {  	_ =	shalt  }
0x5d: {  	_ =	shalt  }
0x5e: {  	_ =	shalt  }
0x5f: {  	_ =	shalt  }
0x60: {  	_ =	shalt  }
0x61: {  	_ =	shalt  }
0x62: {  	_ =	shalt  }
0x63: {  	_ =	shalt  }
0x64: {  	_ =	shalt  }
0x65: {  	_ =	shalt  }
0x66: {  	_ =	shalt  }
0x67: {  	_ =	shalt  }
0x68: {  	_ =	shalt  }
0x69: {  	_ =	shalt  }
0x6a: {  	_ =	shalt  }
0x6b: {  	_ =	shalt  }
0x6c: {  	_ =	shalt  }
0x6d: {  	_ =	shalt  }
0x6e: {  	_ =	shalt  }
0x6f: {  	_ =	shalt  }
0x70: {  	_ =	shalt  }
0x71: {  	_ =	shalt  }
0x72: {  	_ =	shalt  }
0x73: {  	_ =	shalt  }
0x74: {  	_ =	shalt  }
0x75: {  	_ =	shalt  }
0x76: {  	_ =	shalt  }
0x77: {  	_ =	shalt  }
0x78: {  	_ =	shalt  }
0x79: {  	_ =	shalt  }
0x7a: {  	_ =	shalt  }
0x7b: {  	_ =	shalt  }
0x7c: {  	_ =	shalt  }
0x7d: {  	_ =	shalt  }
0x7e: {  	_ =	shalt  }
0x7f: {  	_ =	shalt  }
0x80: {  	_ =	shalt  }
0x81: {  	_ =	shalt  }
0x82: {  	_ =	shalt  }
0x83: {  	_ =	shalt  }
0x84: {  	_ =	shalt  }
0x85: {  	_ =	shalt  }
0x86: {  	_ =	shalt  }
0x87: {  	_ =	shalt  }
.Lfunc_end0:
.L_simem_size_0:
called_computation_lowered:
.L_overlay_start_0:
0x88: {  	s2 =	sld [smem:$0x3FD9]  }
0x89: {  	s3 =	sld [smem:$0x3FFE];
	_ =	sdelay $0x1  }
0x8a: {  	s1 =	srdreg.scid  }
0x8b: {  	s0 =	sand.u32 $0x1, s1  }
0x8c: {  	s17 =	sshll.u32 s0, $0xA;
	s2 =	sadd.s32 s3, s2  }
0x8d: {  	s2 =	sadd.s32 s2, s17  }
0x8e: {  	[smem:$0x3FB8] =	sst s2  }
0x8f: {  	_ = 	snop  }
0x90: {  	s2 =	sld [smem:$0x3FD0];
	(tm) =	ssettm $0x1  }
0x91: {  	s18 =	sld [smem:$0x3FFB];
	_ =	sdelay $0x3  }
0x92: {  	_ =	strace s18  }
0x93: {  	s3 =	sld [smem:$0x3FFC];
	_ =	sdelay $0x3  }
0x94: {  	_ =	strace s3  }
0x95: {  	s3 =	sld [smem:$0x3FFD];
	_ =	sdelay $0x3  }
0x96: {  	_ =	strace s3  }
0x97: {  	_ =	strace $0x8FFFFFFF  }
0x98: {  	s19 =	sld [smem:$0x3FDB];
	_ =	sdelay $0x1  }
0x99: {  	s4 =	simm.s32 $_scs_section_size  }
0x9a: {  	s5 =	simm.s32 $_size__tile_overlayer_lowered;
	s6 =	simm.s32 $_tile_overlayer_lowered  }
0x9b: {  	s22 =	simm.s32 $0x1BFF;
	s21 =	sshll.u32 s6, $0x1;
	s3 =	sadd.s32 s4, s19  }
0x9c: {  	s7 =	simm.s32 $0x0;
	s20 =	sshll.u32 s5, $0x1;
	s5 =	sadd.s32 s21, s3  }
0x9d: {  	[timem:s7], [sflag:s22] =	dma.local [hbm:s5], s20  }
0x9e: {  	_ =	swait.ge [sflag:s22], s20  }
0x9f: {  	s4 =	ssub.s32 $0x0, s20;
	[sflag:s22] =	ssyncset.done $0x0  }
0xa0: {  	[sflag:s22] =	ssyncadd.s32 s4;
	_ =	sdelay $0x1  }
0xa1: {  	s23 =	simm.s32 $0x1B8B  }
0xa2: {  	_ =	swait.ge [sflag:s23], $0x1  }
0xa3: {  	[sflag:s23] =	ssyncset.done $0x0  }
0xa4: {  	s25 =	simm.s32 $0x1B8E;
	s24 =	sld [smem:$0x3FFE];
	[sflag:s23] =	ssyncadd.s32 $0xFFFFFFFF  }
0xa5: {  	s26 =	simm.s32 $execute0_lowered;
	[smem:$0x3FD2] =	sst s25  }
0xa6: {  	s5 =	sshll.u32 s26, $0x1;
	_ =	strace $0x80000046;
	[dreg:$0x1] =	wrdreg $0xFFFFFFFF  }
0xa7: {  	s28 =	simm.s32 $_size_execute0_lowered;
	s3 =	sadd.s32 s3, s5;
	[dreg:$0x0] =	wrdreg $0x0  }
0xa8: {  	s5 =	sshll.u32 s28, $0x1;
	[dreg:$0x2] =	wrdreg s3  }
0xa9: {  	[dreg:$0x3] =	wrdreg s5  }
0xaa: {  	[dreg:$0x4] =	wrdreg $0xC0  }
0xab: {  	_ =	task [dreg:s7], $0x5FFFF  }
0xac: {  	[dreg:$0x1] =	wrdreg $0xFFFFFFFF  }
0xad: {  	[dreg:$0x0] =	wrdreg $0x60  }
0xae: {  	[dreg:$0x2] =	wrdreg s24  }
0xaf: {  	[dreg:$0x3] =	wrdreg s2  }
0xb0: {  	[dreg:$0x4] =	wrdreg $0xA5000  }
0xb1: {  	[dreg:$0x5] =	wrdreg $0x9  }
0xb2: {  	_ =	task.clear_ibuf [dreg:s7], $0x6FFFF;
	_ =	strace $0x90000046  }
0xb3: {  	s29 =	simm.s32 $0x9;
	_ =	strace $0x80000048  }
0xb4: {  	_ =	swait.ge [sflag:s29], $0x1  }
0xb5: {  	[sflag:s29] =	ssyncadd.s32 $0xFFFFFFFF  }
0xb6: {  	_ =	strace $0x90000048  }
0xb7: {  	_ =	sfence  }
0xb8: {  	s30 =	sld [smem:$0x0];
	_ =	sdelay $0x2  }
0xb9: {  	s31 =	sshll.u32 s1, $0xD;
	s1 =	sshrl.u32 s1, $0x2  }
0xba: {  	s3 =	sand.u32 $0x4000, s31;
	s1 =	sadd.s32 s1, s30  }
0xbb: {  	s0 =	sor.u32 s3, s0;
	s1 =	sshll.u32 s1, $0x11  }
0xbc: {  	s0 =	sor.u32 s1, s0  }
0xbd: {  	s0 =	sadd.s32 $0x8F2B, s0  }
0xbe: {  	[sflag:s0] =	ssyncadd.remote.s32 $0x1  }
0xbf: {  	_ =	sfence.sel $0xFFFF  }
0xc0: {  	[dreg:$0x0] =	wrdreg $0xFFFFFFFF;
	(pc) =	sbr.abs _section_cstart, $3  }
0xc1: {  	[dreg:$0x1] =	wrdreg $0xFFFFFFFF  }
0xc2: {  	_ =	task.clear_ibuf [dreg:s7], $0x2FFFF;
	_ =	strace $0x9FFFFFFF  }
0xc3: {  	(tm) =	ssettm $0x7FFFFFFF  }
tec
execute0_lowered:
.L_overlay_start_1:
0x0: {  	(tag) =	ssettag $0x1  }
0x1: {  	s0 =	rddreg [dreg:$0x0]  }
0x2: {  	s1 =	rddreg [dreg:$0x1]  }
0x3: {  	s2 =	rddreg [dreg:$0x2];
	s3 =	srdreg.scid  }
0x4: {  	s4 =	simm.s32 $0x0;
	s12 =	stileid.u32;
	s3 =	sand.u32 $0x1, s3  }
0x5: {  	s8 =	smul.u32 $0x2A800, s3;
	s5 =	sshll.u32 s3, $0x4;
	s3 =	ssub.s32 $0x2, s3  }
0x6: {  	s9 =	smul.u32 $0x2A80, s12;
	s7 =	sor.u32 s12, s5;
	s25 =	sshrl.u32 s3, $0x1  }
0x7: {  	[smem:$0x7FF] =	sst s4;
	s10 =	smul.u32 $0x2780, s7;
	s3 =	ssub.s32 s3, s25  }
0x8: {  	s6 =	sadd.s32 $0xB200, s0;
	s8 =	sadd.s32 s9, s8;
	s9 =	smax.u32 s3, $0x1  }
0x9: {  	_ =	strace $0x80000047;
	s22 =	sadd.s32 $0x80, s10;
	[dreg:$0x12] =	wrdreg s9  }
0xa: {  	s5 =	sadd.s32 $0x5B200, s0;
	s23 =	sadd.s32 $0xA0, s10;
	[dreg:$0xc] =	wrdreg s22  }
0xb: {  	s7 =	sadd.s32 $0x1400, s0;
	s24 =	sadd.s32 $0xC0, s10;
	[dreg:$0xd] =	wrdreg s23  }
0xc: {  	s0 =	sadd.s32 s8, s0;
	s25 =	sadd.s32 $0xE0, s10;
	[dreg:$0xe] =	wrdreg s24  }
0xd: {  	s26 =	sshrl.u32 s10, $0x3;
	s0 =	sadd.s32 $0x83200, s0;
	[dreg:$0xf] =	wrdreg s25  }
0xe: {  	s13 =	sadd.s32 s1, s26;
	[dreg:$0x11] =	wrdreg s0  }
0xf: {  	s14 =	sor.u32 $0x4, s26;
	s11 =	sadd.s32 s7, s26;
	[dreg:$0x4] =	wrdreg s13  }
0x10: {  	[dreg:$0x5] =	wrdreg s11;
	s15 =	sadd.s32 s1, s14  }
0x11: {  	s16 =	sor.u32 $0x8, s26;
	s8 =	sadd.s32 s7, s14;
	[dreg:$0x6] =	wrdreg s15  }
0x12: {  	s21 =	smul.u32 $0x55000, s12;
	s17 =	sadd.s32 s1, s16;
	[dreg:$0x7] =	wrdreg s8  }
0x13: {  	s18 =	sor.u32 $0xC, s26;
	s19 =	sadd.s32 s7, s16;
	[dreg:$0x8] =	wrdreg s17  }
0x14: {  	s26 =	sshrl.u32 s21, $0x2;
	s20 =	sadd.s32 s1, s18;
	[dreg:$0x9] =	wrdreg s19  }
0x15: {  	s12 =	sadd.s32 s26, s2;
	[dreg:$0xa] =	wrdreg s20  }
0x16: {  	s8 =	sadd.s32 s7, s18;
	[dreg:$0x10] =	wrdreg s12  }
0x17: {  	s10 =	sadd.s32 $0x1400, s12;
	[dreg:$0xb] =	wrdreg s8  }
0x18: {  	s11 =	sadd.s32 $0x2800, s12;
	[dreg:$0x13] =	wrdreg s10  }
0x19: {  	s13 =	sadd.s32 $0x3C00, s12;
	[dreg:$0x14] =	wrdreg s11  }
0x1a: {  	s14 =	sadd.s32 $0x5000, s12;
	[dreg:$0x15] =	wrdreg s13  }
0x1b: {  	s15 =	sadd.s32 $0x6400, s12;
	[dreg:$0x16] =	wrdreg s14  }
0x1c: {  	s16 =	sadd.s32 $0x7800, s12;
	[dreg:$0x17] =	wrdreg s15  }
0x1d: {  	s17 =	sadd.s32 $0x8C00, s12;
	[dreg:$0x18] =	wrdreg s16  }
0x1e: {  	s18 =	sadd.s32 $0xA000, s12;
	[dreg:$0x19] =	wrdreg s17  }
0x1f: {  	s19 =	sadd.s32 $0xB400, s12;
	[dreg:$0x1a] =	wrdreg s18  }
0x20: {  	s20 =	sadd.s32 $0xC800, s12;
	[dreg:$0x1b] =	wrdreg s19  }
0x21: {  	s21 =	sadd.s32 $0xDC00, s12;
	[dreg:$0x1c] =	wrdreg s20  }
0x22: {  	s28 =	simm.s32 $0x500;
	s22 =	sadd.s32 $0xF000, s12;
	[dreg:$0x1d] =	wrdreg s21  }
0x23: {  	s29 =	simm.s32 $0x2500;
	s23 =	sadd.s32 $0x10400, s12;
	[dreg:$0x1e] =	wrdreg s22  }
0x24: {  	v0 =	vimm.f32 $0.0e+00;
	v1 =	vlaneseq.u32;
	s30 =	simm.s32 $0x4;
	s24 =	sadd.s32 $0x11800, s12;
	[dreg:$0x1f] =	wrdreg s23  }
0x25: {  	vm0 =	vmmov $0xffff;
	s31 =	simm.s32 $0x8500;
	v3 =	vshrl.u32 v1, $0x3;
	v21 =	vmul.u32 $0x80, v1;
	s25 =	sadd.s32 $0x12C00, s12;
	[smem:$0x7FB] =	sst s24  }
0x26: {  	v2 =	vand.u32 $0x7, v1;
	v4 =	vor.u32 $0x8, v1;
	v3 =	vmul.u32 $0x8, v3;
	s3 =	simm.s32 $0x8;
	s26 =	sadd.s32 $0x14000, s12;
	[smem:$0x7FC] =	sst s25  }
0x27: {  	v16 =	vmul.u32 $0x80, v2;
	v5 =	vor.u32 $0x1000, v21;
	v6 =	vor.u32 $0x1001, v21;
	s9 =	simm.s32 $0x4500;
	s0 =	simm.s32 $0x480;
	[smem:$0x7FD] =	sst s26  }
.Ltmp0:
0x28: {  	v7 =	vor.u32 $0x1002, v21;
	v8 =	vor.u32 $0x1003, v21;
	v9 =	vor.u32 $0x1004, v21;
	s14 =	simm.s32 $0x6500;
	s11 =	simm.s32 $0xB;
	(pc) =	sbr.rel .LBB2_1-.Ltmp0, $4  }
0x29: {  	v10 =	vor.u32 $0x1005, v21;
	v11 =	vor.u32 $0x1006, v21;
	v12 =	vor.u32 $0x1007, v21;
	s26 =	simm.s32 $0x20;
	s8 =	simm.s32 $0x1500;
	s13 =	simm.s32 $0x1  }
0x2a: {  	v13 =	vor.u32 $0x1800, v21;
	v14 =	vor.u32 $0x1801, v21;
	v15 =	vor.u32 $0x1802, v21;
	s20 =	simm.s32 $0x3;
	s25 =	simm.s32 $0x40;
	s23 =	simm.s32 $0x400  }
0x2b: {  	v17 =	vor.u32 $0x1803, v21;
	v18 =	vor.u32 $0x1804, v21;
	v19 =	vor.u32 $0x1805, v21;
	s21 =	simm.s32 $0x9;
	s22 =	simm.s32 $0x2;
	s15 =	simm.s32 $0xA  }
0x2c: {  	v20 =	vor.u32 $0x1806, v21;
	v21 =	vor.u32 $0x1807, v21;
	v22 =	vor.u32 $0x400, v16;
	s19 =	simm.s32 $0x5;
	s16 =	simm.s32 $0x6;
	s17 =	simm.s32 $0x0  }
.LBB2_38:
0x2d: {  	_ =	swait.ge [sflag:s19], $0x2000  }
0x2e: {  	[sflag:s19] =	ssyncset.done $0x0  }
0x2f: {  	[sflag:s19] =	ssyncadd.s32 $0xFFFFE000  }
0x30: {  	_ =	swait.ge [sflag:s16], $0x2000  }
0x31: {  	[sflag:s16] =	ssyncset.done $0x0  }
0x32: {  	[sflag:s16] =	ssyncadd.s32 $0xFFFFE000  }
0x33: {  	s10 =	stileid.u32;
	[bflag:$0x0] =	sbarrier.arrive $0xFFFF  }
0x34: {  	s10 =	sshll.u32 s10, $0x6;
	s12 =	rddreg [dreg:$0x10]  }
0x35: {  	s10 =	sor.u32 $0x1C0B, s10;
	s17 =	rddreg [dreg:$0x11];
	s11 =	sshrl.u32 s12, $0x3  }
0x36: {  	[hbm:s17], [sflag:s10] =	dma.local [spmem:s11], $0x2A80  }
0x37: {  	s11 =	simm.s32 $0xB  }
0x38: {  	_ =	swait.ge [sflag:s11], $0x2A80  }
0x39: {  	s18 =	sld [smem:$0x7FA];
	_ =	sdelay $0x2  }
0x3a: {  	s24 =	rddreg [dreg:$0x12];
	s17 =	sadd.s32 $0x1, s18  }
0x3b: {  	p0 =	sne.s32 s17, s24  }
.Ltmp1:
0x3c: {  	_ = 	snop;
	(pc) =	sbr.rel @!p0 .LBB2_39-.Ltmp1, $3  }
0x3d: {  	_ =	sdelay $0x1  }
0x3e: {  	[sflag:s11] =	ssyncset.done $0x0  }
0x3f: {  	[sflag:s11] =	ssyncadd.s32 $0xFFFFD580  }
.LBB2_1:
0x40: {  	[smem:$0x7FA] =	sst s17;
	s17 =	simm.s32 $0x0;
	s10 =	simm.s32 $0x200  }
.LBB2_2:
0x41: {  	p0 =	sne.s32 s10, $0x7E00;
	[tilespmem:s17+$0x8570] =	vst v0  }
0x42: {  	[tilespmem:s17+$0x6500] =	vst v0  }
0x43: {  	[tilespmem:s17+$0x8500] =	vst v0  }
0x44: {  	[tilespmem:s17+$0x6510] =	vst v0  }
0x45: {  	[tilespmem:s17+$0x8510] =	vst v0  }
0x46: {  	[tilespmem:s17+$0x6520] =	vst v0  }
0x47: {  	[tilespmem:s17+$0x8520] =	vst v0  }
0x48: {  	[tilespmem:s17+$0x6530] =	vst v0  }
0x49: {  	[tilespmem:s17+$0x8530] =	vst v0  }
0x4a: {  	[tilespmem:s17+$0x6540] =	vst v0  }
0x4b: {  	[tilespmem:s17+$0x8540] =	vst v0  }
.Ltmp2:
0x4c: {  	[tilespmem:s17+$0x6550] =	vst v0;
	(pc) =	sbr.rel @p0 .LBB2_2-.Ltmp2, $4  }
0x4d: {  	[tilespmem:s17+$0x8550] =	vst v0  }
0x4e: {  	[tilespmem:s17+$0x6560] =	vst v0  }
0x4f: {  	[tilespmem:s17+$0x8560] =	vst v0  }
0x50: {  	[tilespmem:s17+$0x6570] =	vst v0;
	s17 =	sshra.s32 s10, $0x2;
	s10 =	sadd.s32 $0x200, s10  }
0x51: {  	[tilespmem:s17+$0x8570] =	vst v0  }
0x52: {  	[tilespmem:s17+$0x6500] =	vst v0  }
0x53: {  	[tilespmem:s17+$0x8500] =	vst v0  }
0x54: {  	[tilespmem:s17+$0x6510] =	vst v0  }
0x55: {  	[tilespmem:s17+$0x8510] =	vst v0  }
0x56: {  	[tilespmem:s17+$0x6520] =	vst v0  }
0x57: {  	[tilespmem:s17+$0x8520] =	vst v0  }
0x58: {  	[tilespmem:s17+$0x6530] =	vst v0  }
0x59: {  	[tilespmem:s17+$0x8530] =	vst v0  }
0x5a: {  	[tilespmem:s17+$0x6540] =	vst v0  }
0x5b: {  	[tilespmem:s17+$0x8540] =	vst v0  }
0x5c: {  	[tilespmem:s17+$0x6550] =	vst v0  }
0x5d: {  	[tilespmem:s17+$0x8550] =	vst v0  }
0x5e: {  	[tilespmem:s17+$0x6560] =	vst v0  }
0x5f: {  	[tilespmem:s17+$0x8560] =	vst v0  }
0x60: {  	[tilespmem:s17+$0x6570] =	vst v0  }
0x61: {  	[spmem:s12] =	stream.linear.scatter [tilespmem:s14], [sflag:$0xB], $0x1400, $0x38;
	[tilespmem:$0x1F900] =	vst v63  }
0x62: {  	_ =	swait.ge [sflag:s11], $0x1400  }
0x63: {  	[sflag:s11] =	ssyncset.done $0x0  }
0x64: {  	s10 =	rddreg [dreg:$0x13];
	[sflag:s11] =	ssyncadd.s32 $0xFFFFEC00  }
0x65: {  	[spmem:s10] =	stream.linear.scatter [tilespmem:s14], [sflag:$0xB], $0x1400, $0x38;
	[tilespmem:$0x1F900] =	vst v63  }
0x66: {  	_ =	swait.ge [sflag:s11], $0x1400  }
0x67: {  	[sflag:s11] =	ssyncset.done $0x0  }
0x68: {  	s17 =	rddreg [dreg:$0x14];
	[sflag:s11] =	ssyncadd.s32 $0xFFFFEC00  }
0x69: {  	[spmem:s17] =	stream.linear.scatter [tilespmem:s14], [sflag:$0xB], $0x1400, $0x38;
	[tilespmem:$0x1F900] =	vst v63  }
0x6a: {  	_ =	swait.ge [sflag:s11], $0x1400  }
0x6b: {  	[sflag:s11] =	ssyncset.done $0x0  }
0x6c: {  	s18 =	rddreg [dreg:$0x15];
	[sflag:s11] =	ssyncadd.s32 $0xFFFFEC00  }
0x6d: {  	[spmem:s18] =	stream.linear.scatter [tilespmem:s14], [sflag:$0xB], $0x1400, $0x38;
	[tilespmem:$0x1F900] =	vst v63  }
0x6e: {  	_ =	swait.ge [sflag:s11], $0x1400  }
0x6f: {  	[sflag:s11] =	ssyncset.done $0x0  }
0x70: {  	s24 =	rddreg [dreg:$0x16];
	[sflag:s11] =	ssyncadd.s32 $0xFFFFEC00  }
0x71: {  	[spmem:s24] =	stream.linear.scatter [tilespmem:s14], [sflag:$0xB], $0x1400, $0x38;
	[tilespmem:$0x1F900] =	vst v63  }
0x72: {  	_ =	swait.ge [sflag:s11], $0x1400  }
0x73: {  	[sflag:s11] =	ssyncset.done $0x0  }
0x74: {  	s12 =	rddreg [dreg:$0x17];
	[sflag:s11] =	ssyncadd.s32 $0xFFFFEC00  }
0x75: {  	[spmem:s12] =	stream.linear.scatter [tilespmem:s14], [sflag:$0xB], $0x1400, $0x38;
	[tilespmem:$0x1F900] =	vst v63  }
0x76: {  	_ =	swait.ge [sflag:s11], $0x1400  }
0x77: {  	[sflag:s11] =	ssyncset.done $0x0  }
0x78: {  	s17 =	rddreg [dreg:$0x18];
	[sflag:s11] =	ssyncadd.s32 $0xFFFFEC00  }
0x79: {  	[spmem:s17] =	stream.linear.scatter [tilespmem:s14], [sflag:$0xB], $0x1400, $0x38;
	[tilespmem:$0x1F900] =	vst v63  }
0x7a: {  	_ =	swait.ge [sflag:s11], $0x1400  }
0x7b: {  	[sflag:s11] =	ssyncset.done $0x0  }
0x7c: {  	s18 =	rddreg [dreg:$0x19];
	[sflag:s11] =	ssyncadd.s32 $0xFFFFEC00  }
0x7d: {  	[spmem:s18] =	stream.linear.scatter [tilespmem:s14], [sflag:$0xB], $0x1400, $0x38;
	[tilespmem:$0x1F900] =	vst v63  }
0x7e: {  	_ =	swait.ge [sflag:s11], $0x1400  }
0x7f: {  	[sflag:s11] =	ssyncset.done $0x0  }
0x80: {  	s24 =	rddreg [dreg:$0x1a];
	[sflag:s11] =	ssyncadd.s32 $0xFFFFEC00  }
0x81: {  	[spmem:s24] =	stream.linear.scatter [tilespmem:s14], [sflag:$0xB], $0x1400, $0x38;
	[tilespmem:$0x1F900] =	vst v63  }
0x82: {  	_ =	swait.ge [sflag:s11], $0x1400  }
0x83: {  	[sflag:s11] =	ssyncset.done $0x0  }
0x84: {  	s12 =	rddreg [dreg:$0x1b];
	[sflag:s11] =	ssyncadd.s32 $0xFFFFEC00  }
0x85: {  	[spmem:s12] =	stream.linear.scatter [tilespmem:s14], [sflag:$0xB], $0x1400, $0x38;
	[tilespmem:$0x1F900] =	vst v63  }
0x86: {  	_ =	swait.ge [sflag:s11], $0x1400  }
0x87: {  	[sflag:s11] =	ssyncset.done $0x0  }
0x88: {  	s17 =	rddreg [dreg:$0x1c];
	[sflag:s11] =	ssyncadd.s32 $0xFFFFEC00  }
0x89: {  	[spmem:s17] =	stream.linear.scatter [tilespmem:s14], [sflag:$0xB], $0x1400, $0x38;
	[tilespmem:$0x1F900] =	vst v63  }
0x8a: {  	_ =	swait.ge [sflag:s11], $0x1400  }
0x8b: {  	[sflag:s11] =	ssyncset.done $0x0  }
0x8c: {  	s18 =	rddreg [dreg:$0x1d];
	[sflag:s11] =	ssyncadd.s32 $0xFFFFEC00  }
0x8d: {  	[spmem:s18] =	stream.linear.scatter [tilespmem:s14], [sflag:$0xB], $0x1400, $0x38;
	[tilespmem:$0x1F900] =	vst v63  }
0x8e: {  	_ =	swait.ge [sflag:s11], $0x1400  }
0x8f: {  	[sflag:s11] =	ssyncset.done $0x0  }
0x90: {  	s24 =	rddreg [dreg:$0x1e];
	[sflag:s11] =	ssyncadd.s32 $0xFFFFEC00  }
0x91: {  	[spmem:s24] =	stream.linear.scatter [tilespmem:s14], [sflag:$0xB], $0x1400, $0x38;
	[tilespmem:$0x1F900] =	vst v63  }
0x92: {  	_ =	swait.ge [sflag:s11], $0x1400  }
0x93: {  	[sflag:s11] =	ssyncset.done $0x0  }
0x94: {  	s12 =	rddreg [dreg:$0x1f];
	[sflag:s11] =	ssyncadd.s32 $0xFFFFEC00  }
0x95: {  	[spmem:s12] =	stream.linear.scatter [tilespmem:s14], [sflag:$0xB], $0x1400, $0x38;
	[tilespmem:$0x1F900] =	vst v63  }
0x96: {  	_ =	swait.ge [sflag:s11], $0x1400  }
0x97: {  	s17 =	sld [smem:$0x7FB]  }
0x98: {  	[sflag:s11] =	ssyncset.done $0x0  }
0x99: {  	[sflag:s11] =	ssyncadd.s32 $0xFFFFEC00  }
0x9a: {  	[spmem:s17] =	stream.linear.scatter [tilespmem:s14], [sflag:$0xB], $0x1400, $0x38;
	[tilespmem:$0x1F900] =	vst v63  }
0x9b: {  	_ =	swait.ge [sflag:s11], $0x1400  }
0x9c: {  	s18 =	sld [smem:$0x7FC]  }
0x9d: {  	[sflag:s11] =	ssyncset.done $0x0  }
0x9e: {  	[sflag:s11] =	ssyncadd.s32 $0xFFFFEC00  }
0x9f: {  	[spmem:s18] =	stream.linear.scatter [tilespmem:s14], [sflag:$0xB], $0x1400, $0x38;
	[tilespmem:$0x1F900] =	vst v63  }
0xa0: {  	_ =	swait.ge [sflag:s11], $0x1400  }
0xa1: {  	s24 =	sld [smem:$0x7FD]  }
0xa2: {  	[sflag:s11] =	ssyncset.done $0x0  }
0xa3: {  	[sflag:s11] =	ssyncadd.s32 $0xFFFFEC00  }
0xa4: {  	[spmem:s24] =	stream.linear.scatter [tilespmem:s14], [sflag:$0xB], $0x1400, $0x38;
	[tilespmem:$0x1F900] =	vst v63  }
0xa5: {  	_ =	swait.ge [sflag:s11], $0x1400  }
0xa6: {  	[sflag:s11] =	ssyncset.done $0x0  }
0xa7: {  	[sflag:s11] =	ssyncadd.s32 $0xFFFFEC00  }
0xa8: {  	[bflag:$0x0] =	sbarrier.arrive $0xFFFF  }
0xa9: {  	s17 =	simm.s32 $0x0;
	s11 =	rddreg [dreg:$0x4]  }
0xaa: {  	[tilespmem:s17], [sflag:$0x7] =	stream.linear.gather [hbm4b:s11+s17], $0x20, $0x38;
	[tilespmem:$0x1F900] =	vst v63  }
0xab: {  	s12 =	rddreg [dreg:$0x5];
	s11 =	simm.s32 $0x200  }
0xac: {  	[tilespmem:s11], [sflag:$0x7] =	stream.linear.gather [hbm4b:s12+s17], $0x20, $0x38;
	[tilespmem:$0x1F900] =	vst v63  }
0xad: {  	s24 =	simm.s32 $0x80;
	s18 =	rddreg [dreg:$0x6]  }
0xae: {  	[tilespmem:s24], [sflag:$0x8] =	stream.linear.gather [hbm4b:s18+s17], $0x20, $0x38;
	[tilespmem:$0x1F900] =	vst v63  }
0xaf: {  	s12 =	simm.s32 $0x280;
	s18 =	rddreg [dreg:$0x7]  }
0xb0: {  	[tilespmem:s12], [sflag:$0x8] =	stream.linear.gather [hbm4b:s18+s17], $0x20, $0x38;
	[tilespmem:$0x1F900] =	vst v63  }
0xb1: {  	s24 =	rddreg [dreg:$0x8];
	s18 =	simm.s32 $0x100  }
0xb2: {  	[tilespmem:s18], [sflag:$0x9] =	stream.linear.gather [hbm4b:s24+s17], $0x20, $0x38;
	[tilespmem:$0x1F900] =	vst v63  }
0xb3: {  	s18 =	rddreg [dreg:$0x9];
	s24 =	simm.s32 $0x300  }
0xb4: {  	[tilespmem:s24], [sflag:$0x9] =	stream.linear.gather [hbm4b:s18+s17], $0x20, $0x38;
	[tilespmem:$0x1F900] =	vst v63  }
0xb5: {  	s18 =	rddreg [dreg:$0xa];
	s24 =	simm.s32 $0x180  }
0xb6: {  	[tilespmem:s24], [sflag:$0xA] =	stream.linear.gather [hbm4b:s18+s17], $0x20, $0x38;
	[tilespmem:$0x1F900] =	vst v63  }
0xb7: {  	s18 =	rddreg [dreg:$0xb];
	s24 =	simm.s32 $0x380  }
0xb8: {  	[tilespmem:s24], [sflag:$0xA] =	stream.linear.gather [hbm4b:s18+s17], $0x20, $0x38;
	[tilespmem:$0x1F900] =	vst v63  }
0xb9: {  	s24 =	simm.s32 $0x7  }
0xba: {  	_ =	swait.ge [sflag:s24], $0x20  }
0xbb: {  	[sflag:s24] =	ssyncset.done $0x0  }
0xbc: {  	[sflag:s24] =	ssyncadd.s32 $0xFFFFFFE0  }
0xbd: {  	_ =	swait.ge [sflag:s24], $0x20  }
0xbe: {  	[sflag:s24] =	ssyncset.done $0x0  }
0xbf: {  	[sflag:s24] =	ssyncadd.s32 $0xFFFFFFE0  }
0xc0: {  	[tilespmem:s28], [sflag:$0x1] =	stream.indirect.gather [hbm4b:s5+s26], $0x80, s11, s26, $0xb8;
	[tilespmem:$0x1F900] =	vst v63  }
0xc1: {  	v23 =	vld [tilespmem:$0x0];
	_ =	sdelay $0x4  }
0xc2: {  	v24 =	vshll.u32 v23, $0x1  }
0xc3: {  	v23 =	vand.u32 $0x7, v23;
	v24 =	vand.u32 $0xFFFFFFF0, v24  }
0xc4: {  	v23 =	vor.u32 v23, v24  }
0xc5: {  	v24 =	vperm.xlane v23, v2;
	_ =	sdelay $0x1  }
0xc6: {  	v23 =	vperm.xlane v23, v4;
	v24 =	vadd.s32 v3, v24;
	_ =	sdelay $0x1  }
0xc7: {  	v23 =	vadd.s32 v3, v23;
	_ =	sdelay $0x2  }
0xc8: {  	[tilespmem:s29], [sflag:$0x3] =	stream.indirect_vreg.gather [hbm4b:s6+s17], $0x80, v24, vm0, $0xb8;
	[tilespmem:$0x1F900] =	vst v63  }
0xc9: {  	s18 =	simm.s32 $0x2D00  }
0xca: {  	[tilespmem:s18], [sflag:$0x3] =	stream.indirect_vreg.gather [hbm4b:s6+s17], $0x80, v23, vm0, $0xb8;
	[tilespmem:$0x1F900] =	vst v63  }
0xcb: {  	v23 =	vld [tilespmem:$0x10];
	_ =	sdelay $0x4  }
0xcc: {  	v61 =	vshll.u32 v23, $0x1  }
0xcd: {  	v23 =	vand.u32 $0x7, v23;
	v24 =	vand.u32 $0xFFFFFFF0, v61  }
0xce: {  	v23 =	vor.u32 v23, v24  }
0xcf: {  	v24 =	vperm.xlane v23, v2;
	_ =	sdelay $0x1  }
0xd0: {  	v23 =	vperm.xlane v23, v4;
	v24 =	vadd.s32 v3, v24;
	_ =	sdelay $0x1  }
0xd1: {  	v23 =	vadd.s32 v3, v23;
	_ =	sdelay $0x1  }
0xd2: {  	s24 =	simm.s32 $0x3500  }
0xd3: {  	[tilespmem:s24], [sflag:$0x3] =	stream.indirect_vreg.gather [hbm4b:s6+s17], $0x80, v24, vm0, $0xb8;
	[tilespmem:$0x1F900] =	vst v63  }
0xd4: {  	s11 =	simm.s32 $0x3D00  }
0xd5: {  	[tilespmem:s11], [sflag:$0x3] =	stream.indirect_vreg.gather [hbm4b:s6+s17], $0x80, v23, vm0, $0xb8;
	[tilespmem:$0x1F900] =	vst v63  }
0xd6: {  	_ =	swait.ge [sflag:s3], $0x20  }
0xd7: {  	[sflag:s3] =	ssyncset.done $0x0  }
0xd8: {  	[sflag:s3] =	ssyncadd.s32 $0xFFFFFFE0  }
0xd9: {  	_ =	swait.ge [sflag:s3], $0x20  }
0xda: {  	[sflag:s3] =	ssyncset.done $0x0  }
0xdb: {  	[sflag:s3] =	ssyncadd.s32 $0xFFFFFFE0  }
0xdc: {  	[tilespmem:s8], [sflag:$0x2] =	stream.indirect.gather [hbm4b:s5+s26], $0x80, s12, s26, $0xb8;
	[tilespmem:$0x1F900] =	vst v63  }
0xdd: {  	v23 =	vld [tilespmem:$0x80];
	_ =	sdelay $0x4  }
0xde: {  	v62 =	vshll.u32 v23, $0x1  }
0xdf: {  	v23 =	vand.u32 $0x7, v23;
	v24 =	vand.u32 $0xFFFFFFF0, v62  }
0xe0: {  	v23 =	vor.u32 v23, v24  }
0xe1: {  	v24 =	vperm.xlane v23, v2;
	_ =	sdelay $0x1  }
0xe2: {  	v23 =	vperm.xlane v23, v4;
	v24 =	vadd.s32 v3, v24;
	_ =	sdelay $0x1  }
0xe3: {  	v23 =	vadd.s32 v3, v23;
	_ =	sdelay $0x2  }
0xe4: {  	[tilespmem:s9], [sflag:$0x4] =	stream.indirect_vreg.gather [hbm4b:s6+s17], $0x80, v24, vm0, $0xb8;
	[tilespmem:$0x1F900] =	vst v63  }
0xe5: {  	s12 =	simm.s32 $0x4D00  }
0xe6: {  	[tilespmem:s12], [sflag:$0x4] =	stream.indirect_vreg.gather [hbm4b:s6+s17], $0x80, v23, vm0, $0xb8;
	[tilespmem:$0x1F900] =	vst v63  }
0xe7: {  	v23 =	vld [tilespmem:$0x90];
	_ =	sdelay $0x4  }
0xe8: {  	v63 =	vshll.u32 v23, $0x1  }
0xe9: {  	v23 =	vand.u32 $0x7, v23;
	v24 =	vand.u32 $0xFFFFFFF0, v63  }
0xea: {  	v23 =	vor.u32 v23, v24  }
0xeb: {  	v24 =	vperm.xlane v23, v2;
	_ =	sdelay $0x1  }
0xec: {  	v23 =	vperm.xlane v23, v4;
	v24 =	vadd.s32 v3, v24;
	_ =	sdelay $0x1  }
0xed: {  	v23 =	vadd.s32 v3, v23;
	_ =	sdelay $0x1  }
0xee: {  	s18 =	simm.s32 $0x5500  }
0xef: {  	[tilespmem:s18], [sflag:$0x4] =	stream.indirect_vreg.gather [hbm4b:s6+s17], $0x80, v24, vm0, $0xb8;
	[tilespmem:$0x1F900] =	vst v63  }
0xf0: {  	s24 =	simm.s32 $0x5D00  }
0xf1: {  	[tilespmem:s24], [sflag:$0x4] =	stream.indirect_vreg.gather [hbm4b:s6+s17], $0x80, v23, vm0, $0xb8;
	[tilespmem:$0x1F900] =	vst v63  }
.LBB2_4:
0xf2: {  	_ =	swait.ge [sflag:s13], $0x1000  }
0xf3: {  	[sflag:s13] =	ssyncset.done $0x0  }
0xf4: {  	[sflag:s13] =	ssyncadd.s32 $0xFFFFF000  }
0xf5: {  	_ =	swait.ge [sflag:s20], $0x2000  }
0xf6: {  	p1 =	seq.s32 s17, $0x0;
	[sflag:s20] =	ssyncset.done $0x0  }
0xf7: {  	s10 =	simm.s32 @!p1 $0x5;
	[sflag:s20] =	ssyncadd.s32 $0xFFFFE000  }
0xf8: {  	_ =	swait.ge @!p1 [sflag:s10], $0x2000  }
0xf9: {  	[sflag:s10] =	ssyncset.done @!p1 $0x0  }
0xfa: {  	[sflag:s10] =	ssyncadd.s32 @!p1 $0xFFFFE000  }
0xfb: {  	v23 =	vld [tilespmem:$0x400];
	_ =	sdelay $0x4  }
0xfc: {  	v23 =	vshll.u32 v23, $0x3  }
0xfd: {  	v23 =	vand.u32 $0x78, v23  }
0xfe: {  	v24 =	vor.u32 v5, v23  }
0xff: {  	v25 =	vor.u32 v6, v23  }
0x100: {  	v26 =	vor.u32 v7, v23  }
0x101: {  	v27 =	vor.u32 v8, v23  }
0x102: {  	v28 =	vor.u32 v9, v23  }
0x103: {  	v54 =	vor.u32 v10, v23;
	[tilespmem:v24+s14+$0x0] =	vst.idx.msk $0xffff, v0  }
0x104: {  	v55 =	vor.u32 v11, v23;
	[tilespmem:v25+s14+$0x0] =	vst.idx.msk $0xffff, v0  }
0x105: {  	v23 =	vor.u32 v12, v23;
	[tilespmem:v26+s14+$0x0] =	vst.idx.msk $0xffff, v0  }
0x106: {  	[tilespmem:v27+s14+$0x0] =	vst.idx.msk $0xffff, v0  }
0x107: {  	[tilespmem:v28+s14+$0x0] =	vst.idx.msk $0xffff, v0  }
0x108: {  	[tilespmem:v54+s14+$0x0] =	vst.idx.msk $0xffff, v0  }
0x109: {  	[tilespmem:v55+s14+$0x0] =	vst.idx.msk $0xffff, v0  }
0x10a: {  	[tilespmem:v23+s14+$0x0] =	vst.idx.msk $0xffff, v0  }
0x10b: {  	v23 =	vld [tilespmem:$0x410];
	_ =	sdelay $0x4  }
0x10c: {  	v23 =	vshll.u32 v23, $0x3  }
0x10d: {  	v23 =	vand.u32 $0x78, v23  }
0x10e: {  	v56 =	vor.u32 v13, v23  }
0x10f: {  	v57 =	vor.u32 v14, v23  }
0x110: {  	v58 =	vor.u32 v15, v23  }
0x111: {  	v59 =	vor.u32 v17, v23  }
0x112: {  	v60 =	vor.u32 v18, v23  }
0x113: {  	v61 =	vor.u32 v19, v23;
	[tilespmem:v56+s14+$0x0] =	vst.idx.msk $0xffff, v0  }
0x114: {  	v62 =	vor.u32 v20, v23;
	[tilespmem:v57+s14+$0x0] =	vst.idx.msk $0xffff, v0  }
0x115: {  	v23 =	vor.u32 v21, v23;
	[tilespmem:v58+s14+$0x0] =	vst.idx.msk $0xffff, v0  }
0x116: {  	[tilespmem:v59+s14+$0x0] =	vst.idx.msk $0xffff, v0  }
0x117: {  	[tilespmem:v60+s14+$0x0] =	vst.idx.msk $0xffff, v0  }
0x118: {  	[tilespmem:v61+s14+$0x0] =	vst.idx.msk $0xffff, v0  }
0x119: {  	[tilespmem:v62+s14+$0x0] =	vst.idx.msk $0xffff, v0  }
0x11a: {  	[tilespmem:v23+s14+$0x0] =	vst.idx.msk $0xffff, v0  }
0x11b: {  	v23 =	vld [tilespmem:$0x200];
	_ =	sdelay $0x1  }
0x11c: {  	v24 =	vld [tilespmem:$0x210];
	_ =	sdelay $0x2  }
0x11d: {  	v63 =	vshrl.u32 v23, $0x4  }
0x11e: {  	[tilespmem:$0x400] =	vst v23;
	v23 =	vadd.s32 $0x2800, v63  }
0x11f: {  	[tilespmem:$0x420] =	vst v23;
	v23 =	vshrl.u32 v24, $0x4  }
0x120: {  	[tilespmem:$0x410] =	vst v24;
	v23 =	vadd.s32 $0x2800, v23  }
0x121: {  	s18 =	sshll.u32 s17, $0x7;
	p2 =	por $0x1, $0x1;
	s10 =	simm.s32 $0x0;
	[tilespmem:$0x430] =	vst v23  }
.LBB2_5:
0x122: {  	v23 =	vld [tilespmem:s10+$0x400];
	_ =	sdelay $0x1  }
0x123: {  	v24 =	vor.u32 s10, v1  }
0x124: {  	v25 =	vmov s10;
	v26 =	vshll.u32 v24, $0x8  }
0x125: {  	v27 =	vshll.u32 v25, $0x7;
	v25 =	vand.u32 $0x1800, v26  }
0x126: {  	v27 =	vor.u32 v5, v27;
	v26 =	vshll.u32 v23, $0x3;
	v23 =	vshll.u32 v24, $0x7  }
0x127: {  	p0 =	por p2, p2;
	s24 =	simm.s32 $0x0;
	v24 =	vor.u32 v16, v25;
	v25 =	vor.u32 v22, v25;
	v26 =	vand.u32 $0x78, v26  }
.LBB2_6:
0x128: {  	s10 =	sshll.u32 s24, $0x4;
	v32 =	vimm.f32 $0.0e+00;
	v31 =	vlaneseq.u32;
	v33 =	vimm.f32 $0.0e+00  }
0x129: {  	p2 =	por $0x1, $0x1;
	v28 =	vmov s10;
	v29 =	vor.u32 s10, v23;
	v30 =	vor.u32 s10, v24  }
.LBB2_7:
0x12a: {  	v34 =	vor.u32 v29, v31;
	v35 =	vadd.s32 $0x1, v31  }
0x12b: {  	v36 =	vor.u32 v30, v31;
	v35 =	vand.u32 $0xF, v35  }
0x12c: {  	v38 =	vadd.s32 $0x2, v31;
	v37 =	vor.u32 v29, v35  }
0x12d: {  	v38 =	vand.u32 $0xF, v38;
	v35 =	vor.u32 v30, v35  }
0x12e: {  	v40 =	vadd.s32 $0x3, v31;
	v39 =	vor.u32 v29, v38  }
0x12f: {  	v40 =	vand.u32 $0xF, v40;
	v38 =	vor.u32 v30, v38;
	v34 =	vld.idx.msk [tilespmem:v34+s28+$0x0], $0xffff  }
0x130: {  	v42 =	vadd.s32 $0x4, v31;
	v41 =	vor.u32 v29, v40;
	v36 =	vld.idx.msk [tilespmem:v36+s29+$0x0], $0xffff  }
0x131: {  	v42 =	vand.u32 $0xF, v42;
	v40 =	vor.u32 v30, v40;
	v37 =	vld.idx.msk [tilespmem:v37+s28+$0x0], $0xffff  }
0x132: {  	v44 =	vadd.s32 $0x5, v31;
	v43 =	vor.u32 v29, v42;
	v35 =	vld.idx.msk [tilespmem:v35+s29+$0x0], $0xffff  }
0x133: {  	v44 =	vand.u32 $0xF, v44;
	v42 =	vor.u32 v30, v42;
	v39 =	vld.idx.msk [tilespmem:v39+s28+$0x0], $0xffff  }
0x134: {  	v46 =	vadd.s32 $0x6, v31;
	v45 =	vor.u32 v29, v44;
	v38 =	vld.idx.msk [tilespmem:v38+s29+$0x0], $0xffff  }
0x135: {  	v46 =	vand.u32 $0xF, v46;
	v44 =	vor.u32 v30, v44;
	v41 =	vld.idx.msk [tilespmem:v41+s28+$0x0], $0xffff  }
0x136: {  	v48 =	vadd.s32 $0x7, v31;
	v47 =	vor.u32 v29, v46;
	v40 =	vld.idx.msk [tilespmem:v40+s29+$0x0], $0xffff  }
0x137: {  	v48 =	vand.u32 $0xF, v48;
	v46 =	vor.u32 v30, v46;
	v43 =	vld.idx.msk [tilespmem:v43+s28+$0x0], $0xffff  }
0x138: {  	v49 =	vor.u32 v29, v48;
	v42 =	vld.idx.msk [tilespmem:v42+s29+$0x0], $0xffff  }
0x139: {  	v48 =	vor.u32 v30, v48;
	v45 =	vld.idx.msk [tilespmem:v45+s28+$0x0], $0xffff  }
0x13a: {  	v44 =	vld.idx.msk [tilespmem:v44+s29+$0x0], $0xffff  }
0x13b: {  	v47 =	vld.idx.msk [tilespmem:v47+s28+$0x0], $0xffff  }
0x13c: {  	v55 =	vld.idx.msk [tilespmem:v46+s29+$0x0], $0xffff;
	v34 =	vmul.f32 v36, v34  }
0x13d: {  	v56 =	vld.idx.msk [tilespmem:v49+s28+$0x0], $0xffff;
	v35 =	vmul.f32 v35, v37  }
0x13e: {  	v58 =	vld.idx.msk [tilespmem:v48+s29+$0x0], $0xffff;
	v33 =	vadd.f32 v34, v33  }
0x13f: {  	v57 =	vmul.f32 v38, v39;
	v59 =	vmul.f32 v40, v41;
	v32 =	vadd.f32 v35, v32  }
0x140: {  	p3 =	por p2, p2;
	v60 =	vmul.f32 v42, v43  }
.Ltmp3:
0x141: {  	v61 =	vmul.f32 v44, v45;
	v33 =	vadd.f32 v57, v33;
	v32 =	vadd.f32 v59, v32;
	(pc) =	sbr.rel @p3 .LBB2_7-.Ltmp3, $3  }
0x142: {  	v62 =	vmul.f32 v55, v47  }
0x143: {  	v63 =	vmul.f32 v58, v56;
	v33 =	vadd.f32 v60, v33;
	v32 =	vadd.f32 v61, v32;
	_ =	sdelay $0x1  }
0x144: {  	v31 =	vxor.u32 $0x8, v31;
	p2 =	por $0x0, $0x0;
	v33 =	vadd.f32 v62, v33;
	v32 =	vadd.f32 v63, v32  }
0x145: {  	_ = 	snop  }
0x146: {  	v29 =	vadd.f32 v32, v33;
	_ =	sdelay $0x1  }
0x147: {  	v31 =	vlaneseq.u32;
	v29 =	vmul.f32 $1.442695020e+00, v29  }
0x148: {  	v30 =	vor.u32 v25, v28;
	v58 =	vadd.s32 $0x1, v31;
	v59 =	vadd.s32 $0x3, v31  }
0x149: {  	v34 =	vand.u32 $0xF, v58;
	(erf) = vpow2.f32 v29;
	v29 =	vor.u32 v31, v30  }
0x14a: {  	v38 =	vand.u32 $0xF, v59;
	v35 =	vor.u32 v34, v30  }
0x14b: {  	v28 =	vadd.s32 v23, v28;
	v60 =	vadd.s32 $0x2, v31;
	v36 =	vor.u32 v38, v30  }
0x14c: {  	v61 =	vadd.s32 $0x4, v31;
	v42 =	vor.u32 v28, v31;
	v32 =	vand.u32 $0xF, v60  }
0x14d: {  	v40 =	vand.u32 $0xF, v61;
	v39 =	vor.u32 v32, v30;
	v32 =	vor.u32 v28, v32  }
0x14e: {  	v33 =	vor.u32 v28, v34;
	v44 =	vor.u32 v40, v30;
	v37 =	vld.idx.msk [tilespmem:v29+s29+$0x0], $0xffff;
	v29 =	vadd.s32 $0x1, v40  }
0x14f: {  	v62 =	vadd.s32 $0x2, v40;
	v63 =	vadd.s32 $0x4, v40;
	v45 =	vld.idx.msk [tilespmem:v35+s29+$0x0], $0xffff;
	v46 =	vand.u32 $0xF, v29  }
0x150: {  	v41 =	vand.u32 $0xF, v62;
	v31 =	vadd.s32 $0x3, v40;
	v50 =	vld.idx.msk [tilespmem:v36+s29+$0x0], $0xffff;
	v51 =	vor.u32 v46, v30  }
0x151: {  	v38 =	vor.u32 v28, v38;
	v34 =	vor.u32 v41, v30;
	v35 =	vand.u32 $0xF, v31  }
0x152: {  	v31 =	vor.u32 v28, v41;
	v41 =	vld.idx.msk [tilespmem:v39+s29+$0x0], $0xffff;
	v36 =	vand.u32 $0xF, v63;
	v43 =	vor.u32 v35, v30;
	v29 =	vpop (erf)  }
0x153: {  	v47 =	vadd.s32 $0x3, v36;
	v39 =	vor.u32 v28, v46;
	v48 =	vmul.f32 v37, v29  }
0x154: {  	v37 =	vor.u32 v28, v40;
	v40 =	vld.idx.msk [tilespmem:v44+s29+$0x0], $0xffff;
	v44 =	vor.u32 v36, v30;
	v46 =	vmul.f32 v45, v29  }
0x155: {  	s10 =	simm.s32 $0x8;
	v49 =	vadd.s32 $0x1, v36;
	v45 =	vmul.f32 v50, v29;
	[tilespmem:v42+s14+$0x0] =	vst.idx.msk $0xffff, v48;
	v48 =	vadd.s32 $0x2, v36;
	v42 =	vld.idx.msk [tilespmem:v51+s29+$0x0], $0xffff  }
.LBB2_9:
0x156: {  	v49 =	vand.u32 $0xF, v49;
	v48 =	vand.u32 $0xF, v48;
	v50 =	vand.u32 $0xF, v47  }
0x157: {  	s10 =	sadd.s32 $0x4, s10;
	v51 =	vld.idx.msk [tilespmem:v43+s29+$0x0], $0xffff;
	[tilespmem:v33+s14+$0x0] =	vst.idx.msk $0xffff, v46;
	v52 =	vmovc v31;
	v46 =	vmov v41;
	v53 =	vmov v37;
	v33 =	vmov v39  }
0x158: {  	p2 =	slt.u32 s10, $0xC;
	v54 =	vor.u32 v49, v30;
	v31 =	vor.u32 v28, v48;
	v41 =	vld.idx.msk [tilespmem:v34+s29+$0x0], $0xffff;
	v34 =	vor.u32 v48, v30  }
.Ltmp4:
0x159: {  	v43 =	vor.u32 v50, v30;
	v48 =	vmul.f32 v40, v29;
	v46 =	vmul.f32 v46, v29;
	(pc) =	sbr.rel @p2 .LBB2_9-.Ltmp4, $4  }
0x15a: {  	v37 =	vor.u32 v28, v36;
	v36 =	vadd.s32 $0x4, v36;
	v40 =	vld.idx.msk [tilespmem:v44+s29+$0x0], $0xffff;
	[tilespmem:v38+s14+$0x0] =	vst.idx.msk $0xffff, v45  }
0x15b: {  	v39 =	vor.u32 v28, v49;
	v36 =	vand.u32 $0xF, v36;
	v38 =	vor.u32 v28, v35;
	[tilespmem:v32+s14+$0x0] =	vst.idx.msk $0xffff, v46  }
0x15c: {  	v47 =	vadd.s32 $0x3, v36;
	v44 =	vor.u32 v36, v30;
	v46 =	vmul.f32 v42, v29;
	[tilespmem:v53+s14+$0x0] =	vst.idx.msk $0xffff, v48  }
0x15d: {  	v49 =	vadd.s32 $0x1, v36;
	v35 =	vmovc v50;
	v32 =	vmovc v52;
	v48 =	vadd.s32 $0x2, v36;
	v45 =	vmul.f32 v51, v29;
	v42 =	vld.idx.msk [tilespmem:v54+s29+$0x0], $0xffff  }
0x15e: {  	_ = 	snop  }
0x15f: {  	v49 =	vand.u32 $0xF, v49  }
0x160: {  	v47 =	vand.u32 $0xF, v47;
	v50 =	vor.u32 v49, v30  }
0x161: {  	v48 =	vand.u32 $0xF, v48;
	v51 =	vor.u32 v47, v30  }
0x162: {  	v43 =	vld.idx.msk [tilespmem:v43+s29+$0x0], $0xffff;
	v63 =	vor.u32 v48, v30  }
0x163: {  	v34 =	vld.idx.msk [tilespmem:v34+s29+$0x0], $0xffff  }
0x164: {  	[tilespmem:v33+s14+$0x0] =	vst.idx.msk $0xffff, v46;
	v46 =	vmul.f32 v41, v29;
	v52 =	vld.idx.msk [tilespmem:v44+s29+$0x0], $0xffff;
	v35 =	vor.u32 v28, v35  }
0x165: {  	v40 =	vmul.f32 v40, v29;
	[tilespmem:v38+s14+$0x0] =	vst.idx.msk $0xffff, v45;
	v53 =	vld.idx.msk [tilespmem:v50+s29+$0x0], $0xffff  }
0x166: {  	v36 =	vor.u32 v28, v36;
	[tilespmem:v32+s14+$0x0] =	vst.idx.msk $0xffff, v46;
	v54 =	vmul.f32 v42, v29;
	v55 =	vld.idx.msk [tilespmem:v51+s29+$0x0], $0xffff  }
0x167: {  	v56 =	vor.u32 v28, v49;
	[tilespmem:v37+s14+$0x0] =	vst.idx.msk $0xffff, v40;
	v57 =	vmul.f32 v43, v29;
	v30 =	vld.idx.msk [tilespmem:v63+s29+$0x0], $0xffff  }
0x168: {  	v59 =	vor.u32 v28, v47;
	v58 =	vmul.f32 v34, v29;
	[tilespmem:v39+s14+$0x0] =	vst.idx.msk $0xffff, v54  }
0x169: {  	v61 =	vor.u32 s24, v26;
	s24 =	sadd.s32 $0x1, s24;
	v28 =	vor.u32 v28, v48;
	v60 =	vmul.f32 v52, v29;
	[tilespmem:v35+s14+$0x0] =	vst.idx.msk $0xffff, v57  }
0x16a: {  	p2 =	sne.s32 s24, $0x8;
	v63 =	vadd.s32 v27, v61;
	[tilespmem:v31+s14+$0x0] =	vst.idx.msk $0xffff, v58;
	v62 =	vmul.f32 v53, v29  }
.Ltmp5:
0x16b: {  	[tilespmem:v36+s14+$0x0] =	vst.idx.msk $0xffff, v60;
	v33 =	vmul.f32 v55, v29;
	(pc) =	sbr.rel @p2 .LBB2_6-.Ltmp5, $4  }
0x16c: {  	v30 =	vmul.f32 v30, v29;
	[tilespmem:v56+s14+$0x0] =	vst.idx.msk $0xffff, v62  }
0x16d: {  	[tilespmem:v59+s14+$0x0] =	vst.idx.msk $0xffff, v33  }
0x16e: {  	[tilespmem:v28+s14+$0x0] =	vst.idx.msk $0xffff, v30  }
0x16f: {  	[tilespmem:v63+s14+$0x0] =	vst.idx.msk $0xffff, v29  }
.Ltmp6:
0x170: {  	(pc) =	sbr.rel @p0 .LBB2_5-.Ltmp6, $2  }
0x171: {  	_ =	sdelay $0x2  }
0x172: {  	s10 =	simm.s32 $0x10;
	p2 =	por $0x0, $0x0  }
0x173: {  	[spmem:s2] =	stream.indirect.scatter.add.f32 [tilespmem:s14], [sflag:$0x5], $0x80, s23, s25, $0xb8;
	[tilespmem:$0x1F900] =	vst v63  }
0x174: {  	_ =	swait.ge [sflag:s21], $0x20  }
0x175: {  	[sflag:s21] =	ssyncset.done $0x0  }
0x176: {  	[sflag:s21] =	ssyncadd.s32 $0xFFFFFFE0  }
0x177: {  	_ =	swait.ge [sflag:s21], $0x20  }
0x178: {  	[sflag:s21] =	ssyncset.done $0x0  }
0x179: {  	s10 =	simm.s32 $0x300;
	[sflag:s21] =	ssyncadd.s32 $0xFFFFFFE0  }
0x17a: {  	[tilespmem:s28], [sflag:$0x1] =	stream.indirect.gather [hbm4b:s5+s26], $0x80, s10, s26, $0xb8;
	[tilespmem:$0x1F900] =	vst v63  }
0x17b: {  	v23 =	vld [tilespmem:$0x100];
	_ =	sdelay $0x4  }
0x17c: {  	v24 =	vshll.u32 v23, $0x1  }
0x17d: {  	v23 =	vand.u32 $0x7, v23;
	v24 =	vand.u32 $0xFFFFFFF0, v24  }
0x17e: {  	v23 =	vor.u32 v23, v24  }
0x17f: {  	v24 =	vperm.xlane v23, v2;
	_ =	sdelay $0x1  }
0x180: {  	v23 =	vperm.xlane v23, v4;
	v24 =	vadd.s32 v3, v24;
	_ =	sdelay $0x1  }
0x181: {  	v23 =	vadd.s32 v3, v23;
	_ =	sdelay $0x2  }
0x182: {  	[tilespmem:s29], [sflag:$0x3] =	stream.indirect_vreg.gather [hbm4b:s6+s4], $0x80, v24, vm0, $0xb8;
	[tilespmem:$0x1F900] =	vst v63  }
0x183: {  	s11 =	simm.s32 $0x2D00  }
0x184: {  	[tilespmem:s11], [sflag:$0x3] =	stream.indirect_vreg.gather [hbm4b:s6+s4], $0x80, v23, vm0, $0xb8;
	[tilespmem:$0x1F900] =	vst v63  }
0x185: {  	v23 =	vld [tilespmem:$0x110];
	_ =	sdelay $0x4  }
0x186: {  	v52 =	vshll.u32 v23, $0x1  }
0x187: {  	v23 =	vand.u32 $0x7, v23;
	v24 =	vand.u32 $0xFFFFFFF0, v52  }
0x188: {  	v23 =	vor.u32 v23, v24  }
0x189: {  	v24 =	vperm.xlane v23, v2;
	_ =	sdelay $0x1  }
0x18a: {  	v23 =	vperm.xlane v23, v4;
	v24 =	vadd.s32 v3, v24;
	_ =	sdelay $0x1  }
0x18b: {  	v23 =	vadd.s32 v3, v23  }
0x18c: {  	p0 =	seq.s32 s17, $0x4E;
	s10 =	rddreg [dreg:$0xc]  }
0x18d: {  	s12 =	simm.s32 $0x3500;
	s10 =	sadd.s32 @!p0 s18, s10  }
0x18e: {  	[tilespmem:s12], [sflag:$0x3] =	stream.indirect_vreg.gather [hbm4b:s6+s4], $0x80, v24, vm0, $0xb8;
	[tilespmem:$0x1F900] =	vst v63  }
0x18f: {  	s24 =	simm.s32 $0x3D00;
	s10 =	sshrl.u32 @!p0 s10, $0x3  }
0x190: {  	[tilespmem:s24], [sflag:$0x3] =	stream.indirect_vreg.gather [hbm4b:s6+s4], $0x80, v23, vm0, $0xb8;
	[tilespmem:$0x1F900] =	vst v63  }
0x191: {  	s11 =	simm.s32 @!p0 $0x0;
	s24 =	sadd.s32 @!p0 s1, s10  }
0x192: {  	[tilespmem:s11], [sflag:$0x7] =	stream.linear.gather @!p0 [hbm4b:s24+s11], $0x20, $0x38;
	[tilespmem:$0x1F900] =	vst v63  }
0x193: {  	s10 =	sadd.s32 @!p0 s7, s10;
	s24 =	simm.s32 @!p0 $0x200  }
0x194: {  	[tilespmem:s24], [sflag:$0x7] =	stream.linear.gather @!p0 [hbm4b:s10+s11], $0x20, $0x38;
	[tilespmem:$0x1F900] =	vst v63  }
0x195: {  	_ =	swait.ge [sflag:s22], $0x1000  }
0x196: {  	[sflag:s22] =	ssyncset.done $0x0  }
0x197: {  	[sflag:s22] =	ssyncadd.s32 $0xFFFFF000  }
0x198: {  	_ =	swait.ge [sflag:s30], $0x2000  }
0x199: {  	[sflag:s30] =	ssyncset.done $0x0  }
0x19a: {  	s10 =	simm.s32 @!p1 $0x6;
	[sflag:s30] =	ssyncadd.s32 $0xFFFFE000  }
0x19b: {  	_ =	swait.ge @!p1 [sflag:s10], $0x2000  }
0x19c: {  	[sflag:s10] =	ssyncset.done @!p1 $0x0  }
0x19d: {  	[sflag:s10] =	ssyncadd.s32 @!p1 $0xFFFFE000  }
0x19e: {  	v23 =	vld [tilespmem:$0x480];
	_ =	sdelay $0x4  }
0x19f: {  	v23 =	vshll.u32 v23, $0x3  }
0x1a0: {  	v23 =	vand.u32 $0x78, v23  }
0x1a1: {  	v53 =	vor.u32 v5, v23  }
0x1a2: {  	v25 =	vor.u32 v6, v23  }
0x1a3: {  	v26 =	vor.u32 v7, v23  }
0x1a4: {  	v27 =	vor.u32 v8, v23  }
0x1a5: {  	v28 =	vor.u32 v9, v23  }
0x1a6: {  	v54 =	vor.u32 v10, v23;
	[tilespmem:v53+s31+$0x0] =	vst.idx.msk $0xffff, v0  }
0x1a7: {  	v55 =	vor.u32 v11, v23;
	[tilespmem:v25+s31+$0x0] =	vst.idx.msk $0xffff, v0  }
0x1a8: {  	v23 =	vor.u32 v12, v23;
	[tilespmem:v26+s31+$0x0] =	vst.idx.msk $0xffff, v0  }
0x1a9: {  	[tilespmem:v27+s31+$0x0] =	vst.idx.msk $0xffff, v0  }
0x1aa: {  	[tilespmem:v28+s31+$0x0] =	vst.idx.msk $0xffff, v0  }
0x1ab: {  	[tilespmem:v54+s31+$0x0] =	vst.idx.msk $0xffff, v0  }
0x1ac: {  	[tilespmem:v55+s31+$0x0] =	vst.idx.msk $0xffff, v0  }
0x1ad: {  	[tilespmem:v23+s31+$0x0] =	vst.idx.msk $0xffff, v0  }
0x1ae: {  	v23 =	vld [tilespmem:$0x490];
	_ =	sdelay $0x4  }
0x1af: {  	v23 =	vshll.u32 v23, $0x3  }
0x1b0: {  	v23 =	vand.u32 $0x78, v23  }
0x1b1: {  	v56 =	vor.u32 v13, v23  }
0x1b2: {  	v57 =	vor.u32 v14, v23  }
0x1b3: {  	v58 =	vor.u32 v15, v23  }
0x1b4: {  	v59 =	vor.u32 v17, v23  }
0x1b5: {  	v60 =	vor.u32 v18, v23  }
0x1b6: {  	v61 =	vor.u32 v19, v23;
	[tilespmem:v56+s31+$0x0] =	vst.idx.msk $0xffff, v0  }
0x1b7: {  	v62 =	vor.u32 v20, v23;
	[tilespmem:v57+s31+$0x0] =	vst.idx.msk $0xffff, v0  }
0x1b8: {  	v23 =	vor.u32 v21, v23;
	[tilespmem:v58+s31+$0x0] =	vst.idx.msk $0xffff, v0  }
0x1b9: {  	[tilespmem:v59+s31+$0x0] =	vst.idx.msk $0xffff, v0  }
0x1ba: {  	[tilespmem:v60+s31+$0x0] =	vst.idx.msk $0xffff, v0  }
0x1bb: {  	[tilespmem:v61+s31+$0x0] =	vst.idx.msk $0xffff, v0  }
0x1bc: {  	[tilespmem:v62+s31+$0x0] =	vst.idx.msk $0xffff, v0  }
0x1bd: {  	[tilespmem:v23+s31+$0x0] =	vst.idx.msk $0xffff, v0  }
0x1be: {  	v23 =	vld [tilespmem:$0x280];
	_ =	sdelay $0x1  }
0x1bf: {  	v24 =	vld [tilespmem:$0x290];
	_ =	sdelay $0x2  }
0x1c0: {  	v63 =	vshrl.u32 v23, $0x4  }
0x1c1: {  	[tilespmem:$0x480] =	vst v23;
	v23 =	vadd.s32 $0x2800, v63  }
0x1c2: {  	[tilespmem:$0x4A0] =	vst v23;
	v23 =	vshrl.u32 v24, $0x4  }
0x1c3: {  	[tilespmem:$0x490] =	vst v24;
	v23 =	vadd.s32 $0x2800, v23  }
0x1c4: {  	p2 =	por $0x1, $0x1;
	s10 =	simm.s32 $0x0;
	[tilespmem:$0x4B0] =	vst v23  }
.LBB2_13:
0x1c5: {  	v23 =	vld [tilespmem:s10+$0x480];
	_ =	sdelay $0x1  }
0x1c6: {  	v24 =	vor.u32 s10, v1  }
0x1c7: {  	v25 =	vmov s10;
	v26 =	vshll.u32 v24, $0x8  }
0x1c8: {  	v27 =	vshll.u32 v25, $0x7;
	v25 =	vand.u32 $0x1800, v26  }
0x1c9: {  	v27 =	vor.u32 v5, v27;
	v26 =	vshll.u32 v23, $0x3;
	v23 =	vshll.u32 v24, $0x7  }
0x1ca: {  	p1 =	por p2, p2;
	s24 =	simm.s32 $0x0;
	v24 =	vor.u32 v16, v25;
	v25 =	vor.u32 v22, v25;
	v26 =	vand.u32 $0x78, v26  }
.LBB2_14:
0x1cb: {  	s10 =	sshll.u32 s24, $0x4;
	v32 =	vimm.f32 $0.0e+00;
	v31 =	vlaneseq.u32;
	v33 =	vimm.f32 $0.0e+00  }
0x1cc: {  	p2 =	por $0x1, $0x1;
	v28 =	vmov s10;
	v29 =	vor.u32 s10, v23;
	v30 =	vor.u32 s10, v24  }
.LBB2_15:
0x1cd: {  	v34 =	vor.u32 v29, v31;
	v35 =	vadd.s32 $0x1, v31  }
0x1ce: {  	v36 =	vor.u32 v30, v31;
	v35 =	vand.u32 $0xF, v35  }
0x1cf: {  	v38 =	vadd.s32 $0x2, v31;
	v37 =	vor.u32 v29, v35  }
0x1d0: {  	v38 =	vand.u32 $0xF, v38;
	v35 =	vor.u32 v30, v35  }
0x1d1: {  	v40 =	vadd.s32 $0x3, v31;
	v39 =	vor.u32 v29, v38  }
0x1d2: {  	v40 =	vand.u32 $0xF, v40;
	v38 =	vor.u32 v30, v38;
	v34 =	vld.idx.msk [tilespmem:v34+s8+$0x0], $0xffff  }
0x1d3: {  	v42 =	vadd.s32 $0x4, v31;
	v41 =	vor.u32 v29, v40;
	v36 =	vld.idx.msk [tilespmem:v36+s9+$0x0], $0xffff  }
0x1d4: {  	v42 =	vand.u32 $0xF, v42;
	v40 =	vor.u32 v30, v40;
	v37 =	vld.idx.msk [tilespmem:v37+s8+$0x0], $0xffff  }
0x1d5: {  	v44 =	vadd.s32 $0x5, v31;
	v43 =	vor.u32 v29, v42;
	v35 =	vld.idx.msk [tilespmem:v35+s9+$0x0], $0xffff  }
0x1d6: {  	v44 =	vand.u32 $0xF, v44;
	v42 =	vor.u32 v30, v42;
	v39 =	vld.idx.msk [tilespmem:v39+s8+$0x0], $0xffff  }
0x1d7: {  	v46 =	vadd.s32 $0x6, v31;
	v45 =	vor.u32 v29, v44;
	v38 =	vld.idx.msk [tilespmem:v38+s9+$0x0], $0xffff  }
0x1d8: {  	v46 =	vand.u32 $0xF, v46;
	v44 =	vor.u32 v30, v44;
	v41 =	vld.idx.msk [tilespmem:v41+s8+$0x0], $0xffff  }
0x1d9: {  	v48 =	vadd.s32 $0x7, v31;
	v47 =	vor.u32 v29, v46;
	v40 =	vld.idx.msk [tilespmem:v40+s9+$0x0], $0xffff  }
0x1da: {  	v48 =	vand.u32 $0xF, v48;
	v46 =	vor.u32 v30, v46;
	v43 =	vld.idx.msk [tilespmem:v43+s8+$0x0], $0xffff  }
0x1db: {  	v49 =	vor.u32 v29, v48;
	v42 =	vld.idx.msk [tilespmem:v42+s9+$0x0], $0xffff  }
0x1dc: {  	v48 =	vor.u32 v30, v48;
	v45 =	vld.idx.msk [tilespmem:v45+s8+$0x0], $0xffff  }
0x1dd: {  	v44 =	vld.idx.msk [tilespmem:v44+s9+$0x0], $0xffff  }
0x1de: {  	v47 =	vld.idx.msk [tilespmem:v47+s8+$0x0], $0xffff  }
0x1df: {  	v55 =	vld.idx.msk [tilespmem:v46+s9+$0x0], $0xffff;
	v34 =	vmul.f32 v36, v34  }
0x1e0: {  	v56 =	vld.idx.msk [tilespmem:v49+s8+$0x0], $0xffff;
	v35 =	vmul.f32 v35, v37  }
0x1e1: {  	v58 =	vld.idx.msk [tilespmem:v48+s9+$0x0], $0xffff;
	v33 =	vadd.f32 v34, v33  }
0x1e2: {  	v57 =	vmul.f32 v38, v39;
	v59 =	vmul.f32 v40, v41;
	v32 =	vadd.f32 v35, v32  }
0x1e3: {  	p3 =	por p2, p2;
	v60 =	vmul.f32 v42, v43  }
.Ltmp7:
0x1e4: {  	v61 =	vmul.f32 v44, v45;
	v33 =	vadd.f32 v57, v33;
	v32 =	vadd.f32 v59, v32;
	(pc) =	sbr.rel @p3 .LBB2_15-.Ltmp7, $3  }
0x1e5: {  	v62 =	vmul.f32 v55, v47  }
0x1e6: {  	v63 =	vmul.f32 v58, v56;
	v33 =	vadd.f32 v60, v33;
	v32 =	vadd.f32 v61, v32;
	_ =	sdelay $0x1  }
0x1e7: {  	v31 =	vxor.u32 $0x8, v31;
	p2 =	por $0x0, $0x0;
	v33 =	vadd.f32 v62, v33;
	v32 =	vadd.f32 v63, v32  }
0x1e8: {  	_ = 	snop  }
0x1e9: {  	v29 =	vadd.f32 v32, v33;
	_ =	sdelay $0x1  }
0x1ea: {  	v31 =	vlaneseq.u32;
	v29 =	vmul.f32 $1.442695020e+00, v29  }
0x1eb: {  	v30 =	vor.u32 v25, v28;
	v58 =	vadd.s32 $0x1, v31;
	v59 =	vadd.s32 $0x3, v31  }
0x1ec: {  	v34 =	vand.u32 $0xF, v58;
	(erf) = vpow2.f32 v29;
	v29 =	vor.u32 v31, v30  }
0x1ed: {  	v38 =	vand.u32 $0xF, v59;
	v35 =	vor.u32 v34, v30  }
0x1ee: {  	v28 =	vadd.s32 v23, v28;
	v60 =	vadd.s32 $0x2, v31;
	v36 =	vor.u32 v38, v30  }
0x1ef: {  	v61 =	vadd.s32 $0x4, v31;
	v42 =	vor.u32 v28, v31;
	v32 =	vand.u32 $0xF, v60  }
0x1f0: {  	v40 =	vand.u32 $0xF, v61;
	v39 =	vor.u32 v32, v30;
	v32 =	vor.u32 v28, v32  }
0x1f1: {  	v33 =	vor.u32 v28, v34;
	v44 =	vor.u32 v40, v30;
	v37 =	vld.idx.msk [tilespmem:v29+s9+$0x0], $0xffff;
	v29 =	vadd.s32 $0x1, v40  }
0x1f2: {  	v62 =	vadd.s32 $0x2, v40;
	v63 =	vadd.s32 $0x4, v40;
	v45 =	vld.idx.msk [tilespmem:v35+s9+$0x0], $0xffff;
	v46 =	vand.u32 $0xF, v29  }
0x1f3: {  	v41 =	vand.u32 $0xF, v62;
	v31 =	vadd.s32 $0x3, v40;
	v50 =	vld.idx.msk [tilespmem:v36+s9+$0x0], $0xffff;
	v51 =	vor.u32 v46, v30  }
0x1f4: {  	v38 =	vor.u32 v28, v38;
	v34 =	vor.u32 v41, v30;
	v35 =	vand.u32 $0xF, v31  }
0x1f5: {  	v31 =	vor.u32 v28, v41;
	v41 =	vld.idx.msk [tilespmem:v39+s9+$0x0], $0xffff;
	v36 =	vand.u32 $0xF, v63;
	v43 =	vor.u32 v35, v30;
	v29 =	vpop (erf)  }
0x1f6: {  	v47 =	vadd.s32 $0x3, v36;
	v39 =	vor.u32 v28, v46;
	v48 =	vmul.f32 v37, v29  }
0x1f7: {  	v37 =	vor.u32 v28, v40;
	v40 =	vld.idx.msk [tilespmem:v44+s9+$0x0], $0xffff;
	v44 =	vor.u32 v36, v30;
	v46 =	vmul.f32 v45, v29  }
0x1f8: {  	s10 =	simm.s32 $0x8;
	v49 =	vadd.s32 $0x1, v36;
	v45 =	vmul.f32 v50, v29;
	[tilespmem:v42+s31+$0x0] =	vst.idx.msk $0xffff, v48;
	v48 =	vadd.s32 $0x2, v36;
	v42 =	vld.idx.msk [tilespmem:v51+s9+$0x0], $0xffff  }
.LBB2_17:
0x1f9: {  	v49 =	vand.u32 $0xF, v49;
	v48 =	vand.u32 $0xF, v48;
	v50 =	vand.u32 $0xF, v47  }
0x1fa: {  	s10 =	sadd.s32 $0x4, s10;
	v51 =	vld.idx.msk [tilespmem:v43+s9+$0x0], $0xffff;
	[tilespmem:v33+s31+$0x0] =	vst.idx.msk $0xffff, v46;
	v52 =	vmovc v31;
	v46 =	vmov v41;
	v53 =	vmov v37;
	v33 =	vmov v39  }
0x1fb: {  	p2 =	slt.u32 s10, $0xC;
	v54 =	vor.u32 v49, v30;
	v31 =	vor.u32 v28, v48;
	v41 =	vld.idx.msk [tilespmem:v34+s9+$0x0], $0xffff;
	v34 =	vor.u32 v48, v30  }
.Ltmp8:
0x1fc: {  	v43 =	vor.u32 v50, v30;
	v48 =	vmul.f32 v40, v29;
	v46 =	vmul.f32 v46, v29;
	(pc) =	sbr.rel @p2 .LBB2_17-.Ltmp8, $4  }
0x1fd: {  	v37 =	vor.u32 v28, v36;
	v36 =	vadd.s32 $0x4, v36;
	v40 =	vld.idx.msk [tilespmem:v44+s9+$0x0], $0xffff;
	[tilespmem:v38+s31+$0x0] =	vst.idx.msk $0xffff, v45  }
0x1fe: {  	v39 =	vor.u32 v28, v49;
	v36 =	vand.u32 $0xF, v36;
	v38 =	vor.u32 v28, v35;
	[tilespmem:v32+s31+$0x0] =	vst.idx.msk $0xffff, v46  }
0x1ff: {  	v47 =	vadd.s32 $0x3, v36;
	v44 =	vor.u32 v36, v30;
	v46 =	vmul.f32 v42, v29;
	[tilespmem:v53+s31+$0x0] =	vst.idx.msk $0xffff, v48  }
0x200: {  	v49 =	vadd.s32 $0x1, v36;
	v35 =	vmovc v50;
	v32 =	vmovc v52;
	v48 =	vadd.s32 $0x2, v36;
	v45 =	vmul.f32 v51, v29;
	v42 =	vld.idx.msk [tilespmem:v54+s9+$0x0], $0xffff  }
0x201: {  	_ = 	snop  }
0x202: {  	v49 =	vand.u32 $0xF, v49  }
0x203: {  	v47 =	vand.u32 $0xF, v47;
	v50 =	vor.u32 v49, v30  }
0x204: {  	v48 =	vand.u32 $0xF, v48;
	v51 =	vor.u32 v47, v30  }
0x205: {  	v43 =	vld.idx.msk [tilespmem:v43+s9+$0x0], $0xffff;
	v63 =	vor.u32 v48, v30  }
0x206: {  	v34 =	vld.idx.msk [tilespmem:v34+s9+$0x0], $0xffff  }
0x207: {  	[tilespmem:v33+s31+$0x0] =	vst.idx.msk $0xffff, v46;
	v46 =	vmul.f32 v41, v29;
	v52 =	vld.idx.msk [tilespmem:v44+s9+$0x0], $0xffff;
	v35 =	vor.u32 v28, v35  }
0x208: {  	v40 =	vmul.f32 v40, v29;
	[tilespmem:v38+s31+$0x0] =	vst.idx.msk $0xffff, v45;
	v53 =	vld.idx.msk [tilespmem:v50+s9+$0x0], $0xffff  }
0x209: {  	v36 =	vor.u32 v28, v36;
	[tilespmem:v32+s31+$0x0] =	vst.idx.msk $0xffff, v46;
	v54 =	vmul.f32 v42, v29;
	v55 =	vld.idx.msk [tilespmem:v51+s9+$0x0], $0xffff  }
0x20a: {  	v56 =	vor.u32 v28, v49;
	[tilespmem:v37+s31+$0x0] =	vst.idx.msk $0xffff, v40;
	v57 =	vmul.f32 v43, v29;
	v30 =	vld.idx.msk [tilespmem:v63+s9+$0x0], $0xffff  }
0x20b: {  	v59 =	vor.u32 v28, v47;
	v58 =	vmul.f32 v34, v29;
	[tilespmem:v39+s31+$0x0] =	vst.idx.msk $0xffff, v54  }
0x20c: {  	v61 =	vor.u32 s24, v26;
	s24 =	sadd.s32 $0x1, s24;
	v28 =	vor.u32 v28, v48;
	v60 =	vmul.f32 v52, v29;
	[tilespmem:v35+s31+$0x0] =	vst.idx.msk $0xffff, v57  }
0x20d: {  	p2 =	sne.s32 s24, $0x8;
	v63 =	vadd.s32 v27, v61;
	[tilespmem:v31+s31+$0x0] =	vst.idx.msk $0xffff, v58;
	v62 =	vmul.f32 v53, v29  }
.Ltmp9:
0x20e: {  	[tilespmem:v36+s31+$0x0] =	vst.idx.msk $0xffff, v60;
	v33 =	vmul.f32 v55, v29;
	(pc) =	sbr.rel @p2 .LBB2_14-.Ltmp9, $4  }
0x20f: {  	v30 =	vmul.f32 v30, v29;
	[tilespmem:v56+s31+$0x0] =	vst.idx.msk $0xffff, v62  }
0x210: {  	[tilespmem:v59+s31+$0x0] =	vst.idx.msk $0xffff, v33  }
0x211: {  	[tilespmem:v28+s31+$0x0] =	vst.idx.msk $0xffff, v30  }
0x212: {  	[tilespmem:v63+s31+$0x0] =	vst.idx.msk $0xffff, v29  }
.Ltmp10:
0x213: {  	(pc) =	sbr.rel @p1 .LBB2_13-.Ltmp10, $2  }
0x214: {  	_ =	sdelay $0x2  }
0x215: {  	s10 =	simm.s32 $0x10;
	p2 =	por $0x0, $0x0  }
0x216: {  	[spmem:s2] =	stream.indirect.scatter.add.f32 [tilespmem:s31], [sflag:$0x6], $0x80, s0, s25, $0xb8;
	[tilespmem:$0x1F900] =	vst v63  }
0x217: {  	_ =	swait.ge [sflag:s15], $0x20  }
0x218: {  	[sflag:s15] =	ssyncset.done $0x0  }
0x219: {  	[sflag:s15] =	ssyncadd.s32 $0xFFFFFFE0  }
0x21a: {  	_ =	swait.ge [sflag:s15], $0x20  }
0x21b: {  	[sflag:s15] =	ssyncset.done $0x0  }
0x21c: {  	s10 =	simm.s32 $0x380;
	[sflag:s15] =	ssyncadd.s32 $0xFFFFFFE0  }
0x21d: {  	[tilespmem:s8], [sflag:$0x2] =	stream.indirect.gather [hbm4b:s5+s26], $0x80, s10, s26, $0xb8;
	[tilespmem:$0x1F900] =	vst v63  }
0x21e: {  	v23 =	vld [tilespmem:$0x180];
	_ =	sdelay $0x4  }
0x21f: {  	v24 =	vshll.u32 v23, $0x1  }
0x220: {  	v23 =	vand.u32 $0x7, v23;
	v24 =	vand.u32 $0xFFFFFFF0, v24  }
0x221: {  	v23 =	vor.u32 v23, v24  }
0x222: {  	v24 =	vperm.xlane v23, v2;
	_ =	sdelay $0x1  }
0x223: {  	v23 =	vperm.xlane v23, v4;
	v24 =	vadd.s32 v3, v24;
	_ =	sdelay $0x1  }
0x224: {  	v23 =	vadd.s32 v3, v23;
	_ =	sdelay $0x2  }
0x225: {  	[tilespmem:s9], [sflag:$0x4] =	stream.indirect_vreg.gather [hbm4b:s6+s4], $0x80, v24, vm0, $0xb8;
	[tilespmem:$0x1F900] =	vst v63  }
0x226: {  	s11 =	simm.s32 $0x4D00  }
0x227: {  	[tilespmem:s11], [sflag:$0x4] =	stream.indirect_vreg.gather [hbm4b:s6+s4], $0x80, v23, vm0, $0xb8;
	[tilespmem:$0x1F900] =	vst v63  }
0x228: {  	v23 =	vld [tilespmem:$0x190];
	_ =	sdelay $0x4  }
0x229: {  	v52 =	vshll.u32 v23, $0x1  }
0x22a: {  	v23 =	vand.u32 $0x7, v23;
	v24 =	vand.u32 $0xFFFFFFF0, v52  }
0x22b: {  	v23 =	vor.u32 v23, v24  }
0x22c: {  	v24 =	vperm.xlane v23, v2;
	_ =	sdelay $0x1  }
0x22d: {  	v23 =	vperm.xlane v23, v4;
	v24 =	vadd.s32 v3, v24;
	_ =	sdelay $0x1  }
0x22e: {  	v23 =	vadd.s32 v3, v23  }
0x22f: {  	s10 =	rddreg [dreg:$0xd]  }
0x230: {  	s12 =	simm.s32 $0x5500;
	s10 =	sadd.s32 @!p0 s18, s10  }
0x231: {  	[tilespmem:s12], [sflag:$0x4] =	stream.indirect_vreg.gather [hbm4b:s6+s4], $0x80, v24, vm0, $0xb8;
	[tilespmem:$0x1F900] =	vst v63  }
0x232: {  	s24 =	simm.s32 $0x5D00;
	s10 =	sshrl.u32 @!p0 s10, $0x3  }
0x233: {  	[tilespmem:s24], [sflag:$0x4] =	stream.indirect_vreg.gather [hbm4b:s6+s4], $0x80, v23, vm0, $0xb8;
	[tilespmem:$0x1F900] =	vst v63  }
0x234: {  	s11 =	sadd.s32 @!p0 s1, s10;
	s12 =	simm.s32 @!p0 $0x80;
	s24 =	simm.s32 @!p0 $0x0  }
0x235: {  	[tilespmem:s12], [sflag:$0x8] =	stream.linear.gather @!p0 [hbm4b:s11+s24], $0x20, $0x38;
	[tilespmem:$0x1F900] =	vst v63  }
0x236: {  	s10 =	sadd.s32 @!p0 s7, s10;
	s11 =	simm.s32 @!p0 $0x280  }
0x237: {  	[tilespmem:s11], [sflag:$0x8] =	stream.linear.gather @!p0 [hbm4b:s10+s24], $0x20, $0x38;
	[tilespmem:$0x1F900] =	vst v63  }
0x238: {  	_ =	swait.ge [sflag:s13], $0x1000  }
0x239: {  	[sflag:s13] =	ssyncset.done $0x0  }
0x23a: {  	[sflag:s13] =	ssyncadd.s32 $0xFFFFF000  }
0x23b: {  	_ =	swait.ge [sflag:s20], $0x2000  }
0x23c: {  	[sflag:s20] =	ssyncset.done $0x0  }
0x23d: {  	[sflag:s20] =	ssyncadd.s32 $0xFFFFE000  }
0x23e: {  	_ =	swait.ge [sflag:s19], $0x2000  }
0x23f: {  	[sflag:s19] =	ssyncset.done $0x0  }
0x240: {  	[sflag:s19] =	ssyncadd.s32 $0xFFFFE000  }
0x241: {  	v23 =	vld [tilespmem:$0x400];
	_ =	sdelay $0x4  }
0x242: {  	v23 =	vshll.u32 v23, $0x3  }
0x243: {  	v23 =	vand.u32 $0x78, v23  }
0x244: {  	v53 =	vor.u32 v5, v23  }
0x245: {  	v25 =	vor.u32 v6, v23  }
0x246: {  	v26 =	vor.u32 v7, v23  }
0x247: {  	v27 =	vor.u32 v8, v23  }
0x248: {  	v28 =	vor.u32 v9, v23  }
0x249: {  	v54 =	vor.u32 v10, v23;
	[tilespmem:v53+s14+$0x0] =	vst.idx.msk $0xffff, v0  }
0x24a: {  	v55 =	vor.u32 v11, v23;
	[tilespmem:v25+s14+$0x0] =	vst.idx.msk $0xffff, v0  }
0x24b: {  	v23 =	vor.u32 v12, v23;
	[tilespmem:v26+s14+$0x0] =	vst.idx.msk $0xffff, v0  }
0x24c: {  	[tilespmem:v27+s14+$0x0] =	vst.idx.msk $0xffff, v0  }
0x24d: {  	[tilespmem:v28+s14+$0x0] =	vst.idx.msk $0xffff, v0  }
0x24e: {  	[tilespmem:v54+s14+$0x0] =	vst.idx.msk $0xffff, v0  }
0x24f: {  	[tilespmem:v55+s14+$0x0] =	vst.idx.msk $0xffff, v0  }
0x250: {  	[tilespmem:v23+s14+$0x0] =	vst.idx.msk $0xffff, v0  }
0x251: {  	v23 =	vld [tilespmem:$0x410];
	_ =	sdelay $0x4  }
0x252: {  	v23 =	vshll.u32 v23, $0x3  }
0x253: {  	v23 =	vand.u32 $0x78, v23  }
0x254: {  	v56 =	vor.u32 v13, v23  }
0x255: {  	v57 =	vor.u32 v14, v23  }
0x256: {  	v58 =	vor.u32 v15, v23  }
0x257: {  	v59 =	vor.u32 v17, v23  }
0x258: {  	v60 =	vor.u32 v18, v23  }
0x259: {  	v61 =	vor.u32 v19, v23;
	[tilespmem:v56+s14+$0x0] =	vst.idx.msk $0xffff, v0  }
0x25a: {  	v62 =	vor.u32 v20, v23;
	[tilespmem:v57+s14+$0x0] =	vst.idx.msk $0xffff, v0  }
0x25b: {  	v23 =	vor.u32 v21, v23;
	[tilespmem:v58+s14+$0x0] =	vst.idx.msk $0xffff, v0  }
0x25c: {  	[tilespmem:v59+s14+$0x0] =	vst.idx.msk $0xffff, v0  }
0x25d: {  	[tilespmem:v60+s14+$0x0] =	vst.idx.msk $0xffff, v0  }
0x25e: {  	[tilespmem:v61+s14+$0x0] =	vst.idx.msk $0xffff, v0  }
0x25f: {  	[tilespmem:v62+s14+$0x0] =	vst.idx.msk $0xffff, v0  }
0x260: {  	[tilespmem:v23+s14+$0x0] =	vst.idx.msk $0xffff, v0  }
0x261: {  	v23 =	vld [tilespmem:$0x300];
	_ =	sdelay $0x1  }
0x262: {  	v24 =	vld [tilespmem:$0x310];
	_ =	sdelay $0x2  }
0x263: {  	v63 =	vshrl.u32 v23, $0x4  }
0x264: {  	[tilespmem:$0x400] =	vst v23;
	v23 =	vadd.s32 $0x2800, v63  }
0x265: {  	[tilespmem:$0x420] =	vst v23;
	v23 =	vshrl.u32 v24, $0x4  }
0x266: {  	[tilespmem:$0x410] =	vst v24;
	v23 =	vadd.s32 $0x2800, v23  }
0x267: {  	p2 =	por $0x1, $0x1;
	s10 =	simm.s32 $0x0;
	[tilespmem:$0x430] =	vst v23  }
.LBB2_21:
0x268: {  	v23 =	vld [tilespmem:s10+$0x400];
	_ =	sdelay $0x1  }
0x269: {  	v24 =	vor.u32 s10, v1  }
0x26a: {  	v25 =	vmov s10;
	v26 =	vshll.u32 v24, $0x8  }
0x26b: {  	v27 =	vshll.u32 v25, $0x7;
	v25 =	vand.u32 $0x1800, v26  }
0x26c: {  	v27 =	vor.u32 v5, v27;
	v26 =	vshll.u32 v23, $0x3;
	v23 =	vshll.u32 v24, $0x7  }
0x26d: {  	p1 =	por p2, p2;
	s24 =	simm.s32 $0x0;
	v24 =	vor.u32 v16, v25;
	v25 =	vor.u32 v22, v25;
	v26 =	vand.u32 $0x78, v26  }
.LBB2_22:
0x26e: {  	s10 =	sshll.u32 s24, $0x4;
	v32 =	vimm.f32 $0.0e+00;
	v31 =	vlaneseq.u32;
	v33 =	vimm.f32 $0.0e+00  }
0x26f: {  	p2 =	por $0x1, $0x1;
	v28 =	vmov s10;
	v29 =	vor.u32 s10, v23;
	v30 =	vor.u32 s10, v24  }
.LBB2_23:
0x270: {  	v34 =	vor.u32 v29, v31;
	v35 =	vadd.s32 $0x1, v31  }
0x271: {  	v36 =	vor.u32 v30, v31;
	v35 =	vand.u32 $0xF, v35  }
0x272: {  	v38 =	vadd.s32 $0x2, v31;
	v37 =	vor.u32 v29, v35  }
0x273: {  	v38 =	vand.u32 $0xF, v38;
	v35 =	vor.u32 v30, v35  }
0x274: {  	v40 =	vadd.s32 $0x3, v31;
	v39 =	vor.u32 v29, v38  }
0x275: {  	v40 =	vand.u32 $0xF, v40;
	v38 =	vor.u32 v30, v38;
	v34 =	vld.idx.msk [tilespmem:v34+s28+$0x0], $0xffff  }
0x276: {  	v42 =	vadd.s32 $0x4, v31;
	v41 =	vor.u32 v29, v40;
	v36 =	vld.idx.msk [tilespmem:v36+s29+$0x0], $0xffff  }
0x277: {  	v42 =	vand.u32 $0xF, v42;
	v40 =	vor.u32 v30, v40;
	v37 =	vld.idx.msk [tilespmem:v37+s28+$0x0], $0xffff  }
0x278: {  	v44 =	vadd.s32 $0x5, v31;
	v43 =	vor.u32 v29, v42;
	v35 =	vld.idx.msk [tilespmem:v35+s29+$0x0], $0xffff  }
0x279: {  	v44 =	vand.u32 $0xF, v44;
	v42 =	vor.u32 v30, v42;
	v39 =	vld.idx.msk [tilespmem:v39+s28+$0x0], $0xffff  }
0x27a: {  	v46 =	vadd.s32 $0x6, v31;
	v45 =	vor.u32 v29, v44;
	v38 =	vld.idx.msk [tilespmem:v38+s29+$0x0], $0xffff  }
0x27b: {  	v46 =	vand.u32 $0xF, v46;
	v44 =	vor.u32 v30, v44;
	v41 =	vld.idx.msk [tilespmem:v41+s28+$0x0], $0xffff  }
0x27c: {  	v48 =	vadd.s32 $0x7, v31;
	v47 =	vor.u32 v29, v46;
	v40 =	vld.idx.msk [tilespmem:v40+s29+$0x0], $0xffff  }
0x27d: {  	v48 =	vand.u32 $0xF, v48;
	v46 =	vor.u32 v30, v46;
	v43 =	vld.idx.msk [tilespmem:v43+s28+$0x0], $0xffff  }
0x27e: {  	v49 =	vor.u32 v29, v48;
	v42 =	vld.idx.msk [tilespmem:v42+s29+$0x0], $0xffff  }
0x27f: {  	v48 =	vor.u32 v30, v48;
	v45 =	vld.idx.msk [tilespmem:v45+s28+$0x0], $0xffff  }
0x280: {  	v44 =	vld.idx.msk [tilespmem:v44+s29+$0x0], $0xffff  }
0x281: {  	v47 =	vld.idx.msk [tilespmem:v47+s28+$0x0], $0xffff  }
0x282: {  	v55 =	vld.idx.msk [tilespmem:v46+s29+$0x0], $0xffff;
	v34 =	vmul.f32 v36, v34  }
0x283: {  	v56 =	vld.idx.msk [tilespmem:v49+s28+$0x0], $0xffff;
	v35 =	vmul.f32 v35, v37  }
0x284: {  	v58 =	vld.idx.msk [tilespmem:v48+s29+$0x0], $0xffff;
	v33 =	vadd.f32 v34, v33  }
0x285: {  	v57 =	vmul.f32 v38, v39;
	v59 =	vmul.f32 v40, v41;
	v32 =	vadd.f32 v35, v32  }
0x286: {  	p3 =	por p2, p2;
	v60 =	vmul.f32 v42, v43  }
.Ltmp11:
0x287: {  	v61 =	vmul.f32 v44, v45;
	v33 =	vadd.f32 v57, v33;
	v32 =	vadd.f32 v59, v32;
	(pc) =	sbr.rel @p3 .LBB2_23-.Ltmp11, $3  }
0x288: {  	v62 =	vmul.f32 v55, v47  }
0x289: {  	v63 =	vmul.f32 v58, v56;
	v33 =	vadd.f32 v60, v33;
	v32 =	vadd.f32 v61, v32;
	_ =	sdelay $0x1  }
0x28a: {  	v31 =	vxor.u32 $0x8, v31;
	p2 =	por $0x0, $0x0;
	v33 =	vadd.f32 v62, v33;
	v32 =	vadd.f32 v63, v32  }
0x28b: {  	_ = 	snop  }
0x28c: {  	v29 =	vadd.f32 v32, v33;
	_ =	sdelay $0x1  }
0x28d: {  	v31 =	vlaneseq.u32;
	v29 =	vmul.f32 $1.442695020e+00, v29  }
0x28e: {  	v30 =	vor.u32 v25, v28;
	v58 =	vadd.s32 $0x1, v31;
	v59 =	vadd.s32 $0x3, v31  }
0x28f: {  	v34 =	vand.u32 $0xF, v58;
	(erf) = vpow2.f32 v29;
	v29 =	vor.u32 v31, v30  }
0x290: {  	v38 =	vand.u32 $0xF, v59;
	v35 =	vor.u32 v34, v30  }
0x291: {  	v28 =	vadd.s32 v23, v28;
	v60 =	vadd.s32 $0x2, v31;
	v36 =	vor.u32 v38, v30  }
0x292: {  	v61 =	vadd.s32 $0x4, v31;
	v42 =	vor.u32 v28, v31;
	v32 =	vand.u32 $0xF, v60  }
0x293: {  	v40 =	vand.u32 $0xF, v61;
	v39 =	vor.u32 v32, v30;
	v32 =	vor.u32 v28, v32  }
0x294: {  	v33 =	vor.u32 v28, v34;
	v44 =	vor.u32 v40, v30;
	v37 =	vld.idx.msk [tilespmem:v29+s29+$0x0], $0xffff;
	v29 =	vadd.s32 $0x1, v40  }
0x295: {  	v62 =	vadd.s32 $0x2, v40;
	v63 =	vadd.s32 $0x4, v40;
	v45 =	vld.idx.msk [tilespmem:v35+s29+$0x0], $0xffff;
	v46 =	vand.u32 $0xF, v29  }
0x296: {  	v41 =	vand.u32 $0xF, v62;
	v31 =	vadd.s32 $0x3, v40;
	v50 =	vld.idx.msk [tilespmem:v36+s29+$0x0], $0xffff;
	v51 =	vor.u32 v46, v30  }
0x297: {  	v38 =	vor.u32 v28, v38;
	v34 =	vor.u32 v41, v30;
	v35 =	vand.u32 $0xF, v31  }
0x298: {  	v31 =	vor.u32 v28, v41;
	v41 =	vld.idx.msk [tilespmem:v39+s29+$0x0], $0xffff;
	v36 =	vand.u32 $0xF, v63;
	v43 =	vor.u32 v35, v30;
	v29 =	vpop (erf)  }
0x299: {  	v47 =	vadd.s32 $0x3, v36;
	v39 =	vor.u32 v28, v46;
	v48 =	vmul.f32 v37, v29  }
0x29a: {  	v37 =	vor.u32 v28, v40;
	v40 =	vld.idx.msk [tilespmem:v44+s29+$0x0], $0xffff;
	v44 =	vor.u32 v36, v30;
	v46 =	vmul.f32 v45, v29  }
0x29b: {  	s10 =	simm.s32 $0x8;
	v49 =	vadd.s32 $0x1, v36;
	v45 =	vmul.f32 v50, v29;
	[tilespmem:v42+s14+$0x0] =	vst.idx.msk $0xffff, v48;
	v48 =	vadd.s32 $0x2, v36;
	v42 =	vld.idx.msk [tilespmem:v51+s29+$0x0], $0xffff  }
.LBB2_25:
0x29c: {  	v49 =	vand.u32 $0xF, v49;
	v48 =	vand.u32 $0xF, v48;
	v50 =	vand.u32 $0xF, v47  }
0x29d: {  	s10 =	sadd.s32 $0x4, s10;
	v51 =	vld.idx.msk [tilespmem:v43+s29+$0x0], $0xffff;
	[tilespmem:v33+s14+$0x0] =	vst.idx.msk $0xffff, v46;
	v52 =	vmovc v31;
	v46 =	vmov v41;
	v53 =	vmov v37;
	v33 =	vmov v39  }
0x29e: {  	p2 =	slt.u32 s10, $0xC;
	v54 =	vor.u32 v49, v30;
	v31 =	vor.u32 v28, v48;
	v41 =	vld.idx.msk [tilespmem:v34+s29+$0x0], $0xffff;
	v34 =	vor.u32 v48, v30  }
.Ltmp12:
0x29f: {  	v43 =	vor.u32 v50, v30;
	v48 =	vmul.f32 v40, v29;
	v46 =	vmul.f32 v46, v29;
	(pc) =	sbr.rel @p2 .LBB2_25-.Ltmp12, $4  }
0x2a0: {  	v37 =	vor.u32 v28, v36;
	v36 =	vadd.s32 $0x4, v36;
	v40 =	vld.idx.msk [tilespmem:v44+s29+$0x0], $0xffff;
	[tilespmem:v38+s14+$0x0] =	vst.idx.msk $0xffff, v45  }
0x2a1: {  	v39 =	vor.u32 v28, v49;
	v36 =	vand.u32 $0xF, v36;
	v38 =	vor.u32 v28, v35;
	[tilespmem:v32+s14+$0x0] =	vst.idx.msk $0xffff, v46  }
0x2a2: {  	v47 =	vadd.s32 $0x3, v36;
	v44 =	vor.u32 v36, v30;
	v46 =	vmul.f32 v42, v29;
	[tilespmem:v53+s14+$0x0] =	vst.idx.msk $0xffff, v48  }
0x2a3: {  	v49 =	vadd.s32 $0x1, v36;
	v35 =	vmovc v50;
	v32 =	vmovc v52;
	v48 =	vadd.s32 $0x2, v36;
	v45 =	vmul.f32 v51, v29;
	v42 =	vld.idx.msk [tilespmem:v54+s29+$0x0], $0xffff  }
0x2a4: {  	_ = 	snop  }
0x2a5: {  	v49 =	vand.u32 $0xF, v49  }
0x2a6: {  	v47 =	vand.u32 $0xF, v47;
	v50 =	vor.u32 v49, v30  }
0x2a7: {  	v48 =	vand.u32 $0xF, v48;
	v51 =	vor.u32 v47, v30  }
0x2a8: {  	v43 =	vld.idx.msk [tilespmem:v43+s29+$0x0], $0xffff;
	v63 =	vor.u32 v48, v30  }
0x2a9: {  	v34 =	vld.idx.msk [tilespmem:v34+s29+$0x0], $0xffff  }
0x2aa: {  	[tilespmem:v33+s14+$0x0] =	vst.idx.msk $0xffff, v46;
	v46 =	vmul.f32 v41, v29;
	v52 =	vld.idx.msk [tilespmem:v44+s29+$0x0], $0xffff;
	v35 =	vor.u32 v28, v35  }
0x2ab: {  	v40 =	vmul.f32 v40, v29;
	[tilespmem:v38+s14+$0x0] =	vst.idx.msk $0xffff, v45;
	v53 =	vld.idx.msk [tilespmem:v50+s29+$0x0], $0xffff  }
0x2ac: {  	v36 =	vor.u32 v28, v36;
	[tilespmem:v32+s14+$0x0] =	vst.idx.msk $0xffff, v46;
	v54 =	vmul.f32 v42, v29;
	v55 =	vld.idx.msk [tilespmem:v51+s29+$0x0], $0xffff  }
0x2ad: {  	v56 =	vor.u32 v28, v49;
	[tilespmem:v37+s14+$0x0] =	vst.idx.msk $0xffff, v40;
	v57 =	vmul.f32 v43, v29;
	v30 =	vld.idx.msk [tilespmem:v63+s29+$0x0], $0xffff  }
0x2ae: {  	v59 =	vor.u32 v28, v47;
	v58 =	vmul.f32 v34, v29;
	[tilespmem:v39+s14+$0x0] =	vst.idx.msk $0xffff, v54  }
0x2af: {  	v61 =	vor.u32 s24, v26;
	s24 =	sadd.s32 $0x1, s24;
	v28 =	vor.u32 v28, v48;
	v60 =	vmul.f32 v52, v29;
	[tilespmem:v35+s14+$0x0] =	vst.idx.msk $0xffff, v57  }
0x2b0: {  	p2 =	sne.s32 s24, $0x8;
	v63 =	vadd.s32 v27, v61;
	[tilespmem:v31+s14+$0x0] =	vst.idx.msk $0xffff, v58;
	v62 =	vmul.f32 v53, v29  }
.Ltmp13:
0x2b1: {  	[tilespmem:v36+s14+$0x0] =	vst.idx.msk $0xffff, v60;
	v33 =	vmul.f32 v55, v29;
	(pc) =	sbr.rel @p2 .LBB2_22-.Ltmp13, $4  }
0x2b2: {  	v30 =	vmul.f32 v30, v29;
	[tilespmem:v56+s14+$0x0] =	vst.idx.msk $0xffff, v62  }
0x2b3: {  	[tilespmem:v59+s14+$0x0] =	vst.idx.msk $0xffff, v33  }
0x2b4: {  	[tilespmem:v28+s14+$0x0] =	vst.idx.msk $0xffff, v30  }
0x2b5: {  	[tilespmem:v63+s14+$0x0] =	vst.idx.msk $0xffff, v29  }
.Ltmp14:
0x2b6: {  	(pc) =	sbr.rel @p1 .LBB2_21-.Ltmp14, $2  }
0x2b7: {  	_ =	sdelay $0x2  }
0x2b8: {  	s10 =	simm.s32 $0x10;
	p2 =	por $0x0, $0x0  }
0x2b9: {  	[spmem:s2] =	stream.indirect.scatter.add.f32 [tilespmem:s14], [sflag:$0x5], $0x80, s23, s25, $0xb8;
	[tilespmem:$0x1F900] =	vst v63  }
0x2ba: {  	s10 =	simm.s32 @!p0 $0x7  }
0x2bb: {  	_ =	swait.ge @!p0 [sflag:s10], $0x20  }
0x2bc: {  	[sflag:s10] =	ssyncset.done @!p0 $0x0  }
0x2bd: {  	[sflag:s10] =	ssyncadd.s32 @!p0 $0xFFFFFFE0  }
0x2be: {  	_ =	swait.ge @!p0 [sflag:s10], $0x20  }
0x2bf: {  	s11 =	simm.s32 @!p0 $0x200;
	[sflag:s10] =	ssyncset.done @!p0 $0x0  }
0x2c0: {  	s12 =	simm.s32 @!p0 $0x500;
	[sflag:s10] =	ssyncadd.s32 @!p0 $0xFFFFFFE0;
	s10 =	simm.s32 @!p0 $0x20  }
0x2c1: {  	[tilespmem:s12], [sflag:$0x1] =	stream.indirect.gather @!p0 [hbm4b:s5+s10], $0x80, s11, s10, $0xb8;
	[tilespmem:$0x1F900] =	vst v63  }
0x2c2: {  	v23 =	vld @!p0 [tilespmem:$0x0];
	_ =	sdelay $0x4  }
0x2c3: {  	v24 =	vshll.u32 @!p0 v23, $0x1  }
0x2c4: {  	v25 =	vlaneseq.u32 @!p0;
	v23 =	vand.u32 @!p0 $0x7, v23;
	v24 =	vand.u32 @!p0 $0xFFFFFFF0, v24  }
0x2c5: {  	v26 =	vshrl.u32 @!p0 v25, $0x3;
	v23 =	vor.u32 @!p0 v23, v24;
	v24 =	vand.u32 @!p0 $0x7, v25  }
0x2c6: {  	v26 =	vmul.u32 @!p0 $0x8, v26;
	v27 =	vperm.xlane @!p0 v23, v24  }
0x2c7: {  	v25 =	vor.u32 @!p0 $0x8, v25  }
0x2c8: {  	v23 =	vperm.xlane @!p0 v23, v25;
	v27 =	vadd.s32 @!p0 v26, v27;
	_ =	sdelay $0x1  }
0x2c9: {  	v23 =	vadd.s32 @!p0 v26, v23;
	_ =	sdelay $0x1  }
0x2ca: {  	vm1 =	vmmov @!p0 $0xffff;
	s10 =	simm.s32 @!p0 $0x0;
	s11 =	simm.s32 @!p0 $0x2500  }
0x2cb: {  	[tilespmem:s11], [sflag:$0x3] =	stream.indirect_vreg.gather @!p0 [hbm4b:s6+s10], $0x80, v27, vm1, $0xb8;
	[tilespmem:$0x1F900] =	vst v63  }
0x2cc: {  	s11 =	simm.s32 @!p0 $0x2D00  }
0x2cd: {  	[tilespmem:s11], [sflag:$0x3] =	stream.indirect_vreg.gather @!p0 [hbm4b:s6+s10], $0x80, v23, vm1, $0xb8;
	[tilespmem:$0x1F900] =	vst v63  }
0x2ce: {  	v23 =	vld @!p0 [tilespmem:$0x10];
	_ =	sdelay $0x4  }
0x2cf: {  	v27 =	vshll.u32 @!p0 v23, $0x1  }
0x2d0: {  	v23 =	vand.u32 @!p0 $0x7, v23;
	v27 =	vand.u32 @!p0 $0xFFFFFFF0, v27  }
0x2d1: {  	v23 =	vor.u32 @!p0 v23, v27  }
0x2d2: {  	v24 =	vperm.xlane @!p0 v23, v24;
	_ =	sdelay $0x1  }
0x2d3: {  	v23 =	vperm.xlane @!p0 v23, v25;
	v24 =	vadd.s32 @!p0 v26, v24;
	_ =	sdelay $0x1  }
0x2d4: {  	v23 =	vadd.s32 @!p0 v26, v23;
	_ =	sdelay $0x1  }
0x2d5: {  	s11 =	simm.s32 @!p0 $0x3500  }
0x2d6: {  	[tilespmem:s11], [sflag:$0x3] =	stream.indirect_vreg.gather @!p0 [hbm4b:s6+s10], $0x80, v24, vm1, $0xb8;
	[tilespmem:$0x1F900] =	vst v63  }
0x2d7: {  	s11 =	simm.s32 @!p0 $0x3D00  }
0x2d8: {  	[tilespmem:s11], [sflag:$0x3] =	stream.indirect_vreg.gather @!p0 [hbm4b:s6+s10], $0x80, v23, vm1, $0xb8;
	[tilespmem:$0x1F900] =	vst v63  }
0x2d9: {  	s11 =	rddreg [dreg:$0xe]  }
0x2da: {  	s11 =	sadd.s32 @!p0 s18, s11  }
0x2db: {  	s11 =	sshrl.u32 @!p0 s11, $0x3  }
0x2dc: {  	s24 =	simm.s32 @!p0 $0x100;
	s12 =	sadd.s32 @!p0 s1, s11  }
0x2dd: {  	[tilespmem:s24], [sflag:$0x9] =	stream.linear.gather @!p0 [hbm4b:s12+s10], $0x20, $0x38;
	[tilespmem:$0x1F900] =	vst v63  }
0x2de: {  	s11 =	sadd.s32 @!p0 s7, s11;
	s12 =	simm.s32 @!p0 $0x300  }
0x2df: {  	[tilespmem:s12], [sflag:$0x9] =	stream.linear.gather @!p0 [hbm4b:s11+s10], $0x20, $0x38;
	[tilespmem:$0x1F900] =	vst v63  }
0x2e0: {  	_ =	swait.ge [sflag:s22], $0x1000  }
0x2e1: {  	[sflag:s22] =	ssyncset.done $0x0  }
0x2e2: {  	[sflag:s22] =	ssyncadd.s32 $0xFFFFF000  }
0x2e3: {  	_ =	swait.ge [sflag:s30], $0x2000  }
0x2e4: {  	[sflag:s30] =	ssyncset.done $0x0  }
0x2e5: {  	[sflag:s30] =	ssyncadd.s32 $0xFFFFE000  }
0x2e6: {  	_ =	swait.ge [sflag:s16], $0x2000  }
0x2e7: {  	[sflag:s16] =	ssyncset.done $0x0  }
0x2e8: {  	[sflag:s16] =	ssyncadd.s32 $0xFFFFE000  }
0x2e9: {  	v23 =	vld [tilespmem:$0x480];
	_ =	sdelay $0x4  }
0x2ea: {  	v23 =	vshll.u32 v23, $0x3  }
0x2eb: {  	v23 =	vand.u32 $0x78, v23  }
0x2ec: {  	v50 =	vor.u32 v5, v23  }
0x2ed: {  	v51 =	vor.u32 v6, v23  }
0x2ee: {  	v52 =	vor.u32 v7, v23  }
0x2ef: {  	v53 =	vor.u32 v8, v23  }
0x2f0: {  	v28 =	vor.u32 v9, v23  }
0x2f1: {  	v54 =	vor.u32 v10, v23;
	[tilespmem:v50+s31+$0x0] =	vst.idx.msk $0xffff, v0  }
0x2f2: {  	v55 =	vor.u32 v11, v23;
	[tilespmem:v51+s31+$0x0] =	vst.idx.msk $0xffff, v0  }
0x2f3: {  	v23 =	vor.u32 v12, v23;
	[tilespmem:v52+s31+$0x0] =	vst.idx.msk $0xffff, v0  }
0x2f4: {  	[tilespmem:v53+s31+$0x0] =	vst.idx.msk $0xffff, v0  }
0x2f5: {  	[tilespmem:v28+s31+$0x0] =	vst.idx.msk $0xffff, v0  }
0x2f6: {  	[tilespmem:v54+s31+$0x0] =	vst.idx.msk $0xffff, v0  }
0x2f7: {  	[tilespmem:v55+s31+$0x0] =	vst.idx.msk $0xffff, v0  }
0x2f8: {  	[tilespmem:v23+s31+$0x0] =	vst.idx.msk $0xffff, v0  }
0x2f9: {  	v23 =	vld [tilespmem:$0x490];
	_ =	sdelay $0x4  }
0x2fa: {  	v23 =	vshll.u32 v23, $0x3  }
0x2fb: {  	v23 =	vand.u32 $0x78, v23  }
0x2fc: {  	v56 =	vor.u32 v13, v23  }
0x2fd: {  	v57 =	vor.u32 v14, v23  }
0x2fe: {  	v58 =	vor.u32 v15, v23  }
0x2ff: {  	v59 =	vor.u32 v17, v23  }
0x300: {  	v60 =	vor.u32 v18, v23  }
0x301: {  	v61 =	vor.u32 v19, v23;
	[tilespmem:v56+s31+$0x0] =	vst.idx.msk $0xffff, v0  }
0x302: {  	v62 =	vor.u32 v20, v23;
	[tilespmem:v57+s31+$0x0] =	vst.idx.msk $0xffff, v0  }
0x303: {  	v23 =	vor.u32 v21, v23;
	[tilespmem:v58+s31+$0x0] =	vst.idx.msk $0xffff, v0  }
0x304: {  	[tilespmem:v59+s31+$0x0] =	vst.idx.msk $0xffff, v0  }
0x305: {  	[tilespmem:v60+s31+$0x0] =	vst.idx.msk $0xffff, v0  }
0x306: {  	[tilespmem:v61+s31+$0x0] =	vst.idx.msk $0xffff, v0  }
0x307: {  	[tilespmem:v62+s31+$0x0] =	vst.idx.msk $0xffff, v0  }
0x308: {  	[tilespmem:v23+s31+$0x0] =	vst.idx.msk $0xffff, v0  }
0x309: {  	v23 =	vld [tilespmem:$0x380];
	_ =	sdelay $0x1  }
0x30a: {  	v24 =	vld [tilespmem:$0x390];
	_ =	sdelay $0x2  }
0x30b: {  	v63 =	vshrl.u32 v23, $0x4  }
0x30c: {  	[tilespmem:$0x480] =	vst v23;
	v23 =	vadd.s32 $0x2800, v63  }
0x30d: {  	[tilespmem:$0x4A0] =	vst v23;
	v23 =	vshrl.u32 v24, $0x4  }
0x30e: {  	[tilespmem:$0x490] =	vst v24;
	v23 =	vadd.s32 $0x2800, v23  }
0x30f: {  	p2 =	por $0x1, $0x1;
	s10 =	simm.s32 $0x0;
	[tilespmem:$0x4B0] =	vst v23  }
.LBB2_29:
0x310: {  	v23 =	vld [tilespmem:s10+$0x480];
	_ =	sdelay $0x1  }
0x311: {  	v24 =	vor.u32 s10, v1  }
0x312: {  	v25 =	vmov s10;
	v26 =	vshll.u32 v24, $0x8  }
0x313: {  	v27 =	vshll.u32 v25, $0x7;
	v25 =	vand.u32 $0x1800, v26  }
0x314: {  	v27 =	vor.u32 v5, v27;
	v26 =	vshll.u32 v23, $0x3;
	v23 =	vshll.u32 v24, $0x7  }
0x315: {  	p1 =	por p2, p2;
	s24 =	simm.s32 $0x0;
	v24 =	vor.u32 v16, v25;
	v25 =	vor.u32 v22, v25;
	v26 =	vand.u32 $0x78, v26  }
.LBB2_30:
0x316: {  	s10 =	sshll.u32 s24, $0x4;
	v32 =	vimm.f32 $0.0e+00;
	v31 =	vlaneseq.u32;
	v33 =	vimm.f32 $0.0e+00  }
0x317: {  	p2 =	por $0x1, $0x1;
	v28 =	vmov s10;
	v29 =	vor.u32 s10, v23;
	v30 =	vor.u32 s10, v24  }
.LBB2_31:
0x318: {  	v34 =	vor.u32 v29, v31;
	v35 =	vadd.s32 $0x1, v31  }
0x319: {  	v36 =	vor.u32 v30, v31;
	v35 =	vand.u32 $0xF, v35  }
0x31a: {  	v38 =	vadd.s32 $0x2, v31;
	v37 =	vor.u32 v29, v35  }
0x31b: {  	v38 =	vand.u32 $0xF, v38;
	v35 =	vor.u32 v30, v35  }
0x31c: {  	v40 =	vadd.s32 $0x3, v31;
	v39 =	vor.u32 v29, v38  }
0x31d: {  	v40 =	vand.u32 $0xF, v40;
	v38 =	vor.u32 v30, v38;
	v34 =	vld.idx.msk [tilespmem:v34+s8+$0x0], $0xffff  }
0x31e: {  	v42 =	vadd.s32 $0x4, v31;
	v41 =	vor.u32 v29, v40;
	v36 =	vld.idx.msk [tilespmem:v36+s9+$0x0], $0xffff  }
0x31f: {  	v42 =	vand.u32 $0xF, v42;
	v40 =	vor.u32 v30, v40;
	v37 =	vld.idx.msk [tilespmem:v37+s8+$0x0], $0xffff  }
0x320: {  	v44 =	vadd.s32 $0x5, v31;
	v43 =	vor.u32 v29, v42;
	v35 =	vld.idx.msk [tilespmem:v35+s9+$0x0], $0xffff  }
0x321: {  	v44 =	vand.u32 $0xF, v44;
	v42 =	vor.u32 v30, v42;
	v39 =	vld.idx.msk [tilespmem:v39+s8+$0x0], $0xffff  }
0x322: {  	v46 =	vadd.s32 $0x6, v31;
	v45 =	vor.u32 v29, v44;
	v38 =	vld.idx.msk [tilespmem:v38+s9+$0x0], $0xffff  }
0x323: {  	v46 =	vand.u32 $0xF, v46;
	v44 =	vor.u32 v30, v44;
	v41 =	vld.idx.msk [tilespmem:v41+s8+$0x0], $0xffff  }
0x324: {  	v48 =	vadd.s32 $0x7, v31;
	v47 =	vor.u32 v29, v46;
	v40 =	vld.idx.msk [tilespmem:v40+s9+$0x0], $0xffff  }
0x325: {  	v48 =	vand.u32 $0xF, v48;
	v46 =	vor.u32 v30, v46;
	v43 =	vld.idx.msk [tilespmem:v43+s8+$0x0], $0xffff  }
0x326: {  	v49 =	vor.u32 v29, v48;
	v42 =	vld.idx.msk [tilespmem:v42+s9+$0x0], $0xffff  }
0x327: {  	v48 =	vor.u32 v30, v48;
	v45 =	vld.idx.msk [tilespmem:v45+s8+$0x0], $0xffff  }
0x328: {  	v44 =	vld.idx.msk [tilespmem:v44+s9+$0x0], $0xffff  }
0x329: {  	v47 =	vld.idx.msk [tilespmem:v47+s8+$0x0], $0xffff  }
0x32a: {  	v55 =	vld.idx.msk [tilespmem:v46+s9+$0x0], $0xffff;
	v34 =	vmul.f32 v36, v34  }
0x32b: {  	v56 =	vld.idx.msk [tilespmem:v49+s8+$0x0], $0xffff;
	v35 =	vmul.f32 v35, v37  }
0x32c: {  	v58 =	vld.idx.msk [tilespmem:v48+s9+$0x0], $0xffff;
	v33 =	vadd.f32 v34, v33  }
0x32d: {  	v57 =	vmul.f32 v38, v39;
	v59 =	vmul.f32 v40, v41;
	v32 =	vadd.f32 v35, v32  }
0x32e: {  	p3 =	por p2, p2;
	v60 =	vmul.f32 v42, v43  }
.Ltmp15:
0x32f: {  	v61 =	vmul.f32 v44, v45;
	v33 =	vadd.f32 v57, v33;
	v32 =	vadd.f32 v59, v32;
	(pc) =	sbr.rel @p3 .LBB2_31-.Ltmp15, $3  }
0x330: {  	v62 =	vmul.f32 v55, v47  }
0x331: {  	v63 =	vmul.f32 v58, v56;
	v33 =	vadd.f32 v60, v33;
	v32 =	vadd.f32 v61, v32;
	_ =	sdelay $0x1  }
0x332: {  	v31 =	vxor.u32 $0x8, v31;
	p2 =	por $0x0, $0x0;
	v33 =	vadd.f32 v62, v33;
	v32 =	vadd.f32 v63, v32  }
0x333: {  	_ = 	snop  }
0x334: {  	v29 =	vadd.f32 v32, v33;
	_ =	sdelay $0x1  }
0x335: {  	v31 =	vlaneseq.u32;
	v29 =	vmul.f32 $1.442695020e+00, v29  }
0x336: {  	v30 =	vor.u32 v25, v28;
	v58 =	vadd.s32 $0x1, v31;
	v59 =	vadd.s32 $0x3, v31  }
0x337: {  	v34 =	vand.u32 $0xF, v58;
	(erf) = vpow2.f32 v29;
	v29 =	vor.u32 v31, v30  }
0x338: {  	v38 =	vand.u32 $0xF, v59;
	v35 =	vor.u32 v34, v30  }
0x339: {  	v28 =	vadd.s32 v23, v28;
	v60 =	vadd.s32 $0x2, v31;
	v36 =	vor.u32 v38, v30  }
0x33a: {  	v61 =	vadd.s32 $0x4, v31;
	v42 =	vor.u32 v28, v31;
	v32 =	vand.u32 $0xF, v60  }
0x33b: {  	v40 =	vand.u32 $0xF, v61;
	v39 =	vor.u32 v32, v30;
	v32 =	vor.u32 v28, v32  }
0x33c: {  	v33 =	vor.u32 v28, v34;
	v44 =	vor.u32 v40, v30;
	v37 =	vld.idx.msk [tilespmem:v29+s9+$0x0], $0xffff;
	v29 =	vadd.s32 $0x1, v40  }
0x33d: {  	v62 =	vadd.s32 $0x2, v40;
	v63 =	vadd.s32 $0x4, v40;
	v45 =	vld.idx.msk [tilespmem:v35+s9+$0x0], $0xffff;
	v46 =	vand.u32 $0xF, v29  }
0x33e: {  	v41 =	vand.u32 $0xF, v62;
	v31 =	vadd.s32 $0x3, v40;
	v50 =	vld.idx.msk [tilespmem:v36+s9+$0x0], $0xffff;
	v51 =	vor.u32 v46, v30  }
0x33f: {  	v38 =	vor.u32 v28, v38;
	v34 =	vor.u32 v41, v30;
	v35 =	vand.u32 $0xF, v31  }
0x340: {  	v31 =	vor.u32 v28, v41;
	v41 =	vld.idx.msk [tilespmem:v39+s9+$0x0], $0xffff;
	v36 =	vand.u32 $0xF, v63;
	v43 =	vor.u32 v35, v30;
	v29 =	vpop (erf)  }
0x341: {  	v47 =	vadd.s32 $0x3, v36;
	v39 =	vor.u32 v28, v46;
	v48 =	vmul.f32 v37, v29  }
0x342: {  	v37 =	vor.u32 v28, v40;
	v40 =	vld.idx.msk [tilespmem:v44+s9+$0x0], $0xffff;
	v44 =	vor.u32 v36, v30;
	v46 =	vmul.f32 v45, v29  }
0x343: {  	s10 =	simm.s32 $0x8;
	v49 =	vadd.s32 $0x1, v36;
	v45 =	vmul.f32 v50, v29;
	[tilespmem:v42+s31+$0x0] =	vst.idx.msk $0xffff, v48;
	v48 =	vadd.s32 $0x2, v36;
	v42 =	vld.idx.msk [tilespmem:v51+s9+$0x0], $0xffff  }
.LBB2_33:
0x344: {  	v49 =	vand.u32 $0xF, v49;
	v48 =	vand.u32 $0xF, v48;
	v50 =	vand.u32 $0xF, v47  }
0x345: {  	s10 =	sadd.s32 $0x4, s10;
	v51 =	vld.idx.msk [tilespmem:v43+s9+$0x0], $0xffff;
	[tilespmem:v33+s31+$0x0] =	vst.idx.msk $0xffff, v46;
	v52 =	vmovc v31;
	v46 =	vmov v41;
	v53 =	vmov v37;
	v33 =	vmov v39  }
0x346: {  	p2 =	slt.u32 s10, $0xC;
	v54 =	vor.u32 v49, v30;
	v31 =	vor.u32 v28, v48;
	v41 =	vld.idx.msk [tilespmem:v34+s9+$0x0], $0xffff;
	v34 =	vor.u32 v48, v30  }
.Ltmp16:
0x347: {  	v43 =	vor.u32 v50, v30;
	v48 =	vmul.f32 v40, v29;
	v46 =	vmul.f32 v46, v29;
	(pc) =	sbr.rel @p2 .LBB2_33-.Ltmp16, $4  }
0x348: {  	v37 =	vor.u32 v28, v36;
	v36 =	vadd.s32 $0x4, v36;
	v40 =	vld.idx.msk [tilespmem:v44+s9+$0x0], $0xffff;
	[tilespmem:v38+s31+$0x0] =	vst.idx.msk $0xffff, v45  }
0x349: {  	v39 =	vor.u32 v28, v49;
	v36 =	vand.u32 $0xF, v36;
	v38 =	vor.u32 v28, v35;
	[tilespmem:v32+s31+$0x0] =	vst.idx.msk $0xffff, v46  }
0x34a: {  	v47 =	vadd.s32 $0x3, v36;
	v44 =	vor.u32 v36, v30;
	v46 =	vmul.f32 v42, v29;
	[tilespmem:v53+s31+$0x0] =	vst.idx.msk $0xffff, v48  }
0x34b: {  	v49 =	vadd.s32 $0x1, v36;
	v35 =	vmovc v50;
	v32 =	vmovc v52;
	v48 =	vadd.s32 $0x2, v36;
	v45 =	vmul.f32 v51, v29;
	v42 =	vld.idx.msk [tilespmem:v54+s9+$0x0], $0xffff  }
0x34c: {  	_ = 	snop  }
0x34d: {  	v49 =	vand.u32 $0xF, v49  }
0x34e: {  	v47 =	vand.u32 $0xF, v47;
	v50 =	vor.u32 v49, v30  }
0x34f: {  	v48 =	vand.u32 $0xF, v48;
	v51 =	vor.u32 v47, v30  }
0x350: {  	v43 =	vld.idx.msk [tilespmem:v43+s9+$0x0], $0xffff;
	v63 =	vor.u32 v48, v30  }
0x351: {  	v34 =	vld.idx.msk [tilespmem:v34+s9+$0x0], $0xffff  }
0x352: {  	[tilespmem:v33+s31+$0x0] =	vst.idx.msk $0xffff, v46;
	v46 =	vmul.f32 v41, v29;
	v52 =	vld.idx.msk [tilespmem:v44+s9+$0x0], $0xffff;
	v35 =	vor.u32 v28, v35  }
0x353: {  	v40 =	vmul.f32 v40, v29;
	[tilespmem:v38+s31+$0x0] =	vst.idx.msk $0xffff, v45;
	v53 =	vld.idx.msk [tilespmem:v50+s9+$0x0], $0xffff  }
0x354: {  	v36 =	vor.u32 v28, v36;
	[tilespmem:v32+s31+$0x0] =	vst.idx.msk $0xffff, v46;
	v54 =	vmul.f32 v42, v29;
	v55 =	vld.idx.msk [tilespmem:v51+s9+$0x0], $0xffff  }
0x355: {  	v56 =	vor.u32 v28, v49;
	[tilespmem:v37+s31+$0x0] =	vst.idx.msk $0xffff, v40;
	v57 =	vmul.f32 v43, v29;
	v30 =	vld.idx.msk [tilespmem:v63+s9+$0x0], $0xffff  }
0x356: {  	v59 =	vor.u32 v28, v47;
	v58 =	vmul.f32 v34, v29;
	[tilespmem:v39+s31+$0x0] =	vst.idx.msk $0xffff, v54  }
0x357: {  	v61 =	vor.u32 s24, v26;
	s24 =	sadd.s32 $0x1, s24;
	v28 =	vor.u32 v28, v48;
	v60 =	vmul.f32 v52, v29;
	[tilespmem:v35+s31+$0x0] =	vst.idx.msk $0xffff, v57  }
0x358: {  	p2 =	sne.s32 s24, $0x8;
	v63 =	vadd.s32 v27, v61;
	[tilespmem:v31+s31+$0x0] =	vst.idx.msk $0xffff, v58;
	v62 =	vmul.f32 v53, v29  }
.Ltmp17:
0x359: {  	[tilespmem:v36+s31+$0x0] =	vst.idx.msk $0xffff, v60;
	v33 =	vmul.f32 v55, v29;
	(pc) =	sbr.rel @p2 .LBB2_30-.Ltmp17, $4  }
0x35a: {  	v30 =	vmul.f32 v30, v29;
	[tilespmem:v56+s31+$0x0] =	vst.idx.msk $0xffff, v62  }
0x35b: {  	[tilespmem:v59+s31+$0x0] =	vst.idx.msk $0xffff, v33  }
0x35c: {  	[tilespmem:v28+s31+$0x0] =	vst.idx.msk $0xffff, v30  }
0x35d: {  	[tilespmem:v63+s31+$0x0] =	vst.idx.msk $0xffff, v29  }
.Ltmp18:
0x35e: {  	(pc) =	sbr.rel @p1 .LBB2_29-.Ltmp18, $2  }
0x35f: {  	_ =	sdelay $0x2  }
0x360: {  	s10 =	simm.s32 $0x10;
	p2 =	por $0x0, $0x0  }
.Ltmp19:
0x361: {  	(pc) =	sbr.rel @p0 .LBB2_38-.Ltmp19, $2  }
0x362: {  	_ =	sdelay $0x2  }
0x363: {  	[spmem:s2] =	stream.indirect.scatter.add.f32 [tilespmem:s31], [sflag:$0x6], $0x80, s0, s25, $0xb8;
	[tilespmem:$0x1F900] =	vst v63  }
0x364: {  	_ =	swait.ge [sflag:s3], $0x20  }
0x365: {  	[sflag:s3] =	ssyncset.done $0x0  }
0x366: {  	[sflag:s3] =	ssyncadd.s32 $0xFFFFFFE0  }
0x367: {  	_ =	swait.ge [sflag:s3], $0x20  }
0x368: {  	[sflag:s3] =	ssyncset.done $0x0  }
0x369: {  	s10 =	simm.s32 $0x280;
	[sflag:s3] =	ssyncadd.s32 $0xFFFFFFE0  }
0x36a: {  	[tilespmem:s8], [sflag:$0x2] =	stream.indirect.gather [hbm4b:s5+s26], $0x80, s10, s26, $0xb8;
	[tilespmem:$0x1F900] =	vst v63  }
0x36b: {  	v23 =	vld [tilespmem:$0x80];
	_ =	sdelay $0x4  }
0x36c: {  	v24 =	vshll.u32 v23, $0x1  }
0x36d: {  	v23 =	vand.u32 $0x7, v23;
	v24 =	vand.u32 $0xFFFFFFF0, v24  }
0x36e: {  	v23 =	vor.u32 v23, v24  }
0x36f: {  	v24 =	vperm.xlane v23, v2;
	_ =	sdelay $0x1  }
0x370: {  	v23 =	vperm.xlane v23, v4;
	v24 =	vadd.s32 v3, v24;
	_ =	sdelay $0x1  }
0x371: {  	v23 =	vadd.s32 v3, v23;
	_ =	sdelay $0x2  }
0x372: {  	[tilespmem:s9], [sflag:$0x4] =	stream.indirect_vreg.gather [hbm4b:s6+s4], $0x80, v24, vm0, $0xb8;
	[tilespmem:$0x1F900] =	vst v63  }
0x373: {  	s12 =	simm.s32 $0x4D00  }
0x374: {  	[tilespmem:s12], [sflag:$0x4] =	stream.indirect_vreg.gather [hbm4b:s6+s4], $0x80, v23, vm0, $0xb8;
	[tilespmem:$0x1F900] =	vst v63  }
0x375: {  	v23 =	vld [tilespmem:$0x90];
	_ =	sdelay $0x4  }
0x376: {  	v63 =	vshll.u32 v23, $0x1  }
0x377: {  	v23 =	vand.u32 $0x7, v23;
	v24 =	vand.u32 $0xFFFFFFF0, v63  }
0x378: {  	v23 =	vor.u32 v23, v24  }
0x379: {  	v24 =	vperm.xlane v23, v2;
	_ =	sdelay $0x1  }
0x37a: {  	v23 =	vperm.xlane v23, v4;
	v24 =	vadd.s32 v3, v24;
	_ =	sdelay $0x1  }
0x37b: {  	v23 =	vadd.s32 v3, v23;
	_ =	sdelay $0x1  }
0x37c: {  	s24 =	simm.s32 $0x5500;
	s12 =	rddreg [dreg:$0xf]  }
0x37d: {  	[tilespmem:s24], [sflag:$0x4] =	stream.indirect_vreg.gather [hbm4b:s6+s4], $0x80, v24, vm0, $0xb8;
	[tilespmem:$0x1F900] =	vst v63  }
0x37e: {  	s11 =	simm.s32 $0x5D00;
	s10 =	sadd.s32 s18, s12  }
0x37f: {  	[tilespmem:s11], [sflag:$0x4] =	stream.indirect_vreg.gather [hbm4b:s6+s4], $0x80, v23, vm0, $0xb8;
	[tilespmem:$0x1F900] =	vst v63  }
.Ltmp20:
0x380: {  	s10 =	sshrl.u32 s10, $0x3;
	(pc) =	sbr.rel .LBB2_4-.Ltmp20, $4  }
0x381: {  	s12 =	simm.s32 $0x180;
	s11 =	sadd.s32 s1, s10  }
0x382: {  	[tilespmem:s12], [sflag:$0xA] =	stream.linear.gather [hbm4b:s11+s4], $0x20, $0x38;
	[tilespmem:$0x1F900] =	vst v63  }
0x383: {  	s17 =	sadd.s32 $0x1, s17;
	s24 =	simm.s32 $0x380;
	s10 =	sadd.s32 s7, s10  }
0x384: {  	[tilespmem:s24], [sflag:$0xA] =	stream.linear.gather [hbm4b:s10+s4], $0x20, $0x38;
	[tilespmem:$0x1F900] =	vst v63  }
.LBB2_39:
0x385: {  	_ =	sfence.sel $0x180000  }
0x386: {  	[bflag:$0x0] =	sbarrier.arrive $0xFFFF  }
0x387: {  	_ =	strace $0x90000047  }
0x388: {  	s0 =	stileid.u32;
	[bflag:$0x2] =	sbarrier.arrive $0xFFFF  }
0x389: {  	p0 =	sne.s32 s0, $0x0;
	s0 =	rddreg [dreg:$0x3]  }
0x38a: {  	s0 =	sadd.s32 @!p0 $0x100000, s0  }
0x38b: {  	[sflag:s0] =	ssyncadd.tile.s32 @!p0 $0x1;
	_ =	shalt  }
.Lfunc_end2:
_tile_overlayer_lowered:
.L_overlay_start_2:
0x38c: {  	(tag) =	ssettag $0x2  }
0x38d: {  	s0 =	rddreg [dreg:$0x0];
	s2 =	stileid.u32  }
0x38e: {  	s1 =	rddreg [dreg:$0x1];
	p0 =	sne.s32 s2, $0x0  }
0x38f: {  	s3 =	rddreg [dreg:$0x2];
	[bflag:$0x3] =	sbarrier.arrive $0xFFFF;
	s2 =	simm.s32 @!p0 $0x1C0B  }
0x390: {  	[timem:s3], [sflag:s2] =	dma.local @!p0 [hbm:s0], s1  }
0x391: {  	s0 =	simm.s32 @!p0 $0xB  }
0x392: {  	_ =	swait.ge @!p0 [sflag:s0], s1  }
0x393: {  	s1 =	ssub.s32 @!p0 $0x0, s1;
	[sflag:s0] =	ssyncset.done @!p0 $0x0  }
0x394: {  	[sflag:s0] =	ssyncadd.s32 @!p0 s1  }
0x395: {  	[bflag:$0x3] =	sbarrier.arrive $0xFFFF  }
0x396: {  	_ =	shalt  }

</sc_bundles>
